<compile_context>
chip_gen: v7x
topology: tpu7x:2x2x1
jax: 0.10.2.dev20260603
libtpu: 0.0.44.dev20260713+nightly
codegen_flags: <defaults>
</compile_context>

<pallas_src>
import functools

import jax
import jax.numpy as jnp
from jax import lax
from jax.experimental import pallas as pl
from jax.experimental.pallas import tpu as pltpu
from jax.experimental.pallas import tpu_sc as plsc

_VOCAB = 1000000
_N_FIXED = 500000
_VEC = 32
_WORD_DIM = 64
_OUT_DIM = 64

_NC = 2
_NS = 16
_NW = _NC * _NS
_CHUNK = 128


_NDESC = 25
_WAVE = _NDESC * _CHUNK
_NWAVE = 2


def _sc_gather(B_L):
  per_w = B_L // _NW
  assert per_w == _WAVE * _NWAVE
  nrow = per_w // _CHUNK

  mesh = plsc.VectorSubcoreMesh(
      core_axis_name="c", subcore_axis_name="s",
      num_cores=_NC, num_subcores=_NS)

  out_t = jax.ShapeDtypeStruct((B_L, _VEC), jnp.float32)

  @functools.partial(
      pl.kernel,
      out_type=(out_t, out_t, out_t),
      mesh=mesh,
      compiler_params=pltpu.CompilerParams(use_tc_tiling_on_sc=False),
      scratch_types=[
          pltpu.VMEM((nrow, _CHUNK), jnp.int32),
          pltpu.VMEM((nrow, _CHUNK), jnp.int32),
          pltpu.VMEM((nrow, _CHUNK), jnp.int32),
          pltpu.VMEM((_WAVE, _VEC), jnp.float32),
          pltpu.SemaphoreType.DMA,
      ],
  )
  def sc_fn(idxf_hbm, idxt_hbm, idxr_hbm, fixed_hbm, tuned_hbm, tv_hbm,
            rf_out, rt_out, tv_out,
            idxf_v, idxt_v, idxr_v, buf, gsem):
    wid = lax.axis_index("s") * _NC + lax.axis_index("c")
    base = wid * per_w
    pltpu.sync_copy(idxf_hbm.at[wid], idxf_v)
    pltpu.sync_copy(idxt_hbm.at[wid], idxt_v)
    pltpu.sync_copy(idxr_hbm.at[wid], idxr_v)

    passes = [(fixed_hbm, idxf_v, rf_out),
              (tuned_hbm, idxt_v, rt_out),
              (tv_hbm, idxr_v, tv_out)]

    for tab, idx2, out in passes:
      for w in range(_NWAVE):
        @pl.loop(0, _NDESC)
        def _fire(d, tab=tab, idx2=idx2, w=w):
          pltpu.async_copy(tab.at[idx2.at[w * _NDESC + d]],
                           buf.at[pl.ds(d * _CHUNK, _CHUNK)], gsem)

        @pl.loop(0, _NDESC)
        def _drain(d, tab=tab, idx2=idx2, w=w):
          pltpu.make_async_copy(tab.at[idx2.at[w * _NDESC + d]],
                                buf.at[pl.ds(d * _CHUNK, _CHUNK)], gsem).wait()

        pltpu.sync_copy(buf, out.at[pl.ds(base + w * _WAVE, _WAVE)])

  return sc_fn


def _tc_project(B_L, tb):
  grid = B_L // tb

  def body(x_ref, rf_ref, rt_ref, tv_ref, w1_ref, w2_ref, out_ref):
    is_fixed = x_ref[...] < _N_FIXED
    first = jnp.where(is_fixed, rf_ref[...], rt_ref[...])
    out_ref[...] = (
        jnp.dot(first, w1_ref[...], preferred_element_type=jnp.float32)
        + jnp.dot(tv_ref[...], w2_ref[...], preferred_element_type=jnp.float32))

  return pl.pallas_call(
      body,
      grid=(grid,),
      in_specs=[
          pl.BlockSpec((tb, 1), lambda i: (i, 0)),
          pl.BlockSpec((tb, _VEC), lambda i: (i, 0)),
          pl.BlockSpec((tb, _VEC), lambda i: (i, 0)),
          pl.BlockSpec((tb, _VEC), lambda i: (i, 0)),
          pl.BlockSpec((_VEC, _OUT_DIM), lambda i: (0, 0)),
          pl.BlockSpec((_VEC, _OUT_DIM), lambda i: (0, 0)),
      ],
      out_specs=pl.BlockSpec((tb, _OUT_DIM), lambda i: (i, 0)),
      out_shape=jax.ShapeDtypeStruct((B_L, _OUT_DIM), jnp.float32),
  )


@jax.jit
def kernel(X, fixed_weight, tuned_weight, tuned_vector, W_lin):
  B, Lseq = X.shape
  B_L = B * Lseq

  xf = X.reshape(-1)
  per_w = B_L // _NW
  nrow = per_w // _CHUNK
  idx_f = jnp.minimum(xf, _N_FIXED - 1).reshape(_NW, nrow, _CHUNK)
  idx_t = jnp.maximum(xf - _N_FIXED, 0).reshape(_NW, nrow, _CHUNK)
  idx_r = xf.reshape(_NW, nrow, _CHUNK)

  rf, rt, tv = _sc_gather(B_L)(
      idx_f, idx_t, idx_r, fixed_weight, tuned_weight, tuned_vector)

  w1 = W_lin[:, :_VEC].T
  w2 = W_lin[:, _VEC:].T
  out = _tc_project(B_L, 2048)(xf.reshape(B_L, 1), rf, rt, tv, w1, w2)
  return out.reshape(B, Lseq, _OUT_DIM)

# --- scband reference (transcript-rebuilt; emitter-appended) ---
"""Pipeline reference for scband-partially-fixed-embedding-42305427865812 (READ-ONLY COPY).

The authoritative reference and input builder live on the scoring server;
editing this copy changes nothing except your own understanding.
"""

import jax, jax.numpy as jnp
import numpy as np

VOCAB = 1000000
N_FIXED = 500000
VEC = 32          # vector_size (pretrained embedding width)
WORD_DIM = 64     # requested word_dim -> add_dim = WORD_DIM - VEC = 32
OUT_DIM = 64      # linear projection output
B, L = 4096, 50


def setup_inputs(seed: int = 0) -> dict:
    key = jax.random.key(seed)
    k1, k2, k3, k4, k5 = jax.random.split(key, 5)
    X = jax.random.randint(k1, (B, L), 0, VOCAB, dtype=jnp.int32)
    # fixed (pretrained, frozen) part of the table
    fixed_weight = jax.random.normal(k2, (N_FIXED, VEC), dtype=jnp.float32) * 0.05
    # tuned rows (kaiming-uniform in torch; scaled normal is fine for a reference)
    tuned_weight = jax.random.normal(k3, (VOCAB - N_FIXED, VEC), dtype=jnp.float32) * 0.05
    # extra tuned dimensions appended to every row (add_dim = WORD_DIM - VEC)
    tuned_vector = jax.random.normal(k4, (VOCAB, WORD_DIM - VEC), dtype=jnp.float32) * 0.05
    # nn.Linear(WORD_DIM, OUT_DIM, bias=False): weight stored as [out, in]
    W_lin = jax.random.normal(k5, (OUT_DIM, WORD_DIM), dtype=jnp.float32) * 0.05
    return {"X": X, "fixed_weight": fixed_weight, "tuned_weight": tuned_weight,
            "tuned_vector": tuned_vector, "W_lin": W_lin}


def reference(X, fixed_weight, tuned_weight, tuned_vector, W_lin):
    # full_weight(): weight[:n_fixed] = fixed (buffer), weight[n_fixed:] = tuned_weight,
    # then cat with tuned_vector along last dim -> [VOCAB, WORD_DIM]
    weight = jnp.concatenate([fixed_weight, tuned_weight], axis=0)
    full = jnp.concatenate([weight, tuned_vector], axis=-1)
    # X is integer -> embedding lookup path
    word_emb = jnp.take(full, X, axis=0)           # [B, L, WORD_DIM]
    out = word_emb @ W_lin.T                        # [B, L, OUT_DIM]
    return out

if __name__ == "__main__":
    import jax
    _d = setup_inputs()
    print(jax.jit(kernel)(*tuple(_d.values())))

</pallas_src>

<mosaic_0001>
#map = affine_map<(d0, d1) -> (0, 0, 0)>
#map1 = affine_map<(d0, d1) -> (0, 0)>
module attributes {stable_mosaic.version = 14 : i64} {
  func.func @sc_fn(%arg0: i32, %arg1: i32, %arg2: memref<32x50x128xi32, #tpu.memory_space<hbm>>, %arg3: memref<32x50x128xi32, #tpu.memory_space<hbm>>, %arg4: memref<32x50x128xi32, #tpu.memory_space<hbm>>, %arg5: memref<500000x32xf32, #tpu.memory_space<hbm>>, %arg6: memref<500000x32xf32, #tpu.memory_space<hbm>>, %arg7: memref<1000000x32xf32, #tpu.memory_space<hbm>>, %arg8: memref<204800x32xf32, #tpu.memory_space<hbm>>, %arg9: memref<204800x32xf32, #tpu.memory_space<hbm>>, %arg10: memref<204800x32xf32, #tpu.memory_space<hbm>>, %arg11: memref<50x128xi32, #tpu.memory_space<vmem>>, %arg12: memref<50x128xi32, #tpu.memory_space<vmem>>, %arg13: memref<50x128xi32, #tpu.memory_space<vmem>>, %arg14: memref<3200x32xf32, #tpu.memory_space<vmem>>, %arg15: memref<!tpu.dma_semaphore, #tpu.memory_space<semaphore_mem>>) attributes {dimension_semantics = [#tpu.dimension_semantics<core_parallel>, #tpu.dimension_semantics<subcore_parallel>], iteration_bounds = array<i64: 2, 16>, scalar_prefetch = 0 : i64, scratch_operands = 5 : i64, tpu.core_type = #tpu.core_type<sc_vector_subcore>, window_params = [{transform_indices = #map}, {transform_indices = #map}, {transform_indices = #map}, {transform_indices = #map1}, {transform_indices = #map1}, {transform_indices = #map1}, {transform_indices = #map1}, {transform_indices = #map1}, {transform_indices = #map1}]} {
    %mul3A = arith.constant 2 : i32
    %mul3A_0 = arith.muli %arg1, %mul3A : i32
    %add3A = arith.addi %mul3A_0, %arg0 : i32
    %mul3A_1 = arith.constant 6400 : i32
    %mul3A_2 = arith.muli %add3A, %mul3A_1 : i32
    "tpu.region"() ({
      %run_scoped3A = tpu.sem_alloc : memref<!tpu.dma_semaphore, #tpu.memory_space<semaphore_mem>>
      %dma_start3A = arith.constant 0 : i32
      %dma_start3A_74 = arith.constant 0 : i32
      %dma_start3A_75 = tpu.memref_slice %arg2[%add3A, %dma_start3A, %dma_start3A_74] : memref<32x50x128xi32, #tpu.memory_space<hbm>> -> memref<1x50x128xi32, #tpu.memory_space<hbm>>
      %dma_start3A_76 = tpu.memref_squeeze %dma_start3A_75 : memref<1x50x128xi32, #tpu.memory_space<hbm>> -> memref<50x128xi32, #tpu.memory_space<hbm>>
      %dma_start3A_77 = arith.constant 0 : i32
      %dma_start3A_78 = arith.constant 0 : i32
      %dma_start3A_79 = tpu.memref_slice %arg2[%add3A, %dma_start3A_77, %dma_start3A_78] : memref<32x50x128xi32, #tpu.memory_space<hbm>> -> memref<1x50x128xi32, #tpu.memory_space<hbm>>
      %dma_start3A_80 = tpu.memref_squeeze %dma_start3A_79 : memref<1x50x128xi32, #tpu.memory_space<hbm>> -> memref<50x128xi32, #tpu.memory_space<hbm>>
      tpu.enqueue_dma source(%dma_start3A_80 : memref<50x128xi32, #tpu.memory_space<hbm>>) target(%arg11 : memref<50x128xi32, #tpu.memory_space<vmem>>) target_semaphore(%run_scoped3A : memref<!tpu.dma_semaphore, #tpu.memory_space<semaphore_mem>>)
      %dma_wait3A = arith.constant 0 : i32
      %dma_wait3A_81 = arith.constant 0 : i32
      %dma_wait3A_82 = tpu.memref_slice %arg2[%add3A, %dma_wait3A, %dma_wait3A_81] : memref<32x50x128xi32, #tpu.memory_space<hbm>> -> memref<1x50x128xi32, #tpu.memory_space<hbm>>
      %dma_wait3A_83 = tpu.memref_squeeze %dma_wait3A_82 : memref<1x50x128xi32, #tpu.memory_space<hbm>> -> memref<50x128xi32, #tpu.memory_space<hbm>>
      %dma_wait3A_84 = arith.constant 0 : i32
      %dma_wait3A_85 = arith.constant 0 : i32
      %dma_wait3A_86 = tpu.memref_slice %arg2[%add3A, %dma_wait3A_84, %dma_wait3A_85] : memref<32x50x128xi32, #tpu.memory_space<hbm>> -> memref<1x50x128xi32, #tpu.memory_space<hbm>>
      %dma_wait3A_87 = tpu.memref_squeeze %dma_wait3A_86 : memref<1x50x128xi32, #tpu.memory_space<hbm>> -> memref<50x128xi32, #tpu.memory_space<hbm>>
      tpu.wait_dma2 semaphore(%run_scoped3A : memref<!tpu.dma_semaphore, #tpu.memory_space<semaphore_mem>>) src(%dma_wait3A_87 : memref<50x128xi32, #tpu.memory_space<hbm>>) dst(%arg11 : memref<50x128xi32, #tpu.memory_space<vmem>>)
      tpu.yield
    }) : () -> ()
    "tpu.region"() ({
      %run_scoped3A = tpu.sem_alloc : memref<!tpu.dma_semaphore, #tpu.memory_space<semaphore_mem>>
      %dma_start3A = arith.constant 0 : i32
      %dma_start3A_74 = arith.constant 0 : i32
      %dma_start3A_75 = tpu.memref_slice %arg3[%add3A, %dma_start3A, %dma_start3A_74] : memref<32x50x128xi32, #tpu.memory_space<hbm>> -> memref<1x50x128xi32, #tpu.memory_space<hbm>>
      %dma_start3A_76 = tpu.memref_squeeze %dma_start3A_75 : memref<1x50x128xi32, #tpu.memory_space<hbm>> -> memref<50x128xi32, #tpu.memory_space<hbm>>
      %dma_start3A_77 = arith.constant 0 : i32
      %dma_start3A_78 = arith.constant 0 : i32
      %dma_start3A_79 = tpu.memref_slice %arg3[%add3A, %dma_start3A_77, %dma_start3A_78] : memref<32x50x128xi32, #tpu.memory_space<hbm>> -> memref<1x50x128xi32, #tpu.memory_space<hbm>>
      %dma_start3A_80 = tpu.memref_squeeze %dma_start3A_79 : memref<1x50x128xi32, #tpu.memory_space<hbm>> -> memref<50x128xi32, #tpu.memory_space<hbm>>
      tpu.enqueue_dma source(%dma_start3A_80 : memref<50x128xi32, #tpu.memory_space<hbm>>) target(%arg12 : memref<50x128xi32, #tpu.memory_space<vmem>>) target_semaphore(%run_scoped3A : memref<!tpu.dma_semaphore, #tpu.memory_space<semaphore_mem>>)
      %dma_wait3A = arith.constant 0 : i32
      %dma_wait3A_81 = arith.constant 0 : i32
      %dma_wait3A_82 = tpu.memref_slice %arg3[%add3A, %dma_wait3A, %dma_wait3A_81] : memref<32x50x128xi32, #tpu.memory_space<hbm>> -> memref<1x50x128xi32, #tpu.memory_space<hbm>>
      %dma_wait3A_83 = tpu.memref_squeeze %dma_wait3A_82 : memref<1x50x128xi32, #tpu.memory_space<hbm>> -> memref<50x128xi32, #tpu.memory_space<hbm>>
      %dma_wait3A_84 = arith.constant 0 : i32
      %dma_wait3A_85 = arith.constant 0 : i32
      %dma_wait3A_86 = tpu.memref_slice %arg3[%add3A, %dma_wait3A_84, %dma_wait3A_85] : memref<32x50x128xi32, #tpu.memory_space<hbm>> -> memref<1x50x128xi32, #tpu.memory_space<hbm>>
      %dma_wait3A_87 = tpu.memref_squeeze %dma_wait3A_86 : memref<1x50x128xi32, #tpu.memory_space<hbm>> -> memref<50x128xi32, #tpu.memory_space<hbm>>
      tpu.wait_dma2 semaphore(%run_scoped3A : memref<!tpu.dma_semaphore, #tpu.memory_space<semaphore_mem>>) src(%dma_wait3A_87 : memref<50x128xi32, #tpu.memory_space<hbm>>) dst(%arg12 : memref<50x128xi32, #tpu.memory_space<vmem>>)
      tpu.yield
    }) : () -> ()
    "tpu.region"() ({
      %run_scoped3A = tpu.sem_alloc : memref<!tpu.dma_semaphore, #tpu.memory_space<semaphore_mem>>
      %dma_start3A = arith.constant 0 : i32
      %dma_start3A_74 = arith.constant 0 : i32
      %dma_start3A_75 = tpu.memref_slice %arg4[%add3A, %dma_start3A, %dma_start3A_74] : memref<32x50x128xi32, #tpu.memory_space<hbm>> -> memref<1x50x128xi32, #tpu.memory_space<hbm>>
      %dma_start3A_76 = tpu.memref_squeeze %dma_start3A_75 : memref<1x50x128xi32, #tpu.memory_space<hbm>> -> memref<50x128xi32, #tpu.memory_space<hbm>>
      %dma_start3A_77 = arith.constant 0 : i32
      %dma_start3A_78 = arith.constant 0 : i32
      %dma_start3A_79 = tpu.memref_slice %arg4[%add3A, %dma_start3A_77, %dma_start3A_78] : memref<32x50x128xi32, #tpu.memory_space<hbm>> -> memref<1x50x128xi32, #tpu.memory_space<hbm>>
      %dma_start3A_80 = tpu.memref_squeeze %dma_start3A_79 : memref<1x50x128xi32, #tpu.memory_space<hbm>> -> memref<50x128xi32, #tpu.memory_space<hbm>>
      tpu.enqueue_dma source(%dma_start3A_80 : memref<50x128xi32, #tpu.memory_space<hbm>>) target(%arg13 : memref<50x128xi32, #tpu.memory_space<vmem>>) target_semaphore(%run_scoped3A : memref<!tpu.dma_semaphore, #tpu.memory_space<semaphore_mem>>)
      %dma_wait3A = arith.constant 0 : i32
      %dma_wait3A_81 = arith.constant 0 : i32
      %dma_wait3A_82 = tpu.memref_slice %arg4[%add3A, %dma_wait3A, %dma_wait3A_81] : memref<32x50x128xi32, #tpu.memory_space<hbm>> -> memref<1x50x128xi32, #tpu.memory_space<hbm>>
      %dma_wait3A_83 = tpu.memref_squeeze %dma_wait3A_82 : memref<1x50x128xi32, #tpu.memory_space<hbm>> -> memref<50x128xi32, #tpu.memory_space<hbm>>
      %dma_wait3A_84 = arith.constant 0 : i32
      %dma_wait3A_85 = arith.constant 0 : i32
      %dma_wait3A_86 = tpu.memref_slice %arg4[%add3A, %dma_wait3A_84, %dma_wait3A_85] : memref<32x50x128xi32, #tpu.memory_space<hbm>> -> memref<1x50x128xi32, #tpu.memory_space<hbm>>
      %dma_wait3A_87 = tpu.memref_squeeze %dma_wait3A_86 : memref<1x50x128xi32, #tpu.memory_space<hbm>> -> memref<50x128xi32, #tpu.memory_space<hbm>>
      tpu.wait_dma2 semaphore(%run_scoped3A : memref<!tpu.dma_semaphore, #tpu.memory_space<semaphore_mem>>) src(%dma_wait3A_87 : memref<50x128xi32, #tpu.memory_space<hbm>>) dst(%arg13 : memref<50x128xi32, #tpu.memory_space<vmem>>)
      tpu.yield
    }) : () -> ()
    %scan3A = arith.constant 0 : i32
    %scan3A_3 = arith.constant 25 : i32
    %scan3A_4 = arith.addi %scan3A, %scan3A_3 : i32
    %scan3A_5 = arith.constant 1 : i32
    scf.for %scan3A_74 = %scan3A to %scan3A_4 step %scan3A_5  : i32 {
      %mul3A_75 = arith.constant 1 : i32
      %mul3A_76 = arith.muli %scan3A_74, %mul3A_75 : i32
      %add3A_77 = arith.constant 0 : i32
      %add3A_78 = arith.addi %add3A_77, %mul3A_76 : i32
      %add3A_79 = arith.constant 0 : i32
      %add3A_80 = arith.addi %add3A_79, %add3A_78 : i32
      %mul3A_81 = arith.constant 128 : i32
      %mul3A_82 = arith.muli %add3A_78, %mul3A_81 : i32
      %dma_start3A = arith.constant 0 : i32
      %dma_start3A_83 = tpu.memref_slice %arg14[%mul3A_82, %dma_start3A] : memref<3200x32xf32, #tpu.memory_space<vmem>> -> memref<128x32xf32, #tpu.memory_space<vmem>>
      %dma_start3A_84 = arith.constant 0 : i32
      %dma_start3A_85 = tpu.memref_slice %arg11[%add3A_80, %dma_start3A_84] : memref<50x128xi32, #tpu.memory_space<vmem>> -> memref<1x128xi32, #tpu.memory_space<vmem>>
      %dma_start3A_86 = tpu.memref_squeeze %dma_start3A_85 : memref<1x128xi32, #tpu.memory_space<vmem>> -> memref<128xi32, #tpu.memory_space<vmem>>
      %dma_start3A_87 = arith.constant 0 : i32
      %dma_start3A_88 = arith.constant 0 : i32
      %dma_start3A_89 = tpu.memref_slice %arg5[%dma_start3A_87, %dma_start3A_88] : memref<500000x32xf32, #tpu.memory_space<hbm>> -> memref<500000x32xf32, #tpu.memory_space<hbm>>
      tpu.enqueue_indirect_dma source(%dma_start3A_89 : memref<500000x32xf32, #tpu.memory_space<hbm>>) target(%dma_start3A_83 : memref<128x32xf32, #tpu.memory_space<vmem>>) offsets(%dma_start3A_86 : memref<128xi32, #tpu.memory_space<vmem>>) semaphore(%arg15 : memref<!tpu.dma_semaphore, #tpu.memory_space<semaphore_mem>>)
    }
    %scan3A_6 = arith.constant 25 : i32
    %scan3A_7 = arith.constant 0 : i32
    %scan3A_8 = arith.constant 25 : i32
    %scan3A_9 = arith.addi %scan3A_7, %scan3A_8 : i32
    %scan3A_10 = arith.constant 1 : i32
    scf.for %scan3A_74 = %scan3A_7 to %scan3A_9 step %scan3A_10  : i32 {
      %mul3A_75 = arith.constant 1 : i32
      %mul3A_76 = arith.muli %scan3A_74, %mul3A_75 : i32
      %add3A_77 = arith.constant 0 : i32
      %add3A_78 = arith.addi %add3A_77, %mul3A_76 : i32
      %add3A_79 = arith.constant 0 : i32
      %add3A_80 = arith.addi %add3A_79, %add3A_78 : i32
      %mul3A_81 = arith.constant 128 : i32
      %mul3A_82 = arith.muli %add3A_78, %mul3A_81 : i32
      %dma_wait3A = arith.constant 0 : i32
      %dma_wait3A_83 = tpu.memref_slice %arg14[%mul3A_82, %dma_wait3A] : memref<3200x32xf32, #tpu.memory_space<vmem>> -> memref<128x32xf32, #tpu.memory_space<vmem>>
      %dma_wait3A_84 = arith.constant 0 : i32
      %dma_wait3A_85 = tpu.memref_slice %arg11[%add3A_80, %dma_wait3A_84] : memref<50x128xi32, #tpu.memory_space<vmem>> -> memref<1x128xi32, #tpu.memory_space<vmem>>
      %dma_wait3A_86 = tpu.memref_squeeze %dma_wait3A_85 : memref<1x128xi32, #tpu.memory_space<vmem>> -> memref<128xi32, #tpu.memory_space<vmem>>
      %dma_wait3A_87 = arith.constant 0 : i32
      %dma_wait3A_88 = arith.constant 0 : i32
      %dma_wait3A_89 = tpu.memref_slice %arg5[%dma_wait3A_87, %dma_wait3A_88] : memref<500000x32xf32, #tpu.memory_space<hbm>> -> memref<500000x32xf32, #tpu.memory_space<hbm>>
      tpu.wait_indirect_dma semaphore(%arg15 : memref<!tpu.dma_semaphore, #tpu.memory_space<semaphore_mem>>) src(%dma_wait3A_89 : memref<500000x32xf32, #tpu.memory_space<hbm>>) dst(%dma_wait3A_83 : memref<128x32xf32, #tpu.memory_space<vmem>>)
    }
    %scan3A_11 = arith.constant 25 : i32
    %add3A_12 = arith.constant 0 : i32
    %add3A_13 = arith.addi %mul3A_2, %add3A_12 : i32
    "tpu.region"() ({
      %run_scoped3A = tpu.sem_alloc : memref<!tpu.dma_semaphore, #tpu.memory_space<semaphore_mem>>
      %dma_start3A = arith.constant 0 : i32
      %dma_start3A_74 = tpu.memref_slice %arg8[%add3A_13, %dma_start3A] : memref<204800x32xf32, #tpu.memory_space<hbm>> -> memref<3200x32xf32, #tpu.memory_space<hbm>>
      %dma_start3A_75 = arith.constant 0 : i32
      %dma_start3A_76 = tpu.memref_slice %arg8[%add3A_13, %dma_start3A_75] : memref<204800x32xf32, #tpu.memory_space<hbm>> -> memref<3200x32xf32, #tpu.memory_space<hbm>>
      tpu.enqueue_dma source(%arg14 : memref<3200x32xf32, #tpu.memory_space<vmem>>) target(%dma_start3A_76 : memref<3200x32xf32, #tpu.memory_space<hbm>>) target_semaphore(%run_scoped3A : memref<!tpu.dma_semaphore, #tpu.memory_space<semaphore_mem>>)
      %dma_wait3A = arith.constant 0 : i32
      %dma_wait3A_77 = tpu.memref_slice %arg8[%add3A_13, %dma_wait3A] : memref<204800x32xf32, #tpu.memory_space<hbm>> -> memref<3200x32xf32, #tpu.memory_space<hbm>>
      %dma_wait3A_78 = arith.constant 0 : i32
      %dma_wait3A_79 = tpu.memref_slice %arg8[%add3A_13, %dma_wait3A_78] : memref<204800x32xf32, #tpu.memory_space<hbm>> -> memref<3200x32xf32, #tpu.memory_space<hbm>>
      tpu.wait_dma2 semaphore(%run_scoped3A : memref<!tpu.dma_semaphore, #tpu.memory_space<semaphore_mem>>) src(%arg14 : memref<3200x32xf32, #tpu.memory_space<vmem>>) dst(%dma_wait3A_79 : memref<3200x32xf32, #tpu.memory_space<hbm>>)
      tpu.yield
    }) : () -> ()
    %scan3A_14 = arith.constant 0 : i32
    %scan3A_15 = arith.constant 25 : i32
    %scan3A_16 = arith.addi %scan3A_14, %scan3A_15 : i32
    %scan3A_17 = arith.constant 1 : i32
    scf.for %scan3A_74 = %scan3A_14 to %scan3A_16 step %scan3A_17  : i32 {
      %mul3A_75 = arith.constant 1 : i32
      %mul3A_76 = arith.muli %scan3A_74, %mul3A_75 : i32
      %add3A_77 = arith.constant 0 : i32
      %add3A_78 = arith.addi %add3A_77, %mul3A_76 : i32
      %add3A_79 = arith.constant 25 : i32
      %add3A_80 = arith.addi %add3A_79, %add3A_78 : i32
      %mul3A_81 = arith.constant 128 : i32
      %mul3A_82 = arith.muli %add3A_78, %mul3A_81 : i32
      %dma_start3A = arith.constant 0 : i32
      %dma_start3A_83 = tpu.memref_slice %arg14[%mul3A_82, %dma_start3A] : memref<3200x32xf32, #tpu.memory_space<vmem>> -> memref<128x32xf32, #tpu.memory_space<vmem>>
      %dma_start3A_84 = arith.constant 0 : i32
      %dma_start3A_85 = tpu.memref_slice %arg11[%add3A_80, %dma_start3A_84] : memref<50x128xi32, #tpu.memory_space<vmem>> -> memref<1x128xi32, #tpu.memory_space<vmem>>
      %dma_start3A_86 = tpu.memref_squeeze %dma_start3A_85 : memref<1x128xi32, #tpu.memory_space<vmem>> -> memref<128xi32, #tpu.memory_space<vmem>>
      %dma_start3A_87 = arith.constant 0 : i32
      %dma_start3A_88 = arith.constant 0 : i32
      %dma_start3A_89 = tpu.memref_slice %arg5[%dma_start3A_87, %dma_start3A_88] : memref<500000x32xf32, #tpu.memory_space<hbm>> -> memref<500000x32xf32, #tpu.memory_space<hbm>>
      tpu.enqueue_indirect_dma source(%dma_start3A_89 : memref<500000x32xf32, #tpu.memory_space<hbm>>) target(%dma_start3A_83 : memref<128x32xf32, #tpu.memory_space<vmem>>) offsets(%dma_start3A_86 : memref<128xi32, #tpu.memory_space<vmem>>) semaphore(%arg15 : memref<!tpu.dma_semaphore, #tpu.memory_space<semaphore_mem>>)
    }
    %scan3A_18 = arith.constant 25 : i32
    %scan3A_19 = arith.constant 0 : i32
    %scan3A_20 = arith.constant 25 : i32
    %scan3A_21 = arith.addi %scan3A_19, %scan3A_20 : i32
    %scan3A_22 = arith.constant 1 : i32
    scf.for %scan3A_74 = %scan3A_19 to %scan3A_21 step %scan3A_22  : i32 {
      %mul3A_75 = arith.constant 1 : i32
      %mul3A_76 = arith.muli %scan3A_74, %mul3A_75 : i32
      %add3A_77 = arith.constant 0 : i32
      %add3A_78 = arith.addi %add3A_77, %mul3A_76 : i32
      %add3A_79 = arith.constant 25 : i32
      %add3A_80 = arith.addi %add3A_79, %add3A_78 : i32
      %mul3A_81 = arith.constant 128 : i32
      %mul3A_82 = arith.muli %add3A_78, %mul3A_81 : i32
      %dma_wait3A = arith.constant 0 : i32
      %dma_wait3A_83 = tpu.memref_slice %arg14[%mul3A_82, %dma_wait3A] : memref<3200x32xf32, #tpu.memory_space<vmem>> -> memref<128x32xf32, #tpu.memory_space<vmem>>
      %dma_wait3A_84 = arith.constant 0 : i32
      %dma_wait3A_85 = tpu.memref_slice %arg11[%add3A_80, %dma_wait3A_84] : memref<50x128xi32, #tpu.memory_space<vmem>> -> memref<1x128xi32, #tpu.memory_space<vmem>>
      %dma_wait3A_86 = tpu.memref_squeeze %dma_wait3A_85 : memref<1x128xi32, #tpu.memory_space<vmem>> -> memref<128xi32, #tpu.memory_space<vmem>>
      %dma_wait3A_87 = arith.constant 0 : i32
      %dma_wait3A_88 = arith.constant 0 : i32
      %dma_wait3A_89 = tpu.memref_slice %arg5[%dma_wait3A_87, %dma_wait3A_88] : memref<500000x32xf32, #tpu.memory_space<hbm>> -> memref<500000x32xf32, #tpu.memory_space<hbm>>
      tpu.wait_indirect_dma semaphore(%arg15 : memref<!tpu.dma_semaphore, #tpu.memory_space<semaphore_mem>>) src(%dma_wait3A_89 : memref<500000x32xf32, #tpu.memory_space<hbm>>) dst(%dma_wait3A_83 : memref<128x32xf32, #tpu.memory_space<vmem>>)
    }
    %scan3A_23 = arith.constant 25 : i32
    %add3A_24 = arith.constant 3200 : i32
    %add3A_25 = arith.addi %mul3A_2, %add3A_24 : i32
    "tpu.region"() ({
      %run_scoped3A = tpu.sem_alloc : memref<!tpu.dma_semaphore, #tpu.memory_space<semaphore_mem>>
      %dma_start3A = arith.constant 0 : i32
      %dma_start3A_74 = tpu.memref_slice %arg8[%add3A_25, %dma_start3A] : memref<204800x32xf32, #tpu.memory_space<hbm>> -> memref<3200x32xf32, #tpu.memory_space<hbm>>
      %dma_start3A_75 = arith.constant 0 : i32
      %dma_start3A_76 = tpu.memref_slice %arg8[%add3A_25, %dma_start3A_75] : memref<204800x32xf32, #tpu.memory_space<hbm>> -> memref<3200x32xf32, #tpu.memory_space<hbm>>
      tpu.enqueue_dma source(%arg14 : memref<3200x32xf32, #tpu.memory_space<vmem>>) target(%dma_start3A_76 : memref<3200x32xf32, #tpu.memory_space<hbm>>) target_semaphore(%run_scoped3A : memref<!tpu.dma_semaphore, #tpu.memory_space<semaphore_mem>>)
      %dma_wait3A = arith.constant 0 : i32
      %dma_wait3A_77 = tpu.memref_slice %arg8[%add3A_25, %dma_wait3A] : memref<204800x32xf32, #tpu.memory_space<hbm>> -> memref<3200x32xf32, #tpu.memory_space<hbm>>
      %dma_wait3A_78 = arith.constant 0 : i32
      %dma_wait3A_79 = tpu.memref_slice %arg8[%add3A_25, %dma_wait3A_78] : memref<204800x32xf32, #tpu.memory_space<hbm>> -> memref<3200x32xf32, #tpu.memory_space<hbm>>
      tpu.wait_dma2 semaphore(%run_scoped3A : memref<!tpu.dma_semaphore, #tpu.memory_space<semaphore_mem>>) src(%arg14 : memref<3200x32xf32, #tpu.memory_space<vmem>>) dst(%dma_wait3A_79 : memref<3200x32xf32, #tpu.memory_space<hbm>>)
      tpu.yield
    }) : () -> ()
    %scan3A_26 = arith.constant 0 : i32
    %scan3A_27 = arith.constant 25 : i32
    %scan3A_28 = arith.addi %scan3A_26, %scan3A_27 : i32
    %scan3A_29 = arith.constant 1 : i32
    scf.for %scan3A_74 = %scan3A_26 to %scan3A_28 step %scan3A_29  : i32 {
      %mul3A_75 = arith.constant 1 : i32
      %mul3A_76 = arith.muli %scan3A_74, %mul3A_75 : i32
      %add3A_77 = arith.constant 0 : i32
      %add3A_78 = arith.addi %add3A_77, %mul3A_76 : i32
      %add3A_79 = arith.constant 0 : i32
      %add3A_80 = arith.addi %add3A_79, %add3A_78 : i32
      %mul3A_81 = arith.constant 128 : i32
      %mul3A_82 = arith.muli %add3A_78, %mul3A_81 : i32
      %dma_start3A = arith.constant 0 : i32
      %dma_start3A_83 = tpu.memref_slice %arg14[%mul3A_82, %dma_start3A] : memref<3200x32xf32, #tpu.memory_space<vmem>> -> memref<128x32xf32, #tpu.memory_space<vmem>>
      %dma_start3A_84 = arith.constant 0 : i32
      %dma_start3A_85 = tpu.memref_slice %arg12[%add3A_80, %dma_start3A_84] : memref<50x128xi32, #tpu.memory_space<vmem>> -> memref<1x128xi32, #tpu.memory_space<vmem>>
      %dma_start3A_86 = tpu.memref_squeeze %dma_start3A_85 : memref<1x128xi32, #tpu.memory_space<vmem>> -> memref<128xi32, #tpu.memory_space<vmem>>
      %dma_start3A_87 = arith.constant 0 : i32
      %dma_start3A_88 = arith.constant 0 : i32
      %dma_start3A_89 = tpu.memref_slice %arg6[%dma_start3A_87, %dma_start3A_88] : memref<500000x32xf32, #tpu.memory_space<hbm>> -> memref<500000x32xf32, #tpu.memory_space<hbm>>
      tpu.enqueue_indirect_dma source(%dma_start3A_89 : memref<500000x32xf32, #tpu.memory_space<hbm>>) target(%dma_start3A_83 : memref<128x32xf32, #tpu.memory_space<vmem>>) offsets(%dma_start3A_86 : memref<128xi32, #tpu.memory_space<vmem>>) semaphore(%arg15 : memref<!tpu.dma_semaphore, #tpu.memory_space<semaphore_mem>>)
    }
    %scan3A_30 = arith.constant 25 : i32
    %scan3A_31 = arith.constant 0 : i32
    %scan3A_32 = arith.constant 25 : i32
    %scan3A_33 = arith.addi %scan3A_31, %scan3A_32 : i32
    %scan3A_34 = arith.constant 1 : i32
    scf.for %scan3A_74 = %scan3A_31 to %scan3A_33 step %scan3A_34  : i32 {
      %mul3A_75 = arith.constant 1 : i32
      %mul3A_76 = arith.muli %scan3A_74, %mul3A_75 : i32
      %add3A_77 = arith.constant 0 : i32
      %add3A_78 = arith.addi %add3A_77, %mul3A_76 : i32
      %add3A_79 = arith.constant 0 : i32
      %add3A_80 = arith.addi %add3A_79, %add3A_78 : i32
      %mul3A_81 = arith.constant 128 : i32
      %mul3A_82 = arith.muli %add3A_78, %mul3A_81 : i32
      %dma_wait3A = arith.constant 0 : i32
      %dma_wait3A_83 = tpu.memref_slice %arg14[%mul3A_82, %dma_wait3A] : memref<3200x32xf32, #tpu.memory_space<vmem>> -> memref<128x32xf32, #tpu.memory_space<vmem>>
      %dma_wait3A_84 = arith.constant 0 : i32
      %dma_wait3A_85 = tpu.memref_slice %arg12[%add3A_80, %dma_wait3A_84] : memref<50x128xi32, #tpu.memory_space<vmem>> -> memref<1x128xi32, #tpu.memory_space<vmem>>
      %dma_wait3A_86 = tpu.memref_squeeze %dma_wait3A_85 : memref<1x128xi32, #tpu.memory_space<vmem>> -> memref<128xi32, #tpu.memory_space<vmem>>
      %dma_wait3A_87 = arith.constant 0 : i32
      %dma_wait3A_88 = arith.constant 0 : i32
      %dma_wait3A_89 = tpu.memref_slice %arg6[%dma_wait3A_87, %dma_wait3A_88] : memref<500000x32xf32, #tpu.memory_space<hbm>> -> memref<500000x32xf32, #tpu.memory_space<hbm>>
      tpu.wait_indirect_dma semaphore(%arg15 : memref<!tpu.dma_semaphore, #tpu.memory_space<semaphore_mem>>) src(%dma_wait3A_89 : memref<500000x32xf32, #tpu.memory_space<hbm>>) dst(%dma_wait3A_83 : memref<128x32xf32, #tpu.memory_space<vmem>>)
    }
    %scan3A_35 = arith.constant 25 : i32
    %add3A_36 = arith.constant 0 : i32
    %add3A_37 = arith.addi %mul3A_2, %add3A_36 : i32
    "tpu.region"() ({
      %run_scoped3A = tpu.sem_alloc : memref<!tpu.dma_semaphore, #tpu.memory_space<semaphore_mem>>
      %dma_start3A = arith.constant 0 : i32
      %dma_start3A_74 = tpu.memref_slice %arg9[%add3A_37, %dma_start3A] : memref<204800x32xf32, #tpu.memory_space<hbm>> -> memref<3200x32xf32, #tpu.memory_space<hbm>>
      %dma_start3A_75 = arith.constant 0 : i32
      %dma_start3A_76 = tpu.memref_slice %arg9[%add3A_37, %dma_start3A_75] : memref<204800x32xf32, #tpu.memory_space<hbm>> -> memref<3200x32xf32, #tpu.memory_space<hbm>>
      tpu.enqueue_dma source(%arg14 : memref<3200x32xf32, #tpu.memory_space<vmem>>) target(%dma_start3A_76 : memref<3200x32xf32, #tpu.memory_space<hbm>>) target_semaphore(%run_scoped3A : memref<!tpu.dma_semaphore, #tpu.memory_space<semaphore_mem>>)
      %dma_wait3A = arith.constant 0 : i32
      %dma_wait3A_77 = tpu.memref_slice %arg9[%add3A_37, %dma_wait3A] : memref<204800x32xf32, #tpu.memory_space<hbm>> -> memref<3200x32xf32, #tpu.memory_space<hbm>>
      %dma_wait3A_78 = arith.constant 0 : i32
      %dma_wait3A_79 = tpu.memref_slice %arg9[%add3A_37, %dma_wait3A_78] : memref<204800x32xf32, #tpu.memory_space<hbm>> -> memref<3200x32xf32, #tpu.memory_space<hbm>>
      tpu.wait_dma2 semaphore(%run_scoped3A : memref<!tpu.dma_semaphore, #tpu.memory_space<semaphore_mem>>) src(%arg14 : memref<3200x32xf32, #tpu.memory_space<vmem>>) dst(%dma_wait3A_79 : memref<3200x32xf32, #tpu.memory_space<hbm>>)
      tpu.yield
    }) : () -> ()
    %scan3A_38 = arith.constant 0 : i32
    %scan3A_39 = arith.constant 25 : i32
    %scan3A_40 = arith.addi %scan3A_38, %scan3A_39 : i32
    %scan3A_41 = arith.constant 1 : i32
    scf.for %scan3A_74 = %scan3A_38 to %scan3A_40 step %scan3A_41  : i32 {
      %mul3A_75 = arith.constant 1 : i32
      %mul3A_76 = arith.muli %scan3A_74, %mul3A_75 : i32
      %add3A_77 = arith.constant 0 : i32
      %add3A_78 = arith.addi %add3A_77, %mul3A_76 : i32
      %add3A_79 = arith.constant 25 : i32
      %add3A_80 = arith.addi %add3A_79, %add3A_78 : i32
      %mul3A_81 = arith.constant 128 : i32
      %mul3A_82 = arith.muli %add3A_78, %mul3A_81 : i32
      %dma_start3A = arith.constant 0 : i32
      %dma_start3A_83 = tpu.memref_slice %arg14[%mul3A_82, %dma_start3A] : memref<3200x32xf32, #tpu.memory_space<vmem>> -> memref<128x32xf32, #tpu.memory_space<vmem>>
      %dma_start3A_84 = arith.constant 0 : i32
      %dma_start3A_85 = tpu.memref_slice %arg12[%add3A_80, %dma_start3A_84] : memref<50x128xi32, #tpu.memory_space<vmem>> -> memref<1x128xi32, #tpu.memory_space<vmem>>
      %dma_start3A_86 = tpu.memref_squeeze %dma_start3A_85 : memref<1x128xi32, #tpu.memory_space<vmem>> -> memref<128xi32, #tpu.memory_space<vmem>>
      %dma_start3A_87 = arith.constant 0 : i32
      %dma_start3A_88 = arith.constant 0 : i32
      %dma_start3A_89 = tpu.memref_slice %arg6[%dma_start3A_87, %dma_start3A_88] : memref<500000x32xf32, #tpu.memory_space<hbm>> -> memref<500000x32xf32, #tpu.memory_space<hbm>>
      tpu.enqueue_indirect_dma source(%dma_start3A_89 : memref<500000x32xf32, #tpu.memory_space<hbm>>) target(%dma_start3A_83 : memref<128x32xf32, #tpu.memory_space<vmem>>) offsets(%dma_start3A_86 : memref<128xi32, #tpu.memory_space<vmem>>) semaphore(%arg15 : memref<!tpu.dma_semaphore, #tpu.memory_space<semaphore_mem>>)
    }
    %scan3A_42 = arith.constant 25 : i32
    %scan3A_43 = arith.constant 0 : i32
    %scan3A_44 = arith.constant 25 : i32
    %scan3A_45 = arith.addi %scan3A_43, %scan3A_44 : i32
    %scan3A_46 = arith.constant 1 : i32
    scf.for %scan3A_74 = %scan3A_43 to %scan3A_45 step %scan3A_46  : i32 {
      %mul3A_75 = arith.constant 1 : i32
      %mul3A_76 = arith.muli %scan3A_74, %mul3A_75 : i32
      %add3A_77 = arith.constant 0 : i32
      %add3A_78 = arith.addi %add3A_77, %mul3A_76 : i32
      %add3A_79 = arith.constant 25 : i32
      %add3A_80 = arith.addi %add3A_79, %add3A_78 : i32
      %mul3A_81 = arith.constant 128 : i32
      %mul3A_82 = arith.muli %add3A_78, %mul3A_81 : i32
      %dma_wait3A = arith.constant 0 : i32
      %dma_wait3A_83 = tpu.memref_slice %arg14[%mul3A_82, %dma_wait3A] : memref<3200x32xf32, #tpu.memory_space<vmem>> -> memref<128x32xf32, #tpu.memory_space<vmem>>
      %dma_wait3A_84 = arith.constant 0 : i32
      %dma_wait3A_85 = tpu.memref_slice %arg12[%add3A_80, %dma_wait3A_84] : memref<50x128xi32, #tpu.memory_space<vmem>> -> memref<1x128xi32, #tpu.memory_space<vmem>>
      %dma_wait3A_86 = tpu.memref_squeeze %dma_wait3A_85 : memref<1x128xi32, #tpu.memory_space<vmem>> -> memref<128xi32, #tpu.memory_space<vmem>>
      %dma_wait3A_87 = arith.constant 0 : i32
      %dma_wait3A_88 = arith.constant 0 : i32
      %dma_wait3A_89 = tpu.memref_slice %arg6[%dma_wait3A_87, %dma_wait3A_88] : memref<500000x32xf32, #tpu.memory_space<hbm>> -> memref<500000x32xf32, #tpu.memory_space<hbm>>
      tpu.wait_indirect_dma semaphore(%arg15 : memref<!tpu.dma_semaphore, #tpu.memory_space<semaphore_mem>>) src(%dma_wait3A_89 : memref<500000x32xf32, #tpu.memory_space<hbm>>) dst(%dma_wait3A_83 : memref<128x32xf32, #tpu.memory_space<vmem>>)
    }
    %scan3A_47 = arith.constant 25 : i32
    %add3A_48 = arith.constant 3200 : i32
    %add3A_49 = arith.addi %mul3A_2, %add3A_48 : i32
    "tpu.region"() ({
      %run_scoped3A = tpu.sem_alloc : memref<!tpu.dma_semaphore, #tpu.memory_space<semaphore_mem>>
      %dma_start3A = arith.constant 0 : i32
      %dma_start3A_74 = tpu.memref_slice %arg9[%add3A_49, %dma_start3A] : memref<204800x32xf32, #tpu.memory_space<hbm>> -> memref<3200x32xf32, #tpu.memory_space<hbm>>
      %dma_start3A_75 = arith.constant 0 : i32
      %dma_start3A_76 = tpu.memref_slice %arg9[%add3A_49, %dma_start3A_75] : memref<204800x32xf32, #tpu.memory_space<hbm>> -> memref<3200x32xf32, #tpu.memory_space<hbm>>
      tpu.enqueue_dma source(%arg14 : memref<3200x32xf32, #tpu.memory_space<vmem>>) target(%dma_start3A_76 : memref<3200x32xf32, #tpu.memory_space<hbm>>) target_semaphore(%run_scoped3A : memref<!tpu.dma_semaphore, #tpu.memory_space<semaphore_mem>>)
      %dma_wait3A = arith.constant 0 : i32
      %dma_wait3A_77 = tpu.memref_slice %arg9[%add3A_49, %dma_wait3A] : memref<204800x32xf32, #tpu.memory_space<hbm>> -> memref<3200x32xf32, #tpu.memory_space<hbm>>
      %dma_wait3A_78 = arith.constant 0 : i32
      %dma_wait3A_79 = tpu.memref_slice %arg9[%add3A_49, %dma_wait3A_78] : memref<204800x32xf32, #tpu.memory_space<hbm>> -> memref<3200x32xf32, #tpu.memory_space<hbm>>
      tpu.wait_dma2 semaphore(%run_scoped3A : memref<!tpu.dma_semaphore, #tpu.memory_space<semaphore_mem>>) src(%arg14 : memref<3200x32xf32, #tpu.memory_space<vmem>>) dst(%dma_wait3A_79 : memref<3200x32xf32, #tpu.memory_space<hbm>>)
      tpu.yield
    }) : () -> ()
    %scan3A_50 = arith.constant 0 : i32
    %scan3A_51 = arith.constant 25 : i32
    %scan3A_52 = arith.addi %scan3A_50, %scan3A_51 : i32
    %scan3A_53 = arith.constant 1 : i32
    scf.for %scan3A_74 = %scan3A_50 to %scan3A_52 step %scan3A_53  : i32 {
      %mul3A_75 = arith.constant 1 : i32
      %mul3A_76 = arith.muli %scan3A_74, %mul3A_75 : i32
      %add3A_77 = arith.constant 0 : i32
      %add3A_78 = arith.addi %add3A_77, %mul3A_76 : i32
      %add3A_79 = arith.constant 0 : i32
      %add3A_80 = arith.addi %add3A_79, %add3A_78 : i32
      %mul3A_81 = arith.constant 128 : i32
      %mul3A_82 = arith.muli %add3A_78, %mul3A_81 : i32
      %dma_start3A = arith.constant 0 : i32
      %dma_start3A_83 = tpu.memref_slice %arg14[%mul3A_82, %dma_start3A] : memref<3200x32xf32, #tpu.memory_space<vmem>> -> memref<128x32xf32, #tpu.memory_space<vmem>>
      %dma_start3A_84 = arith.constant 0 : i32
      %dma_start3A_85 = tpu.memref_slice %arg13[%add3A_80, %dma_start3A_84] : memref<50x128xi32, #tpu.memory_space<vmem>> -> memref<1x128xi32, #tpu.memory_space<vmem>>
      %dma_start3A_86 = tpu.memref_squeeze %dma_start3A_85 : memref<1x128xi32, #tpu.memory_space<vmem>> -> memref<128xi32, #tpu.memory_space<vmem>>
      %dma_start3A_87 = arith.constant 0 : i32
      %dma_start3A_88 = arith.constant 0 : i32
      %dma_start3A_89 = tpu.memref_slice %arg7[%dma_start3A_87, %dma_start3A_88] : memref<1000000x32xf32, #tpu.memory_space<hbm>> -> memref<1000000x32xf32, #tpu.memory_space<hbm>>
      tpu.enqueue_indirect_dma source(%dma_start3A_89 : memref<1000000x32xf32, #tpu.memory_space<hbm>>) target(%dma_start3A_83 : memref<128x32xf32, #tpu.memory_space<vmem>>) offsets(%dma_start3A_86 : memref<128xi32, #tpu.memory_space<vmem>>) semaphore(%arg15 : memref<!tpu.dma_semaphore, #tpu.memory_space<semaphore_mem>>)
    }
    %scan3A_54 = arith.constant 25 : i32
    %scan3A_55 = arith.constant 0 : i32
    %scan3A_56 = arith.constant 25 : i32
    %scan3A_57 = arith.addi %scan3A_55, %scan3A_56 : i32
    %scan3A_58 = arith.constant 1 : i32
    scf.for %scan3A_74 = %scan3A_55 to %scan3A_57 step %scan3A_58  : i32 {
      %mul3A_75 = arith.constant 1 : i32
      %mul3A_76 = arith.muli %scan3A_74, %mul3A_75 : i32
      %add3A_77 = arith.constant 0 : i32
      %add3A_78 = arith.addi %add3A_77, %mul3A_76 : i32
      %add3A_79 = arith.constant 0 : i32
      %add3A_80 = arith.addi %add3A_79, %add3A_78 : i32
      %mul3A_81 = arith.constant 128 : i32
      %mul3A_82 = arith.muli %add3A_78, %mul3A_81 : i32
      %dma_wait3A = arith.constant 0 : i32
      %dma_wait3A_83 = tpu.memref_slice %arg14[%mul3A_82, %dma_wait3A] : memref<3200x32xf32, #tpu.memory_space<vmem>> -> memref<128x32xf32, #tpu.memory_space<vmem>>
      %dma_wait3A_84 = arith.constant 0 : i32
      %dma_wait3A_85 = tpu.memref_slice %arg13[%add3A_80, %dma_wait3A_84] : memref<50x128xi32, #tpu.memory_space<vmem>> -> memref<1x128xi32, #tpu.memory_space<vmem>>
      %dma_wait3A_86 = tpu.memref_squeeze %dma_wait3A_85 : memref<1x128xi32, #tpu.memory_space<vmem>> -> memref<128xi32, #tpu.memory_space<vmem>>
      %dma_wait3A_87 = arith.constant 0 : i32
      %dma_wait3A_88 = arith.constant 0 : i32
      %dma_wait3A_89 = tpu.memref_slice %arg7[%dma_wait3A_87, %dma_wait3A_88] : memref<1000000x32xf32, #tpu.memory_space<hbm>> -> memref<1000000x32xf32, #tpu.memory_space<hbm>>
      tpu.wait_indirect_dma semaphore(%arg15 : memref<!tpu.dma_semaphore, #tpu.memory_space<semaphore_mem>>) src(%dma_wait3A_89 : memref<1000000x32xf32, #tpu.memory_space<hbm>>) dst(%dma_wait3A_83 : memref<128x32xf32, #tpu.memory_space<vmem>>)
    }
    %scan3A_59 = arith.constant 25 : i32
    %add3A_60 = arith.constant 0 : i32
    %add3A_61 = arith.addi %mul3A_2, %add3A_60 : i32
    "tpu.region"() ({
      %run_scoped3A = tpu.sem_alloc : memref<!tpu.dma_semaphore, #tpu.memory_space<semaphore_mem>>
      %dma_start3A = arith.constant 0 : i32
      %dma_start3A_74 = tpu.memref_slice %arg10[%add3A_61, %dma_start3A] : memref<204800x32xf32, #tpu.memory_space<hbm>> -> memref<3200x32xf32, #tpu.memory_space<hbm>>
      %dma_start3A_75 = arith.constant 0 : i32
      %dma_start3A_76 = tpu.memref_slice %arg10[%add3A_61, %dma_start3A_75] : memref<204800x32xf32, #tpu.memory_space<hbm>> -> memref<3200x32xf32, #tpu.memory_space<hbm>>
      tpu.enqueue_dma source(%arg14 : memref<3200x32xf32, #tpu.memory_space<vmem>>) target(%dma_start3A_76 : memref<3200x32xf32, #tpu.memory_space<hbm>>) target_semaphore(%run_scoped3A : memref<!tpu.dma_semaphore, #tpu.memory_space<semaphore_mem>>)
      %dma_wait3A = arith.constant 0 : i32
      %dma_wait3A_77 = tpu.memref_slice %arg10[%add3A_61, %dma_wait3A] : memref<204800x32xf32, #tpu.memory_space<hbm>> -> memref<3200x32xf32, #tpu.memory_space<hbm>>
      %dma_wait3A_78 = arith.constant 0 : i32
      %dma_wait3A_79 = tpu.memref_slice %arg10[%add3A_61, %dma_wait3A_78] : memref<204800x32xf32, #tpu.memory_space<hbm>> -> memref<3200x32xf32, #tpu.memory_space<hbm>>
      tpu.wait_dma2 semaphore(%run_scoped3A : memref<!tpu.dma_semaphore, #tpu.memory_space<semaphore_mem>>) src(%arg14 : memref<3200x32xf32, #tpu.memory_space<vmem>>) dst(%dma_wait3A_79 : memref<3200x32xf32, #tpu.memory_space<hbm>>)
      tpu.yield
    }) : () -> ()
    %scan3A_62 = arith.constant 0 : i32
    %scan3A_63 = arith.constant 25 : i32
    %scan3A_64 = arith.addi %scan3A_62, %scan3A_63 : i32
    %scan3A_65 = arith.constant 1 : i32
    scf.for %scan3A_74 = %scan3A_62 to %scan3A_64 step %scan3A_65  : i32 {
      %mul3A_75 = arith.constant 1 : i32
      %mul3A_76 = arith.muli %scan3A_74, %mul3A_75 : i32
      %add3A_77 = arith.constant 0 : i32
      %add3A_78 = arith.addi %add3A_77, %mul3A_76 : i32
      %add3A_79 = arith.constant 25 : i32
      %add3A_80 = arith.addi %add3A_79, %add3A_78 : i32
      %mul3A_81 = arith.constant 128 : i32
      %mul3A_82 = arith.muli %add3A_78, %mul3A_81 : i32
      %dma_start3A = arith.constant 0 : i32
      %dma_start3A_83 = tpu.memref_slice %arg14[%mul3A_82, %dma_start3A] : memref<3200x32xf32, #tpu.memory_space<vmem>> -> memref<128x32xf32, #tpu.memory_space<vmem>>
      %dma_start3A_84 = arith.constant 0 : i32
      %dma_start3A_85 = tpu.memref_slice %arg13[%add3A_80, %dma_start3A_84] : memref<50x128xi32, #tpu.memory_space<vmem>> -> memref<1x128xi32, #tpu.memory_space<vmem>>
      %dma_start3A_86 = tpu.memref_squeeze %dma_start3A_85 : memref<1x128xi32, #tpu.memory_space<vmem>> -> memref<128xi32, #tpu.memory_space<vmem>>
      %dma_start3A_87 = arith.constant 0 : i32
      %dma_start3A_88 = arith.constant 0 : i32
      %dma_start3A_89 = tpu.memref_slice %arg7[%dma_start3A_87, %dma_start3A_88] : memref<1000000x32xf32, #tpu.memory_space<hbm>> -> memref<1000000x32xf32, #tpu.memory_space<hbm>>
      tpu.enqueue_indirect_dma source(%dma_start3A_89 : memref<1000000x32xf32, #tpu.memory_space<hbm>>) target(%dma_start3A_83 : memref<128x32xf32, #tpu.memory_space<vmem>>) offsets(%dma_start3A_86 : memref<128xi32, #tpu.memory_space<vmem>>) semaphore(%arg15 : memref<!tpu.dma_semaphore, #tpu.memory_space<semaphore_mem>>)
    }
    %scan3A_66 = arith.constant 25 : i32
    %scan3A_67 = arith.constant 0 : i32
    %scan3A_68 = arith.constant 25 : i32
    %scan3A_69 = arith.addi %scan3A_67, %scan3A_68 : i32
    %scan3A_70 = arith.constant 1 : i32
    scf.for %scan3A_74 = %scan3A_67 to %scan3A_69 step %scan3A_70  : i32 {
      %mul3A_75 = arith.constant 1 : i32
      %mul3A_76 = arith.muli %scan3A_74, %mul3A_75 : i32
      %add3A_77 = arith.constant 0 : i32
      %add3A_78 = arith.addi %add3A_77, %mul3A_76 : i32
      %add3A_79 = arith.constant 25 : i32
      %add3A_80 = arith.addi %add3A_79, %add3A_78 : i32
      %mul3A_81 = arith.constant 128 : i32
      %mul3A_82 = arith.muli %add3A_78, %mul3A_81 : i32
      %dma_wait3A = arith.constant 0 : i32
      %dma_wait3A_83 = tpu.memref_slice %arg14[%mul3A_82, %dma_wait3A] : memref<3200x32xf32, #tpu.memory_space<vmem>> -> memref<128x32xf32, #tpu.memory_space<vmem>>
      %dma_wait3A_84 = arith.constant 0 : i32
      %dma_wait3A_85 = tpu.memref_slice %arg13[%add3A_80, %dma_wait3A_84] : memref<50x128xi32, #tpu.memory_space<vmem>> -> memref<1x128xi32, #tpu.memory_space<vmem>>
      %dma_wait3A_86 = tpu.memref_squeeze %dma_wait3A_85 : memref<1x128xi32, #tpu.memory_space<vmem>> -> memref<128xi32, #tpu.memory_space<vmem>>
      %dma_wait3A_87 = arith.constant 0 : i32
      %dma_wait3A_88 = arith.constant 0 : i32
      %dma_wait3A_89 = tpu.memref_slice %arg7[%dma_wait3A_87, %dma_wait3A_88] : memref<1000000x32xf32, #tpu.memory_space<hbm>> -> memref<1000000x32xf32, #tpu.memory_space<hbm>>
      tpu.wait_indirect_dma semaphore(%arg15 : memref<!tpu.dma_semaphore, #tpu.memory_space<semaphore_mem>>) src(%dma_wait3A_89 : memref<1000000x32xf32, #tpu.memory_space<hbm>>) dst(%dma_wait3A_83 : memref<128x32xf32, #tpu.memory_space<vmem>>)
    }
    %scan3A_71 = arith.constant 25 : i32
    %add3A_72 = arith.constant 3200 : i32
    %add3A_73 = arith.addi %mul3A_2, %add3A_72 : i32
    "tpu.region"() ({
      %run_scoped3A = tpu.sem_alloc : memref<!tpu.dma_semaphore, #tpu.memory_space<semaphore_mem>>
      %dma_start3A = arith.constant 0 : i32
      %dma_start3A_74 = tpu.memref_slice %arg10[%add3A_73, %dma_start3A] : memref<204800x32xf32, #tpu.memory_space<hbm>> -> memref<3200x32xf32, #tpu.memory_space<hbm>>
      %dma_start3A_75 = arith.constant 0 : i32
      %dma_start3A_76 = tpu.memref_slice %arg10[%add3A_73, %dma_start3A_75] : memref<204800x32xf32, #tpu.memory_space<hbm>> -> memref<3200x32xf32, #tpu.memory_space<hbm>>
      tpu.enqueue_dma source(%arg14 : memref<3200x32xf32, #tpu.memory_space<vmem>>) target(%dma_start3A_76 : memref<3200x32xf32, #tpu.memory_space<hbm>>) target_semaphore(%run_scoped3A : memref<!tpu.dma_semaphore, #tpu.memory_space<semaphore_mem>>)
      %dma_wait3A = arith.constant 0 : i32
      %dma_wait3A_77 = tpu.memref_slice %arg10[%add3A_73, %dma_wait3A] : memref<204800x32xf32, #tpu.memory_space<hbm>> -> memref<3200x32xf32, #tpu.memory_space<hbm>>
      %dma_wait3A_78 = arith.constant 0 : i32
      %dma_wait3A_79 = tpu.memref_slice %arg10[%add3A_73, %dma_wait3A_78] : memref<204800x32xf32, #tpu.memory_space<hbm>> -> memref<3200x32xf32, #tpu.memory_space<hbm>>
      tpu.wait_dma2 semaphore(%run_scoped3A : memref<!tpu.dma_semaphore, #tpu.memory_space<semaphore_mem>>) src(%arg14 : memref<3200x32xf32, #tpu.memory_space<vmem>>) dst(%dma_wait3A_79 : memref<3200x32xf32, #tpu.memory_space<hbm>>)
      tpu.yield
    }) : () -> ()
    return
  }
}

module attributes {stable_mosaic.version = 14 : i64} {
  func.func @body(%arg0: i32, %arg1: memref<2048x1xi32, #tpu.memory_space<vmem>>, %arg2: memref<2048x32xf32, #tpu.memory_space<vmem>>, %arg3: memref<2048x32xf32, #tpu.memory_space<vmem>>, %arg4: memref<2048x32xf32, #tpu.memory_space<vmem>>, %arg5: memref<32x64xf32, #tpu.memory_space<vmem>>, %arg6: memref<32x64xf32, #tpu.memory_space<vmem>>, %arg7: memref<2048x64xf32, #tpu.memory_space<vmem>>) attributes {dimension_semantics = [#tpu.dimension_semantics<arbitrary>], iteration_bounds = array<i64: 100>, scalar_prefetch = 0 : i64, scratch_operands = 0 : i64, tpu.core_type = #tpu.core_type<tc>, window_params = [{transform_indices = @transform_0, window_bounds = array<i64: 2048, 1>}, {transform_indices = @transform_1, window_bounds = array<i64: 2048, 32>}, {transform_indices = @transform_2, window_bounds = array<i64: 2048, 32>}, {transform_indices = @transform_3, window_bounds = array<i64: 2048, 32>}, {pipeline_mode = #tpu.pipeline_mode<synchronous>, transform_indices = @transform_4, window_bounds = array<i64: 32, 64>}, {pipeline_mode = #tpu.pipeline_mode<synchronous>, transform_indices = @transform_5, window_bounds = array<i64: 32, 64>}, {transform_indices = @transform_6, window_bounds = array<i64: 2048, 64>}]} {
    %get3A = arith.constant 0 : index
    %get3A_0 = arith.constant 0 : index
    %get3A_1 = vector.load %arg1[%get3A, %get3A_0] : memref<2048x1xi32, #tpu.memory_space<vmem>>, vector<2048x1xi32>
    %lt3A = arith.constant 500000 : i32
    %lt3A_2 = vector.broadcast %lt3A : i32 to vector<2048x1xi32>
    %lt3A_3 = arith.cmpi slt, %get3A_1, %lt3A_2 : vector<2048x1xi32>
    %get3A_4 = arith.constant 0 : index
    %get3A_5 = arith.constant 0 : index
    %get3A_6 = vector.load %arg2[%get3A_4, %get3A_5] : memref<2048x32xf32, #tpu.memory_space<vmem>>, vector<2048x32xf32>
    %get3A_7 = arith.constant 0 : index
    %get3A_8 = arith.constant 0 : index
    %get3A_9 = vector.load %arg3[%get3A_7, %get3A_8] : memref<2048x32xf32, #tpu.memory_space<vmem>>, vector<2048x32xf32>
    %broadcast_in_dim3A = vector.shape_cast %lt3A_3 : vector<2048x1xi1> to vector<2048x1xi1>
    %broadcast_in_dim3A_10 = vector.broadcast %broadcast_in_dim3A : vector<2048x1xi1> to vector<2048x32xi1>
    %select_n3A = arith.select %broadcast_in_dim3A_10, %get3A_6, %get3A_9 : vector<2048x32xi1>, vector<2048x32xf32>
    %get3A_11 = arith.constant 0 : index
    %get3A_12 = arith.constant 0 : index
    %get3A_13 = vector.load %arg5[%get3A_11, %get3A_12] : memref<32x64xf32, #tpu.memory_space<vmem>>, vector<32x64xf32>
    %dot_general3A = arith.constant dense<0.000000e+00> : vector<2048x64xf32>
    %dot_general3A_14 = tpu.matmul %select_n3A, %get3A_13, %dot_general3A {dimension_numbers = #tpu.dot_dimension_numbers<[1], [0], [0], [1], [0, 0, 1, 1], [], []>, transpose_lhs_hint = false} : vector<2048x32xf32>, vector<32x64xf32>, vector<2048x64xf32> -> vector<2048x64xf32>
    %get3A_15 = arith.constant 0 : index
    %get3A_16 = arith.constant 0 : index
    %get3A_17 = vector.load %arg4[%get3A_15, %get3A_16] : memref<2048x32xf32, #tpu.memory_space<vmem>>, vector<2048x32xf32>
    %get3A_18 = arith.constant 0 : index
    %get3A_19 = arith.constant 0 : index
    %get3A_20 = vector.load %arg6[%get3A_18, %get3A_19] : memref<32x64xf32, #tpu.memory_space<vmem>>, vector<32x64xf32>
    %dot_general3A_21 = arith.constant dense<0.000000e+00> : vector<2048x64xf32>
    %dot_general3A_22 = tpu.matmul %get3A_17, %get3A_20, %dot_general3A_21 {dimension_numbers = #tpu.dot_dimension_numbers<[1], [0], [0], [1], [0, 0, 1, 1], [], []>, transpose_lhs_hint = false} : vector<2048x32xf32>, vector<32x64xf32>, vector<2048x64xf32> -> vector<2048x64xf32>
    %add3A = arith.addf %dot_general3A_14, %dot_general3A_22 : vector<2048x64xf32>
    %swap3A = arith.constant 0 : index
    %swap3A_23 = arith.constant 0 : index
    %swap3A_24 = vector.load %arg7[%swap3A, %swap3A_23] : memref<2048x64xf32, #tpu.memory_space<vmem>>, vector<2048x64xf32>
    tpu.vector_store %arg7[%swap3A, %swap3A_23], %add3A {strides = array<i32>} : memref<2048x64xf32, #tpu.memory_space<vmem>>, vector<2048x64xf32>,
    return
  }
  func.func @transform_0(%arg0: i32) -> (i32, i32) {
    %c0_i32 = arith.constant 0 : i32
    %c0_i32_0 = arith.constant 0 : i32
    return %arg0, %c0_i32 : i32, i32
  }
  func.func @transform_1(%arg0: i32) -> (i32, i32) {
    %c0_i32 = arith.constant 0 : i32
    %c0_i32_0 = arith.constant 0 : i32
    return %arg0, %c0_i32 : i32, i32
  }
  func.func @transform_2(%arg0: i32) -> (i32, i32) {
    %c0_i32 = arith.constant 0 : i32
    %c0_i32_0 = arith.constant 0 : i32
    return %arg0, %c0_i32 : i32, i32
  }
  func.func @transform_3(%arg0: i32) -> (i32, i32) {
    %c0_i32 = arith.constant 0 : i32
    %c0_i32_0 = arith.constant 0 : i32
    return %arg0, %c0_i32 : i32, i32
  }
  func.func @transform_4(%arg0: i32) -> (i32, i32) {
    %c0_i32 = arith.constant 0 : i32
    %c0_i32_0 = arith.constant 0 : i32
    %c0_i32_1 = arith.constant 0 : i32
    return %c0_i32, %c0_i32_0 : i32, i32
  }
  func.func @transform_5(%arg0: i32) -> (i32, i32) {
    %c0_i32 = arith.constant 0 : i32
    %c0_i32_0 = arith.constant 0 : i32
    %c0_i32_1 = arith.constant 0 : i32
    return %c0_i32, %c0_i32_0 : i32, i32
  }
  func.func @transform_6(%arg0: i32) -> (i32, i32) {
    %c0_i32 = arith.constant 0 : i32
    %c0_i32_0 = arith.constant 0 : i32
    return %arg0, %c0_i32 : i32, i32
  }
}

</mosaic_0001>

<sc_bundles>
// kernel: kernel.4.cloned.1.call-start
scs
__scs_entry_jumppad:
0x0: {  	(pc) =	sbr.rel $0x88, $3  }
0x1: {  	(tag) =	ssettag $0x0;
	lr =	simm.s32 $0x1  }
0x2: {  	[smem:$0x3F9C] =	sst lr;
	_ =	strace $0xD0000000  }
0x3: {  	_ = 	snop  }
0x4: {  	_ = 	snop  }
0x5: {  	_ = 	snop  }
0x6: {  	_ = 	snop  }
0x7: {  	_ = 	snop  }
__scs_overlays_trampoline_lowered:
0x8: {  	[smem:$0x3FAB] =	sst s0  }
0x9: {  	[smem:$0x3FAC] =	sst s1  }
0xa: {  	[smem:$0x3FAD] =	sst s2  }
0xb: {  	[smem:$0x3FAE] =	sst s3  }
0xc: {  	[smem:$0x3FAF] =	sst s4  }
0xd: {  	[smem:$0x3FB0] =	sst s5  }
0xe: {  	[smem:$0x3FB1] =	sst s6  }
0xf: {  	[smem:$0x3FB2] =	sst s7  }
0x10: {  	[smem:$0x3FB3] =	sst s8  }
0x11: {  	[smem:$0x3FB4] =	sst s9;
	s0 =	simm.s32 @!p0 $0x0  }
0x12: {  	s1 =	sld [smem:$0x3F9A];
	s0 =	simm.s32 @p0 $0x1  }
0x13: {  	[smem:$0x3FB5] =	sst s0;
	s0 =	simm.s32 @!p1 $0x0  }
0x14: {  	s2 =	sld [smem:$0x3F99];
	s0 =	simm.s32 @p1 $0x1  }
0x15: {  	[smem:$0x3FB6] =	sst s0;
	s0 =	simm.s32 @!p2 $0x0  }
0x16: {  	s3 =	sld [smem:$0x3FDB];
	s0 =	simm.s32 @p2 $0x1  }
0x17: {  	s4 =	simm.s32 $0x1BF5;
	[smem:$0x3FB8] =	sst s0  }
0x18: {  	s0 =	sld [smem:$0x3F9B];
	_ =	swait.ge [sflag:s4], $0x0  }
0x19: {  	s7 =	sld [smem:$0x3F9C]  }
0x1a: {  	s8 =	sadd.s32 $0xFFFFE003, lr  }
0x1b: {  	s9 =	sadd.s32 $0xFFFFFEF7, lr;
	s5 =	simm.s32 $0xFFFFFFFF;
	p2 =	slt.u32 s8, $0xFFFFF086  }
0x1c: {  	p1 =	slt.u32 s9, $0xF7A;
	s5 =	simm.s32 @!p2 $0x0  }
0x1d: {  	s5 =	simm.s32 @p1 $0x1;
	p0 =	seq.s32 s7, s2  }
0x1e: {  	s7 =	smul.u32 @!p0 $0xF7A, s2;
	p2 =	seq.s32 @!p0 s5, $0x0  }
0x1f: {  	s9 =	smul.u32 $0xF7A, s1;
	s8 =	simm.s32 @!p0 $0x1BF5;
	p2 =	por !p2, p0  }
0x20: {  	[sflag:s8] =	ssyncset.s32 @!p0 $0xFFFFF086;
	s6 =	sadd.s32 @!p0 s3, s7;
	s7 =	simm.s32 @!p0 $0x108  }
0x21: {  	s3 =	sadd.s32 s3, s9;
	s6 =	sadd.s32 @!p0 $0x88, s6;
	s7 =	simm.s32 @p2 $0x1082  }
0x22: {  	[simem:s7], [sflag:s8] =	dma.local @!p0 [hbm:s6], $0xF7A  }
0x23: {  	s9 =	sor.u32 $0xD0000000, s2;
	s6 =	simm.s32 $0x108;
	_ =	swait.ge @!p0 [sflag:s8], $0x0  }
0x24: {  	s3 =	sadd.s32 $0x88, s3;
	s6 =	simm.s32 @!p1 $0x1082;
	[sflag:s4] =	ssyncset.s32 $0xFFFFF086  }
0x25: {  	[simem:s6], [sflag:s4] =	dma.local [hbm:s3], $0xF7A  }
0x26: {  	[smem:$0x3F9C] =	sst s1;
	(tag) =	ssettag s2;
	_ =	strace s9  }
0x27: {  	s1 =	sld [smem:$0x3FAC]  }
0x28: {  	s2 =	sld [smem:$0x3FAD]  }
0x29: {  	s4 =	sld [smem:$0x3FAF]  }
0x2a: {  	p0 =	seq.s32 s5, $0x0;
	s5 =	sld [smem:$0x3FB0]  }
0x2b: {  	s6 =	sld [smem:$0x3FB1]  }
0x2c: {  	s7 =	sld [smem:$0x3FB2]  }
0x2d: {  	s3 =	simm.s32 $0x108;
	s8 =	sld [smem:$0x3FB3]  }
0x2e: {  	s3 =	simm.s32 @!p0 $0x1082;
	s9 =	sld [smem:$0x3FB4]  }
0x2f: {  	lr =	sadd.s32 s0, s3;
	s0 =	sld [smem:$0x3FAB]  }
0x30: {  	s3 =	sld [smem:$0x3FAE]  }
0x31: {  	[smem:$0x3FB7] =	sst s10  }
0x32: {  	s10 =	sld [smem:$0x3FB5];
	_ =	sdelay $0x3  }
0x33: {  	p0 =	seq.s32 s10, $0x1;
	s10 =	sld [smem:$0x3FB7];
	_ =	sdelay $0x3  }
0x34: {  	[smem:$0x3FB7] =	sst s10  }
0x35: {  	s10 =	sld [smem:$0x3FB6];
	_ =	sdelay $0x3  }
0x36: {  	p1 =	seq.s32 s10, $0x1;
	s10 =	sld [smem:$0x3FB7];
	_ =	sdelay $0x3  }
0x37: {  	[smem:$0x3FB7] =	sst s10  }
0x38: {  	s10 =	sld [smem:$0x3FB8]  }
0x39: {  	_ = 	snop;
	(pc) =	sbr.ind lr, $3  }
0x3a: {  	_ = 	snop  }
0x3b: {  	_ = 	snop  }
0x3c: {  	p2 =	seq.s32 s10, $0x1;
	s10 =	sld [smem:$0x3FB7]  }
0x3d: {  	_ =	shalt  }
0x3e: {  	_ =	shalt  }
0x3f: {  	_ =	shalt  }
0x40: {  	_ =	shalt  }
0x41: {  	_ =	shalt  }
0x42: {  	_ =	shalt  }
0x43: {  	_ =	shalt  }
0x44: {  	_ =	shalt  }
0x45: {  	_ =	shalt  }
0x46: {  	_ =	shalt  }
0x47: {  	_ =	shalt  }
0x48: {  	_ =	shalt  }
0x49: {  	_ =	shalt  }
0x4a: {  	_ =	shalt  }
0x4b: {  	_ =	shalt  }
0x4c: {  	_ =	shalt  }
0x4d: {  	_ =	shalt  }
0x4e: {  	_ =	shalt  }
0x4f: {  	_ =	shalt  }
0x50: {  	_ =	shalt  }
0x51: {  	_ =	shalt  }
0x52: {  	_ =	shalt  }
0x53: {  	_ =	shalt  }
0x54: {  	_ =	shalt  }
0x55: {  	_ =	shalt  }
0x56: {  	_ =	shalt  }
0x57: {  	_ =	shalt  }
0x58: {  	_ =	shalt  }
0x59: {  	_ =	shalt  }
0x5a: {  	_ =	shalt  }
0x5b: {  	_ =	shalt  }
0x5c: {  	_ =	shalt  }
0x5d: {  	_ =	shalt  }
0x5e: {  	_ =	shalt  }
0x5f: {  	_ =	shalt  }
0x60: {  	_ =	shalt  }
0x61: {  	_ =	shalt  }
0x62: {  	_ =	shalt  }
0x63: {  	_ =	shalt  }
0x64: {  	_ =	shalt  }
0x65: {  	_ =	shalt  }
0x66: {  	_ =	shalt  }
0x67: {  	_ =	shalt  }
0x68: {  	_ =	shalt  }
0x69: {  	_ =	shalt  }
0x6a: {  	_ =	shalt  }
0x6b: {  	_ =	shalt  }
0x6c: {  	_ =	shalt  }
0x6d: {  	_ =	shalt  }
0x6e: {  	_ =	shalt  }
0x6f: {  	_ =	shalt  }
0x70: {  	_ =	shalt  }
0x71: {  	_ =	shalt  }
0x72: {  	_ =	shalt  }
0x73: {  	_ =	shalt  }
0x74: {  	_ =	shalt  }
0x75: {  	_ =	shalt  }
0x76: {  	_ =	shalt  }
0x77: {  	_ =	shalt  }
0x78: {  	_ =	shalt  }
0x79: {  	_ =	shalt  }
0x7a: {  	_ =	shalt  }
0x7b: {  	_ =	shalt  }
0x7c: {  	_ =	shalt  }
0x7d: {  	_ =	shalt  }
0x7e: {  	_ =	shalt  }
0x7f: {  	_ =	shalt  }
0x80: {  	_ =	shalt  }
0x81: {  	_ =	shalt  }
0x82: {  	_ =	shalt  }
0x83: {  	_ =	shalt  }
0x84: {  	_ =	shalt  }
0x85: {  	_ =	shalt  }
0x86: {  	_ =	shalt  }
0x87: {  	_ =	shalt  }
.Lfunc_end0:
.L_simem_size_0:
called_computation.1_lowered:
.L_overlay_start_0:
0x88: {  	s2 =	sld [smem:$0x3FD9]  }
0x89: {  	s3 =	sld [smem:$0x3FFE];
	_ =	sdelay $0x1  }
0x8a: {  	s1 =	srdreg.scid  }
0x8b: {  	s0 =	sand.u32 $0x1, s1  }
0x8c: {  	s17 =	sshll.u32 s0, $0xA;
	s2 =	sadd.s32 s3, s2  }
0x8d: {  	s2 =	sadd.s32 s2, s17  }
0x8e: {  	[smem:$0x3FC3] =	sst s2  }
0x8f: {  	_ = 	snop  }
0x90: {  	s2 =	sld [smem:$0x3FD0];
	(tm) =	ssettm $0x1  }
0x91: {  	s18 =	sld [smem:$0x3FFB];
	_ =	sdelay $0x3  }
0x92: {  	_ =	strace s18  }
0x93: {  	s3 =	sld [smem:$0x3FFC];
	_ =	sdelay $0x3  }
0x94: {  	_ =	strace s3  }
0x95: {  	s3 =	sld [smem:$0x3FFD];
	_ =	sdelay $0x3  }
0x96: {  	_ =	strace s3  }
0x97: {  	_ =	strace $0x8FFFFFFF  }
0x98: {  	s19 =	sld [smem:$0x3FDB];
	_ =	sdelay $0x1  }
0x99: {  	s4 =	simm.s32 $_scs_section_size  }
0x9a: {  	s5 =	simm.s32 $_size__tile_overlayer_lowered;
	s6 =	simm.s32 $_tile_overlayer_lowered  }
0x9b: {  	s22 =	simm.s32 $0x1BFF;
	s21 =	sshll.u32 s6, $0x1;
	s3 =	sadd.s32 s4, s19  }
0x9c: {  	s7 =	simm.s32 $0x0;
	s20 =	sshll.u32 s5, $0x1;
	s5 =	sadd.s32 s21, s3  }
0x9d: {  	[timem:s7], [sflag:s22] =	dma.local [hbm:s5], s20  }
0x9e: {  	_ =	swait.ge [sflag:s22], s20  }
0x9f: {  	s4 =	ssub.s32 $0x0, s20;
	[sflag:s22] =	ssyncset.done $0x0  }
0xa0: {  	[sflag:s22] =	ssyncadd.s32 s4;
	_ =	sdelay $0x1  }
0xa1: {  	s23 =	simm.s32 $0x1B8B  }
0xa2: {  	_ =	swait.ge [sflag:s23], $0x1  }
0xa3: {  	[sflag:s23] =	ssyncset.done $0x0  }
0xa4: {  	s25 =	simm.s32 $0x1B8E;
	s24 =	sld [smem:$0x3FFE];
	[sflag:s23] =	ssyncadd.s32 $0xFFFFFFFF  }
0xa5: {  	s26 =	simm.s32 $execute0_lowered;
	[smem:$0x3FD2] =	sst s25  }
0xa6: {  	s5 =	sshll.u32 s26, $0x1;
	_ =	strace $0x80000046;
	[dreg:$0x1] =	wrdreg $0xFFFFFFFF  }
0xa7: {  	s28 =	simm.s32 $_size_execute0_lowered;
	s3 =	sadd.s32 s3, s5;
	[dreg:$0x0] =	wrdreg $0x0  }
0xa8: {  	s5 =	sshll.u32 s28, $0x1;
	[dreg:$0x2] =	wrdreg s3  }
0xa9: {  	[dreg:$0x3] =	wrdreg s5  }
0xaa: {  	[dreg:$0x4] =	wrdreg $0xC0  }
0xab: {  	_ =	task [dreg:s7], $0x5FFFF  }
0xac: {  	[dreg:$0x1] =	wrdreg $0xFFFFFFFF  }
0xad: {  	[dreg:$0x0] =	wrdreg $0x60  }
0xae: {  	[dreg:$0x2] =	wrdreg s24  }
0xaf: {  	[dreg:$0x3] =	wrdreg s2  }
0xb0: {  	[dreg:$0x4] =	wrdreg $0x9  }
0xb1: {  	_ =	task.clear_ibuf [dreg:s7], $0x5FFFF;
	_ =	strace $0x90000046  }
0xb2: {  	s29 =	simm.s32 $0x9;
	_ =	strace $0x80000048  }
0xb3: {  	_ =	swait.ge [sflag:s29], $0x1  }
0xb4: {  	[sflag:s29] =	ssyncadd.s32 $0xFFFFFFFF  }
0xb5: {  	_ =	strace $0x90000048  }
0xb6: {  	_ =	sfence  }
0xb7: {  	s30 =	sld [smem:$0x0];
	_ =	sdelay $0x2  }
0xb8: {  	s31 =	sshll.u32 s1, $0xD;
	s1 =	sshrl.u32 s1, $0x2  }
0xb9: {  	s3 =	sand.u32 $0x4000, s31;
	s1 =	sadd.s32 s1, s30  }
0xba: {  	s0 =	sor.u32 s3, s0;
	s1 =	sshll.u32 s1, $0x11  }
0xbb: {  	s0 =	sor.u32 s1, s0  }
0xbc: {  	s0 =	sadd.s32 $0x8F2B, s0  }
0xbd: {  	[sflag:s0] =	ssyncadd.remote.s32 $0x1  }
0xbe: {  	_ =	sfence.sel $0xFFFF  }
0xbf: {  	[dreg:$0x0] =	wrdreg $0xFFFFFFFF;
	(pc) =	sbr.abs _section_cstart, $3  }
0xc0: {  	[dreg:$0x1] =	wrdreg $0xFFFFFFFF  }
0xc1: {  	_ =	task.clear_ibuf [dreg:s7], $0x2FFFF;
	_ =	strace $0x9FFFFFFF  }
0xc2: {  	(tm) =	ssettm $0x7FFFFFFF  }
0xc3: {  	_ =	shalt  }
tec
execute0_lowered:
.L_overlay_start_1:
0x0: {  	(tag) =	ssettag $0x1  }
0x1: {  	s2 =	stileid.u32;
	s3 =	rddreg [dreg:$0x0]  }
0x2: {  	s4 =	rddreg [dreg:$0x1];
	s18 =	sshll.u32 s2, $0x1;
	s2 =	simm.s32 $0x0  }
0x3: {  	s28 =	simm.s32 $0x100;
	[smem:$0x7FF] =	sst s2  }
0x4: {  	s29 =	simm.s32 $0x180;
	_ =	strace $0x80000047;
	[dreg:$0xc] =	wrdreg s28  }
0x5: {  	s8 =	simm.s32 $0x400;
	[dreg:$0xd] =	wrdreg s29  }
0x6: {  	s9 =	simm.s32 $0x480;
	[dreg:$0x12] =	wrdreg s8  }
0x7: {  	s10 =	simm.s32 $0x500;
	[dreg:$0x13] =	wrdreg s9  }
0x8: {  	s11 =	simm.s32 $0x580;
	[dreg:$0x14] =	wrdreg s10  }
0x9: {  	s12 =	simm.s32 $0x600;
	[dreg:$0x15] =	wrdreg s11  }
0xa: {  	s13 =	simm.s32 $0x680;
	[dreg:$0x16] =	wrdreg s12  }
0xb: {  	s14 =	simm.s32 $0x700;
	[dreg:$0x17] =	wrdreg s13  }
0xc: {  	s15 =	simm.s32 $0x780;
	[dreg:$0x18] =	wrdreg s14  }
0xd: {  	s0 =	srdreg.scid;
	s16 =	simm.s32 $0x800;
	[dreg:$0x19] =	wrdreg s15  }
0xe: {  	s17 =	simm.s32 $0x880;
	s1 =	sand.u32 $0x1, s0;
	[dreg:$0x1a] =	wrdreg s16  }
0xf: {  	s0 =	sor.u32 s1, s18;
	s18 =	simm.s32 $0x900;
	[dreg:$0x1b] =	wrdreg s17  }
0x10: {  	[dreg:$0x1c] =	wrdreg s18;
	s28 =	simm.s32 $0xD80  }
0x11: {  	s29 =	simm.s32 $0xE00;
	[smem:$0x785] =	sst s28  }
0x12: {  	s8 =	simm.s32 $0x1080;
	[smem:$0x786] =	sst s29  }
0x13: {  	s9 =	simm.s32 $0x1100;
	[smem:$0x78B] =	sst s8  }
0x14: {  	s10 =	simm.s32 $0x1180;
	[smem:$0x78C] =	sst s9  }
0x15: {  	s11 =	simm.s32 $0x1200;
	[smem:$0x78D] =	sst s10  }
0x16: {  	s12 =	simm.s32 $0x1280;
	[smem:$0x78E] =	sst s11  }
0x17: {  	s13 =	simm.s32 $0x1300;
	[smem:$0x78F] =	sst s12  }
0x18: {  	s14 =	simm.s32 $0x1380;
	[smem:$0x790] =	sst s13  }
0x19: {  	s15 =	simm.s32 $0x1400;
	[smem:$0x791] =	sst s14  }
0x1a: {  	s16 =	simm.s32 $0x1480;
	[smem:$0x792] =	sst s15  }
0x1b: {  	s17 =	simm.s32 $0x1500;
	[smem:$0x793] =	sst s16  }
0x1c: {  	s18 =	simm.s32 $0x1580;
	[smem:$0x794] =	sst s17  }
0x1d: {  	[smem:$0x795] =	sst s18;
	s28 =	simm.s32 $0x1A80  }
0x1e: {  	s29 =	simm.s32 $0x1B00;
	[smem:$0x79E] =	sst s28  }
0x1f: {  	s8 =	simm.s32 $0x1D80;
	[smem:$0x79F] =	sst s29  }
0x20: {  	s9 =	simm.s32 $0x1E00;
	[smem:$0x7A4] =	sst s8  }
0x21: {  	s10 =	simm.s32 $0x1E80;
	[smem:$0x7A5] =	sst s9  }
0x22: {  	s11 =	simm.s32 $0x1F00;
	[smem:$0x7A6] =	sst s10  }
0x23: {  	s12 =	simm.s32 $0x1F80;
	[smem:$0x7A7] =	sst s11  }
0x24: {  	s13 =	simm.s32 $0x2000;
	[smem:$0x7A8] =	sst s12  }
0x25: {  	s14 =	simm.s32 $0x2080;
	[smem:$0x7A9] =	sst s13  }
0x26: {  	s5 =	smul.u32 $0x320, s0;
	s15 =	simm.s32 $0x2100;
	[smem:$0x7AA] =	sst s14  }
0x27: {  	s7 =	smul.u32 $0x32000, s0;
	s16 =	simm.s32 $0x2180;
	[smem:$0x7AB] =	sst s15  }
0x28: {  	s0 =	smul.u32 $0x6400, s0;
	s17 =	simm.s32 $0x2200;
	[smem:$0x7AC] =	sst s16  }
0x29: {  	s18 =	simm.s32 $0x2280;
	[smem:$0x7AD] =	sst s17  }
0x2a: {  	s22 =	sadd.s32 $0xC5E200, s3;
	s21 =	sadd.s32 s4, s0;
	[smem:$0x7AE] =	sst s18  }
0x2b: {  	s24 =	sadd.s32 $0xB96200, s3;
	s23 =	sadd.s32 s22, s0;
	[dreg:$0x6] =	wrdreg s21  }
0x2c: {  	s0 =	sadd.s32 s24, s0;
	[dreg:$0x8] =	wrdreg s23  }
0x2d: {  	s20 =	sshrl.u32 s7, $0x3;
	s7 =	simm.s32 $0x380;
	[dreg:$0xa] =	wrdreg s0  }
0x2e: {  	s28 =	simm.s32 $0x2700;
	[dreg:$0x11] =	wrdreg s7  }
0x2f: {  	s29 =	simm.s32 $0x2780;
	[smem:$0x7B7] =	sst s28  }
0x30: {  	s8 =	simm.s32 $0x2A00;
	[smem:$0x7B8] =	sst s29  }
0x31: {  	s9 =	simm.s32 $0x2A80;
	[smem:$0x7BD] =	sst s8  }
0x32: {  	s10 =	simm.s32 $0x2B00;
	[smem:$0x7BE] =	sst s9  }
0x33: {  	s11 =	simm.s32 $0x2B80;
	[smem:$0x7BF] =	sst s10  }
0x34: {  	s12 =	simm.s32 $0x2C00;
	[smem:$0x7C0] =	sst s11  }
0x35: {  	s13 =	simm.s32 $0x2C80;
	[smem:$0x7C1] =	sst s12  }
0x36: {  	s14 =	simm.s32 $0x2D00;
	[smem:$0x7C2] =	sst s13  }
0x37: {  	s15 =	simm.s32 $0x2D80;
	[smem:$0x7C3] =	sst s14  }
0x38: {  	s16 =	simm.s32 $0x2E00;
	[smem:$0x7C4] =	sst s15  }
0x39: {  	s17 =	simm.s32 $0x2E80;
	[smem:$0x7C5] =	sst s16  }
0x3a: {  	s5 =	sadd.s32 s5, s3;
	s18 =	simm.s32 $0x2F00;
	[smem:$0x7C6] =	sst s17  }
0x3b: {  	s6 =	sadd.s32 $0x1E000, s5;
	[smem:$0x7C7] =	sst s18  }
0x3c: {  	s19 =	sadd.s32 $0x17C00, s5;
	[dreg:$0x3] =	wrdreg s6  }
0x3d: {  	s5 =	sadd.s32 $0x11800, s5;
	[dreg:$0x4] =	wrdreg s19  }
0x3e: {  	s21 =	simm.s32 $0xA80;
	[dreg:$0x5] =	wrdreg s5  }
0x3f: {  	s23 =	simm.s32 $0xB80;
	[dreg:$0x1f] =	wrdreg s21  }
0x40: {  	s7 =	simm.s32 $0x1000;
	[smem:$0x781] =	sst s23  }
0x41: {  	s28 =	simm.s32 $0x3400;
	[smem:$0x78A] =	sst s7  }
0x42: {  	s29 =	simm.s32 $0x3480;
	[smem:$0x7D0] =	sst s28  }
0x43: {  	s8 =	simm.s32 $0x3700;
	[smem:$0x7D1] =	sst s29  }
0x44: {  	s9 =	simm.s32 $0x3780;
	[smem:$0x7D6] =	sst s8  }
0x45: {  	s10 =	simm.s32 $0x3800;
	[smem:$0x7D7] =	sst s9  }
0x46: {  	s11 =	simm.s32 $0x3880;
	[smem:$0x7D8] =	sst s10  }
0x47: {  	s12 =	simm.s32 $0x3900;
	[smem:$0x7D9] =	sst s11  }
0x48: {  	s13 =	simm.s32 $0x3980;
	[smem:$0x7DA] =	sst s12  }
0x49: {  	s14 =	simm.s32 $0x3A00;
	[smem:$0x7DB] =	sst s13  }
0x4a: {  	s15 =	simm.s32 $0x3A80;
	[smem:$0x7DC] =	sst s14  }
0x4b: {  	s16 =	simm.s32 $0x3B00;
	[smem:$0x7DD] =	sst s15  }
0x4c: {  	s17 =	simm.s32 $0x3B80;
	[smem:$0x7DE] =	sst s16  }
0x4d: {  	s18 =	simm.s32 $0x3C00;
	[smem:$0x7DF] =	sst s17  }
0x4e: {  	s5 =	simm.s32 $0x280;
	[smem:$0x7E0] =	sst s18  }
0x4f: {  	s19 =	simm.s32 $0x980;
	[dreg:$0xf] =	wrdreg s5  }
0x50: {  	s6 =	sadd.s32 $0x3200, s20;
	s20 =	simm.s32 $0xA00;
	[dreg:$0x1d] =	wrdreg s19  }
0x51: {  	s21 =	simm.s32 $0x1700;
	[dreg:$0x1e] =	wrdreg s20  }
0x52: {  	s23 =	simm.s32 $0x1800;
	[smem:$0x798] =	sst s21  }
0x53: {  	s7 =	simm.s32 $0x1D00;
	[smem:$0x79A] =	sst s23  }
0x54: {  	s28 =	simm.s32 $0x4080;
	[smem:$0x7A3] =	sst s7  }
0x55: {  	s9 =	simm.s32 $0x4200;
	[smem:$0x7E9] =	sst s28  }
0x56: {  	s11 =	simm.s32 $0x4280;
	[smem:$0x7EC] =	sst s9  }
0x57: {  	s13 =	simm.s32 $0x4300;
	[smem:$0x7ED] =	sst s11  }
0x58: {  	s14 =	simm.s32 $0x4380;
	[smem:$0x7EE] =	sst s13  }
0x59: {  	s15 =	simm.s32 $0x4400;
	[smem:$0x7EF] =	sst s14  }
0x5a: {  	s16 =	simm.s32 $0x4480;
	[smem:$0x7F0] =	sst s15  }
0x5b: {  	s17 =	simm.s32 $0x4500;
	[smem:$0x7F1] =	sst s16  }
0x5c: {  	s18 =	simm.s32 $0x4580;
	[smem:$0x7F2] =	sst s17  }
0x5d: {  	s4 =	sadd.s32 s4, s6;
	[smem:$0x7F3] =	sst s18  }
0x5e: {  	s25 =	sadd.s32 s22, s6;
	[dreg:$0x7] =	wrdreg s4  }
0x5f: {  	s26 =	sadd.s32 s24, s6;
	[dreg:$0x9] =	wrdreg s25  }
0x60: {  	s6 =	simm.s32 $0x300;
	[dreg:$0xb] =	wrdreg s26  }
0x61: {  	s22 =	simm.s32 $0xB00;
	[dreg:$0x10] =	wrdreg s6  }
0x62: {  	s24 =	simm.s32 $0xC00;
	[smem:$0x780] =	sst s22  }
0x63: {  	s5 =	simm.s32 $0xF00;
	[smem:$0x782] =	sst s24  }
0x64: {  	s19 =	simm.s32 $0x1600;
	[smem:$0x788] =	sst s5  }
0x65: {  	s20 =	simm.s32 $0x1680;
	[smem:$0x796] =	sst s19  }
0x66: {  	s21 =	simm.s32 $0x2400;
	[smem:$0x797] =	sst s20  }
0x67: {  	s23 =	simm.s32 $0x2500;
	[smem:$0x7B1] =	sst s21  }
0x68: {  	s1 =	ssub.s32 $0x2, s1;
	s7 =	simm.s32 $0x2980;
	[smem:$0x7B3] =	sst s23  }
0x69: {  	s29 =	sshrl.u32 s1, $0x1;
	s28 =	simm.s32 $0x4A00;
	[smem:$0x7BC] =	sst s7  }
0x6a: {  	s1 =	ssub.s32 s1, s29;
	s29 =	simm.s32 $0x4A80;
	[smem:$0x7FC] =	sst s28  }
0x6b: {  	s4 =	simm.s32 $0x200;
	[smem:$0x7FD] =	sst s29  }
0x6c: {  	s25 =	simm.s32 $0xC80;
	[dreg:$0xe] =	wrdreg s4  }
0x6d: {  	s26 =	simm.s32 $0xD00;
	[smem:$0x783] =	sst s25  }
0x6e: {  	s6 =	simm.s32 $0xF80;
	[smem:$0x784] =	sst s26  }
0x6f: {  	s22 =	simm.s32 $0x1780;
	[smem:$0x789] =	sst s6  }
0x70: {  	s24 =	simm.s32 $0x1880;
	[smem:$0x799] =	sst s22  }
0x71: {  	s5 =	simm.s32 $0x1C00;
	[smem:$0x79B] =	sst s24  }
0x72: {  	s19 =	simm.s32 $0x2300;
	[smem:$0x7A1] =	sst s5  }
0x73: {  	s20 =	simm.s32 $0x2380;
	[smem:$0x7AF] =	sst s19  }
0x74: {  	s21 =	simm.s32 $0x3080;
	[smem:$0x7B0] =	sst s20  }
0x75: {  	s23 =	simm.s32 $0x3180;
	[smem:$0x7CA] =	sst s21  }
0x76: {  	s7 =	simm.s32 $0x3680;
	[smem:$0x7CC] =	sst s23  }
0x77: {  	s10 =	smax.u32 s1, $0x1;
	s4 =	simm.s32 $0xE80;
	[smem:$0x7D5] =	sst s7  }
0x78: {  	p1 =	sne.s32 s10, $0x1;
	s1 =	sadd.s32 $0xFFFFFFFF, s10;
	s10 =	rddreg [dreg:$0x3]  }
0x79: {  	s25 =	simm.s32 $0x1980;
	[smem:$0x787] =	sst s4  }
0x7a: {  	s26 =	simm.s32 $0x1A00;
	[smem:$0x79C] =	sst s25  }
0x7b: {  	s6 =	simm.s32 $0x1C80;
	[smem:$0x79D] =	sst s26  }
0x7c: {  	s22 =	simm.s32 $0x2480;
	[smem:$0x7A2] =	sst s6  }
0x7d: {  	s24 =	simm.s32 $0x2580;
	[smem:$0x7B2] =	sst s22  }
0x7e: {  	s5 =	simm.s32 $0x2880;
	[smem:$0x7B4] =	sst s24  }
0x7f: {  	s19 =	simm.s32 $0x2F80;
	[smem:$0x7BA] =	sst s5  }
0x80: {  	s20 =	simm.s32 $0x3000;
	[smem:$0x7C8] =	sst s19  }
0x81: {  	s21 =	simm.s32 $0x3D80;
	[smem:$0x7C9] =	sst s20  }
0x82: {  	s23 =	simm.s32 $0x3E80;
	[smem:$0x7E3] =	sst s21  }
0x83: {  	s7 =	simm.s32 $0x4180;
	[smem:$0x7E5] =	sst s23  }
0x84: {  	s4 =	simm.s32 $0x1B80;
	[smem:$0x7EB] =	sst s7  }
0x85: {  	s25 =	simm.s32 $0x2600;
	[smem:$0x7A0] =	sst s4  }
0x86: {  	s26 =	simm.s32 $0x2680;
	[smem:$0x7B5] =	sst s25  }
0x87: {  	s6 =	simm.s32 $0x2900;
	[smem:$0x7B6] =	sst s26  }
0x88: {  	s22 =	simm.s32 $0x3100;
	[smem:$0x7BB] =	sst s6  }
0x89: {  	s24 =	simm.s32 $0x3280;
	[smem:$0x7CB] =	sst s22  }
0x8a: {  	s5 =	simm.s32 $0x3580;
	[smem:$0x7CD] =	sst s24  }
0x8b: {  	s19 =	simm.s32 $0x3C80;
	[smem:$0x7D3] =	sst s5  }
0x8c: {  	s20 =	simm.s32 $0x3D00;
	[smem:$0x7E1] =	sst s19  }
0x8d: {  	s21 =	simm.s32 $0x4700;
	[smem:$0x7E2] =	sst s20  }
0x8e: {  	s23 =	simm.s32 $0x4800;
	[smem:$0x7F6] =	sst s21  }
0x8f: {  	s4 =	simm.s32 $0x2800;
	[smem:$0x7F8] =	sst s23  }
0x90: {  	s25 =	simm.s32 $0x3300;
	[smem:$0x7B9] =	sst s4  }
0x91: {  	s26 =	simm.s32 $0x3380;
	[smem:$0x7CE] =	sst s25  }
0x92: {  	s31 =	simm.s32 $0x2;
	s6 =	simm.s32 $0x3600;
	[smem:$0x7CF] =	sst s26  }
0x93: {  	s30 =	simm.s32 $0x3200;
	s22 =	simm.s32 $0x3E00;
	[smem:$0x7D4] =	sst s6  }
0x94: {  	p0 =	por $0x0, $0x0;
	s24 =	simm.s32 $0x3F00;
	[smem:$0x7E4] =	sst s22  }
0x95: {  	s0 =	sadd.s32 $0x7C5600, s3;
	s19 =	simm.s32 $0x4600;
	[smem:$0x7E6] =	sst s24  }
0x96: {  	s8 =	sadd.s32 $0x9ADC00, s3;
	s20 =	simm.s32 $0x4680;
	[smem:$0x7F4] =	sst s19  }
0x97: {  	s12 =	simm.s32 $0x1900;
	s4 =	simm.s32 $0x3500;
	[smem:$0x7F5] =	sst s20  }
0x98: {  	s9 =	simm.s32 $0x5B00;
	s25 =	simm.s32 $0x3F80;
	[smem:$0x7D2] =	sst s4  }
0x99: {  	s15 =	simm.s32 $0x13B00;
	s26 =	simm.s32 $0x4000;
	[smem:$0x7E7] =	sst s25  }
0x9a: {  	s13 =	simm.s32 $0x14B00;
	s6 =	simm.s32 $0x4100;
	[smem:$0x7E8] =	sst s26  }
.Ltmp0:
0x9b: {  	s22 =	simm.s32 $0x4780;
	[smem:$0x7EA] =	sst s6;
	(pc) =	sbr.rel @!p1 .LBB2_5-.Ltmp0, $4  }
0x9c: {  	s11 =	simm.s32 $0x15B00;
	s24 =	simm.s32 $0x4880;
	[smem:$0x7F7] =	sst s22  }
0x9d: {  	s7 =	simm.s32 $0x80;
	[smem:$0x7F9] =	sst s24;
	s25 =	simm.s32 $0x4900  }
0x9e: {  	s5 =	sadd.s32 $0xF66800, s3;
	s26 =	simm.s32 $0x4980;
	[smem:$0x7FA] =	sst s25  }
0x9f: {  	s4 =	simm.s32 $0x4B00;
	s6 =	simm.s32 $0x1;
	[smem:$0x7FB] =	sst s26  }
0xa0: {  	[tilespmem:s2], [sflag:$0x2] =	stream.linear.gather [hbm4b:s10+s2], $0x1900, $0x38;
	[tilespmem:$0x1DB00] =	vst v63  }
0xa1: {  	_ =	swait.ge [sflag:s31], $0x1900  }
0xa2: {  	[sflag:s31] =	ssyncset.done $0x0  }
0xa3: {  	s3 =	rddreg [dreg:$0x4];
	[sflag:s31] =	ssyncadd.s32 $0xFFFFE700  }
0xa4: {  	[tilespmem:s12], [sflag:$0x2] =	stream.linear.gather [hbm4b:s3+s2], $0x1900, $0x38;
	[tilespmem:$0x1DB00] =	vst v63  }
0xa5: {  	_ =	swait.ge [sflag:s31], $0x1900  }
0xa6: {  	[sflag:s31] =	ssyncset.done $0x0  }
0xa7: {  	s12 =	rddreg [dreg:$0x5];
	[sflag:s31] =	ssyncadd.s32 $0xFFFFE700  }
0xa8: {  	[tilespmem:s30], [sflag:$0x2] =	stream.linear.gather [hbm4b:s12+s2], $0x1900, $0x38;
	[tilespmem:$0x1DB00] =	vst v63  }
0xa9: {  	_ =	swait.ge [sflag:s31], $0x1900  }
0xaa: {  	[sflag:s31] =	ssyncset.done $0x0  }
0xab: {  	[sflag:s31] =	ssyncadd.s32 $0xFFFFE700  }
0xac: {  	[tilespmem:s4], [sflag:$0x1] =	stream.indirect.gather [hbm4b:s8+s7], $0x20, s2, s7, $0xb8;
	[tilespmem:$0x1DB00] =	vst v63  }
0xad: {  	s14 =	rddreg [dreg:$0xc]  }
0xae: {  	[tilespmem:s9], [sflag:$0x1] =	stream.indirect.gather [hbm4b:s8+s7], $0x20, s7, s7, $0xb8;
	[tilespmem:$0x1DB00] =	vst v63  }
0xaf: {  	s17 =	simm.s32 $0x6B00;
	s16 =	rddreg [dreg:$0xd]  }
0xb0: {  	[tilespmem:s17], [sflag:$0x1] =	stream.indirect.gather [hbm4b:s8+s7], $0x20, s14, s7, $0xb8;
	[tilespmem:$0x1DB00] =	vst v63  }
0xb1: {  	s19 =	simm.s32 $0x7B00;
	s18 =	rddreg [dreg:$0xe]  }
0xb2: {  	[tilespmem:s19], [sflag:$0x1] =	stream.indirect.gather [hbm4b:s8+s7], $0x20, s16, s7, $0xb8;
	[tilespmem:$0x1DB00] =	vst v63  }
0xb3: {  	s21 =	simm.s32 $0x8B00;
	s20 =	rddreg [dreg:$0xf]  }
0xb4: {  	[tilespmem:s21], [sflag:$0x1] =	stream.indirect.gather [hbm4b:s8+s7], $0x20, s18, s7, $0xb8;
	[tilespmem:$0x1DB00] =	vst v63  }
0xb5: {  	s24 =	simm.s32 $0x9B00;
	s22 =	rddreg [dreg:$0x10]  }
0xb6: {  	[tilespmem:s24], [sflag:$0x1] =	stream.indirect.gather [hbm4b:s8+s7], $0x20, s20, s7, $0xb8;
	[tilespmem:$0x1DB00] =	vst v63  }
0xb7: {  	s3 =	simm.s32 $0xAB00;
	s26 =	rddreg [dreg:$0x11]  }
0xb8: {  	[tilespmem:s3], [sflag:$0x1] =	stream.indirect.gather [hbm4b:s8+s7], $0x20, s22, s7, $0xb8;
	[tilespmem:$0x1DB00] =	vst v63  }
0xb9: {  	s29 =	simm.s32 $0xBB00;
	s28 =	rddreg [dreg:$0x12]  }
0xba: {  	[tilespmem:s29], [sflag:$0x1] =	stream.indirect.gather [hbm4b:s8+s7], $0x20, s26, s7, $0xb8;
	[tilespmem:$0x1DB00] =	vst v63  }
0xbb: {  	s12 =	rddreg [dreg:$0x13];
	s16 =	simm.s32 $0xCB00  }
0xbc: {  	[tilespmem:s16], [sflag:$0x1] =	stream.indirect.gather [hbm4b:s8+s7], $0x20, s28, s7, $0xb8;
	[tilespmem:$0x1DB00] =	vst v63  }
0xbd: {  	s4 =	rddreg [dreg:$0x18];
	s18 =	simm.s32 $0xDB00  }
0xbe: {  	[tilespmem:s18], [sflag:$0x1] =	stream.indirect.gather [hbm4b:s8+s7], $0x20, s12, s7, $0xb8;
	[tilespmem:$0x1DB00] =	vst v63  }
0xbf: {  	s17 =	rddreg [dreg:$0x14];
	s22 =	simm.s32 $0xEB00  }
0xc0: {  	[tilespmem:s22], [sflag:$0x1] =	stream.indirect.gather [hbm4b:s8+s7], $0x20, s17, s7, $0xb8;
	[tilespmem:$0x1DB00] =	vst v63  }
0xc1: {  	s19 =	rddreg [dreg:$0x15];
	s26 =	simm.s32 $0xFB00  }
0xc2: {  	[tilespmem:s26], [sflag:$0x1] =	stream.indirect.gather [hbm4b:s8+s7], $0x20, s19, s7, $0xb8;
	[tilespmem:$0x1DB00] =	vst v63  }
0xc3: {  	s24 =	rddreg [dreg:$0x16];
	s29 =	simm.s32 $0x10B00  }
0xc4: {  	[tilespmem:s29], [sflag:$0x1] =	stream.indirect.gather [hbm4b:s8+s7], $0x20, s24, s7, $0xb8;
	[tilespmem:$0x1DB00] =	vst v63  }
0xc5: {  	s28 =	rddreg [dreg:$0x17];
	s12 =	simm.s32 $0x11B00  }
0xc6: {  	[tilespmem:s12], [sflag:$0x1] =	stream.indirect.gather [hbm4b:s8+s7], $0x20, s28, s7, $0xb8;
	[tilespmem:$0x1DB00] =	vst v63  }
0xc7: {  	s16 =	rddreg [dreg:$0x19];
	s17 =	simm.s32 $0x12B00  }
0xc8: {  	[tilespmem:s17], [sflag:$0x1] =	stream.indirect.gather [hbm4b:s8+s7], $0x20, s4, s7, $0xb8;
	[tilespmem:$0x1DB00] =	vst v63  }
0xc9: {  	s18 =	rddreg [dreg:$0x1a]  }
0xca: {  	[tilespmem:s15], [sflag:$0x1] =	stream.indirect.gather [hbm4b:s8+s7], $0x20, s16, s7, $0xb8;
	[tilespmem:$0x1DB00] =	vst v63  }
0xcb: {  	s22 =	rddreg [dreg:$0x1c]  }
0xcc: {  	[tilespmem:s13], [sflag:$0x1] =	stream.indirect.gather [hbm4b:s8+s7], $0x20, s18, s7, $0xb8;
	[tilespmem:$0x1DB00] =	vst v63  }
0xcd: {  	s19 =	rddreg [dreg:$0x1b]  }
0xce: {  	[tilespmem:s11], [sflag:$0x1] =	stream.indirect.gather [hbm4b:s8+s7], $0x20, s19, s7, $0xb8;
	[tilespmem:$0x1DB00] =	vst v63  }
0xcf: {  	s26 =	simm.s32 $0x16B00;
	s24 =	rddreg [dreg:$0x1d]  }
0xd0: {  	[tilespmem:s26], [sflag:$0x1] =	stream.indirect.gather [hbm4b:s8+s7], $0x20, s22, s7, $0xb8;
	[tilespmem:$0x1DB00] =	vst v63  }
0xd1: {  	s29 =	simm.s32 $0x17B00;
	s28 =	rddreg [dreg:$0x1e]  }
0xd2: {  	[tilespmem:s29], [sflag:$0x1] =	stream.indirect.gather [hbm4b:s8+s7], $0x20, s24, s7, $0xb8;
	[tilespmem:$0x1DB00] =	vst v63  }
0xd3: {  	s12 =	sld [smem:$0x780];
	s11 =	simm.s32 $0x18B00  }
0xd4: {  	[tilespmem:s11], [sflag:$0x1] =	stream.indirect.gather [hbm4b:s8+s7], $0x20, s28, s7, $0xb8;
	[tilespmem:$0x1DB00] =	vst v63  }
0xd5: {  	s4 =	rddreg [dreg:$0x1f];
	s15 =	simm.s32 $0x19B00  }
0xd6: {  	[tilespmem:s15], [sflag:$0x1] =	stream.indirect.gather [hbm4b:s8+s7], $0x20, s4, s7, $0xb8;
	[tilespmem:$0x1DB00] =	vst v63  }
0xd7: {  	s16 =	sld [smem:$0x781];
	s24 =	simm.s32 $0x1AB00  }
0xd8: {  	[tilespmem:s24], [sflag:$0x1] =	stream.indirect.gather [hbm4b:s8+s7], $0x20, s12, s7, $0xb8;
	[tilespmem:$0x1DB00] =	vst v63  }
0xd9: {  	s26 =	sld [smem:$0x782];
	s28 =	simm.s32 $0x1BB00  }
0xda: {  	[tilespmem:s28], [sflag:$0x1] =	stream.indirect.gather [hbm4b:s8+s7], $0x20, s16, s7, $0xb8;
	[tilespmem:$0x1DB00] =	vst v63  }
0xdb: {  	[smem:$0x77F] =	sst s1;
	s29 =	simm.s32 $0x1CB00  }
0xdc: {  	[tilespmem:s29], [sflag:$0x1] =	stream.indirect.gather [hbm4b:s8+s7], $0x20, s26, s7, $0xb8;
	[tilespmem:$0x1DB00] =	vst v63  }
0xdd: {  	_ =	swait.ge [sflag:s6], $0x1000  }
0xde: {  	[sflag:s6] =	ssyncset.done $0x0  }
0xdf: {  	[sflag:s6] =	ssyncadd.s32 $0xFFFFF000  }
0xe0: {  	_ =	swait.ge [sflag:s6], $0x1000  }
0xe1: {  	[sflag:s6] =	ssyncset.done $0x0  }
0xe2: {  	[sflag:s6] =	ssyncadd.s32 $0xFFFFF000  }
0xe3: {  	_ =	swait.ge [sflag:s6], $0x1000  }
0xe4: {  	[sflag:s6] =	ssyncset.done $0x0  }
0xe5: {  	[sflag:s6] =	ssyncadd.s32 $0xFFFFF000  }
0xe6: {  	_ =	swait.ge [sflag:s6], $0x1000  }
0xe7: {  	[sflag:s6] =	ssyncset.done $0x0  }
0xe8: {  	[sflag:s6] =	ssyncadd.s32 $0xFFFFF000  }
0xe9: {  	_ =	swait.ge [sflag:s6], $0x1000  }
0xea: {  	[sflag:s6] =	ssyncset.done $0x0  }
0xeb: {  	[sflag:s6] =	ssyncadd.s32 $0xFFFFF000  }
0xec: {  	_ =	swait.ge [sflag:s6], $0x1000  }
0xed: {  	[sflag:s6] =	ssyncset.done $0x0  }
0xee: {  	[sflag:s6] =	ssyncadd.s32 $0xFFFFF000  }
0xef: {  	_ =	swait.ge [sflag:s6], $0x1000  }
0xf0: {  	[sflag:s6] =	ssyncset.done $0x0  }
0xf1: {  	[sflag:s6] =	ssyncadd.s32 $0xFFFFF000  }
0xf2: {  	_ =	swait.ge [sflag:s6], $0x1000  }
0xf3: {  	[sflag:s6] =	ssyncset.done $0x0  }
0xf4: {  	[sflag:s6] =	ssyncadd.s32 $0xFFFFF000  }
0xf5: {  	_ =	swait.ge [sflag:s6], $0x1000  }
0xf6: {  	[sflag:s6] =	ssyncset.done $0x0  }
0xf7: {  	[sflag:s6] =	ssyncadd.s32 $0xFFFFF000  }
0xf8: {  	_ =	swait.ge [sflag:s6], $0x1000  }
0xf9: {  	[sflag:s6] =	ssyncset.done $0x0  }
0xfa: {  	[sflag:s6] =	ssyncadd.s32 $0xFFFFF000  }
0xfb: {  	_ =	swait.ge [sflag:s6], $0x1000  }
0xfc: {  	[sflag:s6] =	ssyncset.done $0x0  }
0xfd: {  	[sflag:s6] =	ssyncadd.s32 $0xFFFFF000  }
0xfe: {  	_ =	swait.ge [sflag:s6], $0x1000  }
0xff: {  	[sflag:s6] =	ssyncset.done $0x0  }
0x100: {  	[sflag:s6] =	ssyncadd.s32 $0xFFFFF000  }
0x101: {  	_ =	swait.ge [sflag:s6], $0x1000  }
0x102: {  	[sflag:s6] =	ssyncset.done $0x0  }
0x103: {  	[sflag:s6] =	ssyncadd.s32 $0xFFFFF000  }
0x104: {  	_ =	swait.ge [sflag:s6], $0x1000  }
0x105: {  	[sflag:s6] =	ssyncset.done $0x0  }
0x106: {  	[sflag:s6] =	ssyncadd.s32 $0xFFFFF000  }
0x107: {  	_ =	swait.ge [sflag:s6], $0x1000  }
0x108: {  	[sflag:s6] =	ssyncset.done $0x0  }
0x109: {  	[sflag:s6] =	ssyncadd.s32 $0xFFFFF000  }
0x10a: {  	_ =	swait.ge [sflag:s6], $0x1000  }
0x10b: {  	[sflag:s6] =	ssyncset.done $0x0  }
0x10c: {  	[sflag:s6] =	ssyncadd.s32 $0xFFFFF000  }
0x10d: {  	_ =	swait.ge [sflag:s6], $0x1000  }
0x10e: {  	[sflag:s6] =	ssyncset.done $0x0  }
0x10f: {  	[sflag:s6] =	ssyncadd.s32 $0xFFFFF000  }
0x110: {  	_ =	swait.ge [sflag:s6], $0x1000  }
0x111: {  	[sflag:s6] =	ssyncset.done $0x0  }
0x112: {  	[sflag:s6] =	ssyncadd.s32 $0xFFFFF000  }
0x113: {  	_ =	swait.ge [sflag:s6], $0x1000  }
0x114: {  	[sflag:s6] =	ssyncset.done $0x0  }
0x115: {  	[sflag:s6] =	ssyncadd.s32 $0xFFFFF000  }
0x116: {  	_ =	swait.ge [sflag:s6], $0x1000  }
0x117: {  	[sflag:s6] =	ssyncset.done $0x0  }
0x118: {  	[sflag:s6] =	ssyncadd.s32 $0xFFFFF000  }
0x119: {  	_ =	swait.ge [sflag:s6], $0x1000  }
0x11a: {  	[sflag:s6] =	ssyncset.done $0x0  }
0x11b: {  	[sflag:s6] =	ssyncadd.s32 $0xFFFFF000  }
0x11c: {  	_ =	swait.ge [sflag:s6], $0x1000  }
0x11d: {  	[sflag:s6] =	ssyncset.done $0x0  }
0x11e: {  	[sflag:s6] =	ssyncadd.s32 $0xFFFFF000  }
0x11f: {  	_ =	swait.ge [sflag:s6], $0x1000  }
0x120: {  	[sflag:s6] =	ssyncset.done $0x0  }
0x121: {  	[sflag:s6] =	ssyncadd.s32 $0xFFFFF000  }
0x122: {  	_ =	swait.ge [sflag:s6], $0x1000  }
0x123: {  	[sflag:s6] =	ssyncset.done $0x0  }
0x124: {  	[sflag:s6] =	ssyncadd.s32 $0xFFFFF000  }
0x125: {  	_ =	swait.ge [sflag:s6], $0x1000  }
0x126: {  	s10 =	simm.s32 $0x0;
	[sflag:s6] =	ssyncset.done $0x0  }
0x127: {  	s11 =	simm.s32 $0x4B00;
	s1 =	rddreg [dreg:$0x6];
	[sflag:s6] =	ssyncadd.s32 $0xFFFFF000  }
0x128: {  	[hbm4b:s1+s10] =	stream.linear.scatter [tilespmem:s11], [sflag:$0x2], $0x19000, $0x38;
	[tilespmem:$0x1DB00] =	vst v63  }
0x129: {  	_ =	swait.ge [sflag:s31], $0x19000  }
0x12a: {  	s26 =	sld [smem:$0x783]  }
0x12b: {  	[sflag:s31] =	ssyncset.done $0x0  }
0x12c: {  	s28 =	sld [smem:$0x784];
	[sflag:s31] =	ssyncadd.s32 $0xFFFE7000  }
0x12d: {  	[tilespmem:s11], [sflag:$0x1] =	stream.indirect.gather [hbm4b:s8+s7], $0x20, s26, s7, $0xb8;
	[tilespmem:$0x1DB00] =	vst v63  }
0x12e: {  	s1 =	simm.s32 $0x5B00;
	s29 =	sld [smem:$0x785]  }
0x12f: {  	[tilespmem:s1], [sflag:$0x1] =	stream.indirect.gather [hbm4b:s8+s7], $0x20, s28, s7, $0xb8;
	[tilespmem:$0x1DB00] =	vst v63  }
0x130: {  	s25 =	simm.s32 $0x6B00;
	s26 =	sld [smem:$0x786]  }
0x131: {  	[tilespmem:s25], [sflag:$0x1] =	stream.indirect.gather [hbm4b:s8+s7], $0x20, s29, s7, $0xb8;
	[tilespmem:$0x1DB00] =	vst v63  }
0x132: {  	s23 =	simm.s32 $0x7B00;
	s28 =	sld [smem:$0x787]  }
0x133: {  	[tilespmem:s23], [sflag:$0x1] =	stream.indirect.gather [hbm4b:s8+s7], $0x20, s26, s7, $0xb8;
	[tilespmem:$0x1DB00] =	vst v63  }
0x134: {  	s21 =	simm.s32 $0x8B00;
	s23 =	sld [smem:$0x788]  }
0x135: {  	[tilespmem:s21], [sflag:$0x1] =	stream.indirect.gather [hbm4b:s8+s7], $0x20, s28, s7, $0xb8;
	[tilespmem:$0x1DB00] =	vst v63  }
0x136: {  	s2 =	simm.s32 $0x9B00;
	s25 =	sld [smem:$0x789]  }
0x137: {  	[tilespmem:s2], [sflag:$0x1] =	stream.indirect.gather [hbm4b:s8+s7], $0x20, s23, s7, $0xb8;
	[tilespmem:$0x1DB00] =	vst v63  }
0x138: {  	s3 =	simm.s32 $0xAB00;
	s2 =	sld [smem:$0x78A]  }
0x139: {  	[tilespmem:s3], [sflag:$0x1] =	stream.indirect.gather [hbm4b:s8+s7], $0x20, s25, s7, $0xb8;
	[tilespmem:$0x1DB00] =	vst v63  }
0x13a: {  	s14 =	simm.s32 $0xBB00;
	s3 =	sld [smem:$0x78B]  }
0x13b: {  	[tilespmem:s14], [sflag:$0x1] =	stream.indirect.gather [hbm4b:s8+s7], $0x20, s2, s7, $0xb8;
	[tilespmem:$0x1DB00] =	vst v63  }
0x13c: {  	s20 =	simm.s32 $0xCB00;
	s14 =	sld [smem:$0x78C]  }
0x13d: {  	[tilespmem:s20], [sflag:$0x1] =	stream.indirect.gather [hbm4b:s8+s7], $0x20, s3, s7, $0xb8;
	[tilespmem:$0x1DB00] =	vst v63  }
0x13e: {  	s2 =	simm.s32 $0xDB00;
	s10 =	sld [smem:$0x78D]  }
0x13f: {  	[tilespmem:s2], [sflag:$0x1] =	stream.indirect.gather [hbm4b:s8+s7], $0x20, s14, s7, $0xb8;
	[tilespmem:$0x1DB00] =	vst v63  }
0x140: {  	s14 =	simm.s32 $0xEB00;
	s20 =	sld [smem:$0x78E]  }
0x141: {  	[tilespmem:s14], [sflag:$0x1] =	stream.indirect.gather [hbm4b:s8+s7], $0x20, s10, s7, $0xb8;
	[tilespmem:$0x1DB00] =	vst v63  }
0x142: {  	s3 =	simm.s32 $0xFB00;
	s21 =	sld [smem:$0x78F]  }
0x143: {  	[tilespmem:s3], [sflag:$0x1] =	stream.indirect.gather [hbm4b:s8+s7], $0x20, s20, s7, $0xb8;
	[tilespmem:$0x1DB00] =	vst v63  }
0x144: {  	s23 =	sld [smem:$0x790];
	s20 =	simm.s32 $0x10B00  }
0x145: {  	[tilespmem:s20], [sflag:$0x1] =	stream.indirect.gather [hbm4b:s8+s7], $0x20, s21, s7, $0xb8;
	[tilespmem:$0x1DB00] =	vst v63  }
0x146: {  	s10 =	sld [smem:$0x791];
	s21 =	simm.s32 $0x11B00  }
0x147: {  	[tilespmem:s21], [sflag:$0x1] =	stream.indirect.gather [hbm4b:s8+s7], $0x20, s23, s7, $0xb8;
	[tilespmem:$0x1DB00] =	vst v63  }
0x148: {  	s9 =	sld [smem:$0x792];
	s23 =	simm.s32 $0x12B00  }
0x149: {  	[tilespmem:s23], [sflag:$0x1] =	stream.indirect.gather [hbm4b:s8+s7], $0x20, s10, s7, $0xb8;
	[tilespmem:$0x1DB00] =	vst v63  }
0x14a: {  	s4 =	simm.s32 $0x13B00;
	s10 =	sld [smem:$0x793]  }
0x14b: {  	[tilespmem:s4], [sflag:$0x1] =	stream.indirect.gather [hbm4b:s8+s7], $0x20, s9, s7, $0xb8;
	[tilespmem:$0x1DB00] =	vst v63  }
0x14c: {  	s12 =	simm.s32 $0x14B00;
	s4 =	sld [smem:$0x794]  }
0x14d: {  	[tilespmem:s12], [sflag:$0x1] =	stream.indirect.gather [hbm4b:s8+s7], $0x20, s10, s7, $0xb8;
	[tilespmem:$0x1DB00] =	vst v63  }
0x14e: {  	s13 =	simm.s32 $0x15B00;
	s12 =	sld [smem:$0x795]  }
0x14f: {  	[tilespmem:s13], [sflag:$0x1] =	stream.indirect.gather [hbm4b:s8+s7], $0x20, s4, s7, $0xb8;
	[tilespmem:$0x1DB00] =	vst v63  }
0x150: {  	s17 =	simm.s32 $0x16B00;
	s4 =	sld [smem:$0x796]  }
0x151: {  	[tilespmem:s17], [sflag:$0x1] =	stream.indirect.gather [hbm4b:s8+s7], $0x20, s12, s7, $0xb8;
	[tilespmem:$0x1DB00] =	vst v63  }
0x152: {  	s22 =	simm.s32 $0x17B00;
	s12 =	sld [smem:$0x797]  }
0x153: {  	[tilespmem:s22], [sflag:$0x1] =	stream.indirect.gather [hbm4b:s8+s7], $0x20, s4, s7, $0xb8;
	[tilespmem:$0x1DB00] =	vst v63  }
0x154: {  	s19 =	simm.s32 $0x18B00;
	s13 =	sld [smem:$0x798]  }
0x155: {  	[tilespmem:s19], [sflag:$0x1] =	stream.indirect.gather [hbm4b:s8+s7], $0x20, s12, s7, $0xb8;
	[tilespmem:$0x1DB00] =	vst v63  }
0x156: {  	s18 =	simm.s32 $0x19B00;
	s17 =	sld [smem:$0x799]  }
0x157: {  	[tilespmem:s18], [sflag:$0x1] =	stream.indirect.gather [hbm4b:s8+s7], $0x20, s13, s7, $0xb8;
	[tilespmem:$0x1DB00] =	vst v63  }
0x158: {  	s15 =	simm.s32 $0x1AB00;
	s19 =	sld [smem:$0x79A]  }
0x159: {  	[tilespmem:s15], [sflag:$0x1] =	stream.indirect.gather [hbm4b:s8+s7], $0x20, s17, s7, $0xb8;
	[tilespmem:$0x1DB00] =	vst v63  }
0x15a: {  	s24 =	simm.s32 $0x1BB00;
	s22 =	sld [smem:$0x79B]  }
0x15b: {  	[tilespmem:s24], [sflag:$0x1] =	stream.indirect.gather [hbm4b:s8+s7], $0x20, s19, s7, $0xb8;
	[tilespmem:$0x1DB00] =	vst v63  }
0x15c: {  	s16 =	simm.s32 $0x1CB00  }
0x15d: {  	[tilespmem:s16], [sflag:$0x1] =	stream.indirect.gather [hbm4b:s8+s7], $0x20, s22, s7, $0xb8;
	[tilespmem:$0x1DB00] =	vst v63  }
0x15e: {  	_ =	swait.ge [sflag:s6], $0x1000  }
0x15f: {  	[sflag:s6] =	ssyncset.done $0x0  }
0x160: {  	[sflag:s6] =	ssyncadd.s32 $0xFFFFF000  }
0x161: {  	_ =	swait.ge [sflag:s6], $0x1000  }
0x162: {  	[sflag:s6] =	ssyncset.done $0x0  }
0x163: {  	[sflag:s6] =	ssyncadd.s32 $0xFFFFF000  }
0x164: {  	_ =	swait.ge [sflag:s6], $0x1000  }
0x165: {  	[sflag:s6] =	ssyncset.done $0x0  }
0x166: {  	[sflag:s6] =	ssyncadd.s32 $0xFFFFF000  }
0x167: {  	_ =	swait.ge [sflag:s6], $0x1000  }
0x168: {  	[sflag:s6] =	ssyncset.done $0x0  }
0x169: {  	[sflag:s6] =	ssyncadd.s32 $0xFFFFF000  }
0x16a: {  	_ =	swait.ge [sflag:s6], $0x1000  }
0x16b: {  	[sflag:s6] =	ssyncset.done $0x0  }
0x16c: {  	[sflag:s6] =	ssyncadd.s32 $0xFFFFF000  }
0x16d: {  	_ =	swait.ge [sflag:s6], $0x1000  }
0x16e: {  	[sflag:s6] =	ssyncset.done $0x0  }
0x16f: {  	[sflag:s6] =	ssyncadd.s32 $0xFFFFF000  }
0x170: {  	_ =	swait.ge [sflag:s6], $0x1000  }
0x171: {  	[sflag:s6] =	ssyncset.done $0x0  }
0x172: {  	[sflag:s6] =	ssyncadd.s32 $0xFFFFF000  }
0x173: {  	_ =	swait.ge [sflag:s6], $0x1000  }
0x174: {  	[sflag:s6] =	ssyncset.done $0x0  }
0x175: {  	[sflag:s6] =	ssyncadd.s32 $0xFFFFF000  }
0x176: {  	_ =	swait.ge [sflag:s6], $0x1000  }
0x177: {  	[sflag:s6] =	ssyncset.done $0x0  }
0x178: {  	[sflag:s6] =	ssyncadd.s32 $0xFFFFF000  }
0x179: {  	_ =	swait.ge [sflag:s6], $0x1000  }
0x17a: {  	[sflag:s6] =	ssyncset.done $0x0  }
0x17b: {  	[sflag:s6] =	ssyncadd.s32 $0xFFFFF000  }
0x17c: {  	_ =	swait.ge [sflag:s6], $0x1000  }
0x17d: {  	[sflag:s6] =	ssyncset.done $0x0  }
0x17e: {  	[sflag:s6] =	ssyncadd.s32 $0xFFFFF000  }
0x17f: {  	_ =	swait.ge [sflag:s6], $0x1000  }
0x180: {  	[sflag:s6] =	ssyncset.done $0x0  }
0x181: {  	[sflag:s6] =	ssyncadd.s32 $0xFFFFF000  }
0x182: {  	_ =	swait.ge [sflag:s6], $0x1000  }
0x183: {  	[sflag:s6] =	ssyncset.done $0x0  }
0x184: {  	[sflag:s6] =	ssyncadd.s32 $0xFFFFF000  }
0x185: {  	_ =	swait.ge [sflag:s6], $0x1000  }
0x186: {  	[sflag:s6] =	ssyncset.done $0x0  }
0x187: {  	[sflag:s6] =	ssyncadd.s32 $0xFFFFF000  }
0x188: {  	_ =	swait.ge [sflag:s6], $0x1000  }
0x189: {  	[sflag:s6] =	ssyncset.done $0x0  }
0x18a: {  	[sflag:s6] =	ssyncadd.s32 $0xFFFFF000  }
0x18b: {  	_ =	swait.ge [sflag:s6], $0x1000  }
0x18c: {  	[sflag:s6] =	ssyncset.done $0x0  }
0x18d: {  	[sflag:s6] =	ssyncadd.s32 $0xFFFFF000  }
0x18e: {  	_ =	swait.ge [sflag:s6], $0x1000  }
0x18f: {  	[sflag:s6] =	ssyncset.done $0x0  }
0x190: {  	[sflag:s6] =	ssyncadd.s32 $0xFFFFF000  }
0x191: {  	_ =	swait.ge [sflag:s6], $0x1000  }
0x192: {  	[sflag:s6] =	ssyncset.done $0x0  }
0x193: {  	[sflag:s6] =	ssyncadd.s32 $0xFFFFF000  }
0x194: {  	_ =	swait.ge [sflag:s6], $0x1000  }
0x195: {  	[sflag:s6] =	ssyncset.done $0x0  }
0x196: {  	[sflag:s6] =	ssyncadd.s32 $0xFFFFF000  }
0x197: {  	_ =	swait.ge [sflag:s6], $0x1000  }
0x198: {  	[sflag:s6] =	ssyncset.done $0x0  }
0x199: {  	[sflag:s6] =	ssyncadd.s32 $0xFFFFF000  }
0x19a: {  	_ =	swait.ge [sflag:s6], $0x1000  }
0x19b: {  	[sflag:s6] =	ssyncset.done $0x0  }
0x19c: {  	[sflag:s6] =	ssyncadd.s32 $0xFFFFF000  }
0x19d: {  	_ =	swait.ge [sflag:s6], $0x1000  }
0x19e: {  	[sflag:s6] =	ssyncset.done $0x0  }
0x19f: {  	[sflag:s6] =	ssyncadd.s32 $0xFFFFF000  }
0x1a0: {  	_ =	swait.ge [sflag:s6], $0x1000  }
0x1a1: {  	[sflag:s6] =	ssyncset.done $0x0  }
0x1a2: {  	[sflag:s6] =	ssyncadd.s32 $0xFFFFF000  }
0x1a3: {  	_ =	swait.ge [sflag:s6], $0x1000  }
0x1a4: {  	[sflag:s6] =	ssyncset.done $0x0  }
0x1a5: {  	[sflag:s6] =	ssyncadd.s32 $0xFFFFF000  }
0x1a6: {  	_ =	swait.ge [sflag:s6], $0x1000  }
0x1a7: {  	[sflag:s6] =	ssyncset.done $0x0  }
0x1a8: {  	s10 =	simm.s32 $0x0;
	s4 =	rddreg [dreg:$0x7];
	[sflag:s6] =	ssyncadd.s32 $0xFFFFF000  }
0x1a9: {  	[hbm4b:s4+s10] =	stream.linear.scatter [tilespmem:s11], [sflag:$0x2], $0x19000, $0x38;
	[tilespmem:$0x1DB00] =	vst v63  }
0x1aa: {  	_ =	swait.ge [sflag:s31], $0x19000  }
0x1ab: {  	[sflag:s31] =	ssyncset.done $0x0  }
0x1ac: {  	s15 =	simm.s32 $0x1900;
	s12 =	sld [smem:$0x79C];
	[sflag:s31] =	ssyncadd.s32 $0xFFFE7000  }
0x1ad: {  	[tilespmem:s11], [sflag:$0x1] =	stream.indirect.gather [hbm4b:s0+s7], $0x20, s15, s7, $0xb8;
	[tilespmem:$0x1DB00] =	vst v63  }
0x1ae: {  	s16 =	sld [smem:$0x79D]  }
0x1af: {  	[tilespmem:s1], [sflag:$0x1] =	stream.indirect.gather [hbm4b:s0+s7], $0x20, s12, s7, $0xb8;
	[tilespmem:$0x1DB00] =	vst v63  }
0x1b0: {  	s29 =	simm.s32 $0x6B00;
	s17 =	sld [smem:$0x79E]  }
0x1b1: {  	[tilespmem:s29], [sflag:$0x1] =	stream.indirect.gather [hbm4b:s0+s7], $0x20, s16, s7, $0xb8;
	[tilespmem:$0x1DB00] =	vst v63  }
0x1b2: {  	s26 =	simm.s32 $0x7B00;
	s19 =	sld [smem:$0x79F]  }
0x1b3: {  	[tilespmem:s26], [sflag:$0x1] =	stream.indirect.gather [hbm4b:s0+s7], $0x20, s17, s7, $0xb8;
	[tilespmem:$0x1DB00] =	vst v63  }
0x1b4: {  	s28 =	simm.s32 $0x8B00;
	s22 =	sld [smem:$0x7A0]  }
0x1b5: {  	[tilespmem:s28], [sflag:$0x1] =	stream.indirect.gather [hbm4b:s0+s7], $0x20, s19, s7, $0xb8;
	[tilespmem:$0x1DB00] =	vst v63  }
0x1b6: {  	s24 =	sld [smem:$0x7A1];
	s17 =	simm.s32 $0x9B00  }
0x1b7: {  	[tilespmem:s17], [sflag:$0x1] =	stream.indirect.gather [hbm4b:s0+s7], $0x20, s22, s7, $0xb8;
	[tilespmem:$0x1DB00] =	vst v63  }
0x1b8: {  	s12 =	simm.s32 $0xAB00;
	s26 =	sld [smem:$0x7A2]  }
0x1b9: {  	[tilespmem:s12], [sflag:$0x1] =	stream.indirect.gather [hbm4b:s0+s7], $0x20, s24, s7, $0xb8;
	[tilespmem:$0x1DB00] =	vst v63  }
0x1ba: {  	s16 =	simm.s32 $0xBB00;
	s28 =	sld [smem:$0x7A3]  }
0x1bb: {  	[tilespmem:s16], [sflag:$0x1] =	stream.indirect.gather [hbm4b:s0+s7], $0x20, s26, s7, $0xb8;
	[tilespmem:$0x1DB00] =	vst v63  }
0x1bc: {  	s25 =	simm.s32 $0xCB00;
	s29 =	sld [smem:$0x7A4]  }
0x1bd: {  	[tilespmem:s25], [sflag:$0x1] =	stream.indirect.gather [hbm4b:s0+s7], $0x20, s28, s7, $0xb8;
	[tilespmem:$0x1DB00] =	vst v63  }
0x1be: {  	s1 =	sld [smem:$0x7A5]  }
0x1bf: {  	[tilespmem:s2], [sflag:$0x1] =	stream.indirect.gather [hbm4b:s0+s7], $0x20, s29, s7, $0xb8;
	[tilespmem:$0x1DB00] =	vst v63  }
0x1c0: {  	s4 =	sld [smem:$0x7A6]  }
0x1c1: {  	[tilespmem:s14], [sflag:$0x1] =	stream.indirect.gather [hbm4b:s0+s7], $0x20, s1, s7, $0xb8;
	[tilespmem:$0x1DB00] =	vst v63  }
0x1c2: {  	s14 =	sld [smem:$0x7A7]  }
0x1c3: {  	[tilespmem:s3], [sflag:$0x1] =	stream.indirect.gather [hbm4b:s0+s7], $0x20, s4, s7, $0xb8;
	[tilespmem:$0x1DB00] =	vst v63  }
0x1c4: {  	s15 =	sld [smem:$0x7A8]  }
0x1c5: {  	[tilespmem:s20], [sflag:$0x1] =	stream.indirect.gather [hbm4b:s0+s7], $0x20, s14, s7, $0xb8;
	[tilespmem:$0x1DB00] =	vst v63  }
0x1c6: {  	s19 =	sld [smem:$0x7A9]  }
0x1c7: {  	[tilespmem:s21], [sflag:$0x1] =	stream.indirect.gather [hbm4b:s0+s7], $0x20, s15, s7, $0xb8;
	[tilespmem:$0x1DB00] =	vst v63  }
0x1c8: {  	s20 =	sld [smem:$0x7AA]  }
0x1c9: {  	[tilespmem:s23], [sflag:$0x1] =	stream.indirect.gather [hbm4b:s0+s7], $0x20, s19, s7, $0xb8;
	[tilespmem:$0x1DB00] =	vst v63  }
0x1ca: {  	s21 =	sld [smem:$0x7AB];
	s15 =	simm.s32 $0x13B00  }
0x1cb: {  	[tilespmem:s15], [sflag:$0x1] =	stream.indirect.gather [hbm4b:s0+s7], $0x20, s20, s7, $0xb8;
	[tilespmem:$0x1DB00] =	vst v63  }
0x1cc: {  	s2 =	simm.s32 $0x14B00;
	s23 =	sld [smem:$0x7AC]  }
0x1cd: {  	[tilespmem:s2], [sflag:$0x1] =	stream.indirect.gather [hbm4b:s0+s7], $0x20, s21, s7, $0xb8;
	[tilespmem:$0x1DB00] =	vst v63  }
0x1ce: {  	s25 =	sld [smem:$0x7AD];
	s1 =	simm.s32 $0x15B00  }
0x1cf: {  	[tilespmem:s1], [sflag:$0x1] =	stream.indirect.gather [hbm4b:s0+s7], $0x20, s23, s7, $0xb8;
	[tilespmem:$0x1DB00] =	vst v63  }
0x1d0: {  	s28 =	sld [smem:$0x7AE];
	s4 =	simm.s32 $0x16B00  }
0x1d1: {  	[tilespmem:s4], [sflag:$0x1] =	stream.indirect.gather [hbm4b:s0+s7], $0x20, s25, s7, $0xb8;
	[tilespmem:$0x1DB00] =	vst v63  }
0x1d2: {  	s3 =	sld [smem:$0x7AF];
	s23 =	simm.s32 $0x17B00  }
0x1d3: {  	[tilespmem:s23], [sflag:$0x1] =	stream.indirect.gather [hbm4b:s0+s7], $0x20, s28, s7, $0xb8;
	[tilespmem:$0x1DB00] =	vst v63  }
0x1d4: {  	s14 =	sld [smem:$0x7B0];
	s20 =	simm.s32 $0x18B00  }
0x1d5: {  	[tilespmem:s20], [sflag:$0x1] =	stream.indirect.gather [hbm4b:s0+s7], $0x20, s3, s7, $0xb8;
	[tilespmem:$0x1DB00] =	vst v63  }
0x1d6: {  	s19 =	sld [smem:$0x7B1];
	s25 =	simm.s32 $0x19B00  }
0x1d7: {  	[tilespmem:s25], [sflag:$0x1] =	stream.indirect.gather [hbm4b:s0+s7], $0x20, s14, s7, $0xb8;
	[tilespmem:$0x1DB00] =	vst v63  }
0x1d8: {  	s13 =	simm.s32 $0x1AB00;
	s21 =	sld [smem:$0x7B2]  }
0x1d9: {  	[tilespmem:s13], [sflag:$0x1] =	stream.indirect.gather [hbm4b:s0+s7], $0x20, s19, s7, $0xb8;
	[tilespmem:$0x1DB00] =	vst v63  }
0x1da: {  	s28 =	simm.s32 $0x1BB00;
	s3 =	sld [smem:$0x7B3]  }
0x1db: {  	[tilespmem:s28], [sflag:$0x1] =	stream.indirect.gather [hbm4b:s0+s7], $0x20, s21, s7, $0xb8;
	[tilespmem:$0x1DB00] =	vst v63  }
0x1dc: {  	s13 =	simm.s32 $0x1CB00  }
0x1dd: {  	[tilespmem:s13], [sflag:$0x1] =	stream.indirect.gather [hbm4b:s0+s7], $0x20, s3, s7, $0xb8;
	[tilespmem:$0x1DB00] =	vst v63  }
0x1de: {  	_ =	swait.ge [sflag:s6], $0x1000  }
0x1df: {  	[sflag:s6] =	ssyncset.done $0x0  }
0x1e0: {  	[sflag:s6] =	ssyncadd.s32 $0xFFFFF000  }
0x1e1: {  	_ =	swait.ge [sflag:s6], $0x1000  }
0x1e2: {  	[sflag:s6] =	ssyncset.done $0x0  }
0x1e3: {  	[sflag:s6] =	ssyncadd.s32 $0xFFFFF000  }
0x1e4: {  	_ =	swait.ge [sflag:s6], $0x1000  }
0x1e5: {  	[sflag:s6] =	ssyncset.done $0x0  }
0x1e6: {  	[sflag:s6] =	ssyncadd.s32 $0xFFFFF000  }
0x1e7: {  	_ =	swait.ge [sflag:s6], $0x1000  }
0x1e8: {  	[sflag:s6] =	ssyncset.done $0x0  }
0x1e9: {  	[sflag:s6] =	ssyncadd.s32 $0xFFFFF000  }
0x1ea: {  	_ =	swait.ge [sflag:s6], $0x1000  }
0x1eb: {  	[sflag:s6] =	ssyncset.done $0x0  }
0x1ec: {  	[sflag:s6] =	ssyncadd.s32 $0xFFFFF000  }
0x1ed: {  	_ =	swait.ge [sflag:s6], $0x1000  }
0x1ee: {  	[sflag:s6] =	ssyncset.done $0x0  }
0x1ef: {  	[sflag:s6] =	ssyncadd.s32 $0xFFFFF000  }
0x1f0: {  	_ =	swait.ge [sflag:s6], $0x1000  }
0x1f1: {  	[sflag:s6] =	ssyncset.done $0x0  }
0x1f2: {  	[sflag:s6] =	ssyncadd.s32 $0xFFFFF000  }
0x1f3: {  	_ =	swait.ge [sflag:s6], $0x1000  }
0x1f4: {  	[sflag:s6] =	ssyncset.done $0x0  }
0x1f5: {  	[sflag:s6] =	ssyncadd.s32 $0xFFFFF000  }
0x1f6: {  	_ =	swait.ge [sflag:s6], $0x1000  }
0x1f7: {  	[sflag:s6] =	ssyncset.done $0x0  }
0x1f8: {  	[sflag:s6] =	ssyncadd.s32 $0xFFFFF000  }
0x1f9: {  	_ =	swait.ge [sflag:s6], $0x1000  }
0x1fa: {  	[sflag:s6] =	ssyncset.done $0x0  }
0x1fb: {  	[sflag:s6] =	ssyncadd.s32 $0xFFFFF000  }
0x1fc: {  	_ =	swait.ge [sflag:s6], $0x1000  }
0x1fd: {  	[sflag:s6] =	ssyncset.done $0x0  }
0x1fe: {  	[sflag:s6] =	ssyncadd.s32 $0xFFFFF000  }
0x1ff: {  	_ =	swait.ge [sflag:s6], $0x1000  }
0x200: {  	[sflag:s6] =	ssyncset.done $0x0  }
0x201: {  	[sflag:s6] =	ssyncadd.s32 $0xFFFFF000  }
0x202: {  	_ =	swait.ge [sflag:s6], $0x1000  }
0x203: {  	[sflag:s6] =	ssyncset.done $0x0  }
0x204: {  	[sflag:s6] =	ssyncadd.s32 $0xFFFFF000  }
0x205: {  	_ =	swait.ge [sflag:s6], $0x1000  }
0x206: {  	[sflag:s6] =	ssyncset.done $0x0  }
0x207: {  	[sflag:s6] =	ssyncadd.s32 $0xFFFFF000  }
0x208: {  	_ =	swait.ge [sflag:s6], $0x1000  }
0x209: {  	[sflag:s6] =	ssyncset.done $0x0  }
0x20a: {  	[sflag:s6] =	ssyncadd.s32 $0xFFFFF000  }
0x20b: {  	_ =	swait.ge [sflag:s6], $0x1000  }
0x20c: {  	[sflag:s6] =	ssyncset.done $0x0  }
0x20d: {  	[sflag:s6] =	ssyncadd.s32 $0xFFFFF000  }
0x20e: {  	_ =	swait.ge [sflag:s6], $0x1000  }
0x20f: {  	[sflag:s6] =	ssyncset.done $0x0  }
0x210: {  	[sflag:s6] =	ssyncadd.s32 $0xFFFFF000  }
0x211: {  	_ =	swait.ge [sflag:s6], $0x1000  }
0x212: {  	[sflag:s6] =	ssyncset.done $0x0  }
0x213: {  	[sflag:s6] =	ssyncadd.s32 $0xFFFFF000  }
0x214: {  	_ =	swait.ge [sflag:s6], $0x1000  }
0x215: {  	[sflag:s6] =	ssyncset.done $0x0  }
0x216: {  	[sflag:s6] =	ssyncadd.s32 $0xFFFFF000  }
0x217: {  	_ =	swait.ge [sflag:s6], $0x1000  }
0x218: {  	[sflag:s6] =	ssyncset.done $0x0  }
0x219: {  	[sflag:s6] =	ssyncadd.s32 $0xFFFFF000  }
0x21a: {  	_ =	swait.ge [sflag:s6], $0x1000  }
0x21b: {  	[sflag:s6] =	ssyncset.done $0x0  }
0x21c: {  	[sflag:s6] =	ssyncadd.s32 $0xFFFFF000  }
0x21d: {  	_ =	swait.ge [sflag:s6], $0x1000  }
0x21e: {  	[sflag:s6] =	ssyncset.done $0x0  }
0x21f: {  	[sflag:s6] =	ssyncadd.s32 $0xFFFFF000  }
0x220: {  	_ =	swait.ge [sflag:s6], $0x1000  }
0x221: {  	[sflag:s6] =	ssyncset.done $0x0  }
0x222: {  	[sflag:s6] =	ssyncadd.s32 $0xFFFFF000  }
0x223: {  	_ =	swait.ge [sflag:s6], $0x1000  }
0x224: {  	[sflag:s6] =	ssyncset.done $0x0  }
0x225: {  	[sflag:s6] =	ssyncadd.s32 $0xFFFFF000  }
0x226: {  	_ =	swait.ge [sflag:s6], $0x1000  }
0x227: {  	[sflag:s6] =	ssyncset.done $0x0  }
0x228: {  	s14 =	simm.s32 $0x0;
	s10 =	rddreg [dreg:$0x8];
	[sflag:s6] =	ssyncadd.s32 $0xFFFFF000  }
0x229: {  	[hbm4b:s10+s14] =	stream.linear.scatter [tilespmem:s11], [sflag:$0x2], $0x19000, $0x38;
	[tilespmem:$0x1DB00] =	vst v63  }
0x22a: {  	_ =	swait.ge [sflag:s31], $0x19000  }
0x22b: {  	s19 =	sld [smem:$0x7B4]  }
0x22c: {  	[sflag:s31] =	ssyncset.done $0x0  }
0x22d: {  	s21 =	sld [smem:$0x7B5];
	[sflag:s31] =	ssyncadd.s32 $0xFFFE7000  }
0x22e: {  	[tilespmem:s11], [sflag:$0x1] =	stream.indirect.gather [hbm4b:s0+s7], $0x20, s19, s7, $0xb8;
	[tilespmem:$0x1DB00] =	vst v63  }
0x22f: {  	s18 =	simm.s32 $0x5B00;
	s3 =	sld [smem:$0x7B6]  }
0x230: {  	[tilespmem:s18], [sflag:$0x1] =	stream.indirect.gather [hbm4b:s0+s7], $0x20, s21, s7, $0xb8;
	[tilespmem:$0x1DB00] =	vst v63  }
0x231: {  	s14 =	simm.s32 $0x6B00;
	s21 =	sld [smem:$0x7B7]  }
0x232: {  	[tilespmem:s14], [sflag:$0x1] =	stream.indirect.gather [hbm4b:s0+s7], $0x20, s3, s7, $0xb8;
	[tilespmem:$0x1DB00] =	vst v63  }
0x233: {  	s9 =	sld [smem:$0x7B8];
	s18 =	simm.s32 $0x7B00  }
0x234: {  	[tilespmem:s18], [sflag:$0x1] =	stream.indirect.gather [hbm4b:s0+s7], $0x20, s21, s7, $0xb8;
	[tilespmem:$0x1DB00] =	vst v63  }
0x235: {  	s14 =	simm.s32 $0x8B00;
	s21 =	sld [smem:$0x7B9]  }
0x236: {  	[tilespmem:s14], [sflag:$0x1] =	stream.indirect.gather [hbm4b:s0+s7], $0x20, s9, s7, $0xb8;
	[tilespmem:$0x1DB00] =	vst v63  }
0x237: {  	s18 =	sld [smem:$0x7BA]  }
0x238: {  	[tilespmem:s17], [sflag:$0x1] =	stream.indirect.gather [hbm4b:s0+s7], $0x20, s21, s7, $0xb8;
	[tilespmem:$0x1DB00] =	vst v63  }
0x239: {  	s21 =	sld [smem:$0x7BB]  }
0x23a: {  	[tilespmem:s12], [sflag:$0x1] =	stream.indirect.gather [hbm4b:s0+s7], $0x20, s18, s7, $0xb8;
	[tilespmem:$0x1DB00] =	vst v63  }
0x23b: {  	s3 =	sld [smem:$0x7BC]  }
0x23c: {  	[tilespmem:s16], [sflag:$0x1] =	stream.indirect.gather [hbm4b:s0+s7], $0x20, s21, s7, $0xb8;
	[tilespmem:$0x1DB00] =	vst v63  }
0x23d: {  	s10 =	sld [smem:$0x7BD];
	s16 =	simm.s32 $0xCB00  }
0x23e: {  	[tilespmem:s16], [sflag:$0x1] =	stream.indirect.gather [hbm4b:s0+s7], $0x20, s3, s7, $0xb8;
	[tilespmem:$0x1DB00] =	vst v63  }
0x23f: {  	s18 =	sld [smem:$0x7BE];
	s21 =	simm.s32 $0xDB00  }
0x240: {  	[tilespmem:s21], [sflag:$0x1] =	stream.indirect.gather [hbm4b:s0+s7], $0x20, s10, s7, $0xb8;
	[tilespmem:$0x1DB00] =	vst v63  }
0x241: {  	s24 =	simm.s32 $0xEB00;
	s16 =	sld [smem:$0x7BF]  }
0x242: {  	[tilespmem:s24], [sflag:$0x1] =	stream.indirect.gather [hbm4b:s0+s7], $0x20, s18, s7, $0xb8;
	[tilespmem:$0x1DB00] =	vst v63  }
0x243: {  	s22 =	simm.s32 $0xFB00;
	s18 =	sld [smem:$0x7C0]  }
0x244: {  	[tilespmem:s22], [sflag:$0x1] =	stream.indirect.gather [hbm4b:s0+s7], $0x20, s16, s7, $0xb8;
	[tilespmem:$0x1DB00] =	vst v63  }
0x245: {  	s26 =	simm.s32 $0x10B00;
	s3 =	sld [smem:$0x7C1]  }
0x246: {  	[tilespmem:s26], [sflag:$0x1] =	stream.indirect.gather [hbm4b:s0+s7], $0x20, s18, s7, $0xb8;
	[tilespmem:$0x1DB00] =	vst v63  }
0x247: {  	s29 =	simm.s32 $0x11B00;
	s16 =	sld [smem:$0x7C2]  }
0x248: {  	[tilespmem:s29], [sflag:$0x1] =	stream.indirect.gather [hbm4b:s0+s7], $0x20, s3, s7, $0xb8;
	[tilespmem:$0x1DB00] =	vst v63  }
0x249: {  	s10 =	sld [smem:$0x7C3];
	s18 =	simm.s32 $0x12B00  }
0x24a: {  	[tilespmem:s18], [sflag:$0x1] =	stream.indirect.gather [hbm4b:s0+s7], $0x20, s16, s7, $0xb8;
	[tilespmem:$0x1DB00] =	vst v63  }
0x24b: {  	s3 =	sld [smem:$0x7C4]  }
0x24c: {  	[tilespmem:s15], [sflag:$0x1] =	stream.indirect.gather [hbm4b:s0+s7], $0x20, s10, s7, $0xb8;
	[tilespmem:$0x1DB00] =	vst v63  }
0x24d: {  	s15 =	sld [smem:$0x7C5]  }
0x24e: {  	[tilespmem:s2], [sflag:$0x1] =	stream.indirect.gather [hbm4b:s0+s7], $0x20, s3, s7, $0xb8;
	[tilespmem:$0x1DB00] =	vst v63  }
0x24f: {  	s3 =	sld [smem:$0x7C6]  }
0x250: {  	[tilespmem:s1], [sflag:$0x1] =	stream.indirect.gather [hbm4b:s0+s7], $0x20, s15, s7, $0xb8;
	[tilespmem:$0x1DB00] =	vst v63  }
0x251: {  	s1 =	sld [smem:$0x7C7]  }
0x252: {  	[tilespmem:s4], [sflag:$0x1] =	stream.indirect.gather [hbm4b:s0+s7], $0x20, s3, s7, $0xb8;
	[tilespmem:$0x1DB00] =	vst v63  }
0x253: {  	s3 =	sld [smem:$0x7C8]  }
0x254: {  	[tilespmem:s23], [sflag:$0x1] =	stream.indirect.gather [hbm4b:s0+s7], $0x20, s1, s7, $0xb8;
	[tilespmem:$0x1DB00] =	vst v63  }
0x255: {  	s1 =	sld [smem:$0x7C9]  }
0x256: {  	[tilespmem:s20], [sflag:$0x1] =	stream.indirect.gather [hbm4b:s0+s7], $0x20, s3, s7, $0xb8;
	[tilespmem:$0x1DB00] =	vst v63  }
0x257: {  	s3 =	sld [smem:$0x7CA]  }
0x258: {  	[tilespmem:s25], [sflag:$0x1] =	stream.indirect.gather [hbm4b:s0+s7], $0x20, s1, s7, $0xb8;
	[tilespmem:$0x1DB00] =	vst v63  }
0x259: {  	s10 =	sld [smem:$0x7CB];
	s25 =	simm.s32 $0x1AB00  }
0x25a: {  	[tilespmem:s25], [sflag:$0x1] =	stream.indirect.gather [hbm4b:s0+s7], $0x20, s3, s7, $0xb8;
	[tilespmem:$0x1DB00] =	vst v63  }
0x25b: {  	s3 =	sld [smem:$0x7CC]  }
0x25c: {  	[tilespmem:s28], [sflag:$0x1] =	stream.indirect.gather [hbm4b:s0+s7], $0x20, s10, s7, $0xb8;
	[tilespmem:$0x1DB00] =	vst v63  }
0x25d: {  	_ = 	snop  }
0x25e: {  	[tilespmem:s13], [sflag:$0x1] =	stream.indirect.gather [hbm4b:s0+s7], $0x20, s3, s7, $0xb8;
	[tilespmem:$0x1DB00] =	vst v63  }
0x25f: {  	_ =	swait.ge [sflag:s6], $0x1000  }
0x260: {  	[sflag:s6] =	ssyncset.done $0x0  }
0x261: {  	[sflag:s6] =	ssyncadd.s32 $0xFFFFF000  }
0x262: {  	_ =	swait.ge [sflag:s6], $0x1000  }
0x263: {  	[sflag:s6] =	ssyncset.done $0x0  }
0x264: {  	[sflag:s6] =	ssyncadd.s32 $0xFFFFF000  }
0x265: {  	_ =	swait.ge [sflag:s6], $0x1000  }
0x266: {  	[sflag:s6] =	ssyncset.done $0x0  }
0x267: {  	[sflag:s6] =	ssyncadd.s32 $0xFFFFF000  }
0x268: {  	_ =	swait.ge [sflag:s6], $0x1000  }
0x269: {  	[sflag:s6] =	ssyncset.done $0x0  }
0x26a: {  	[sflag:s6] =	ssyncadd.s32 $0xFFFFF000  }
0x26b: {  	_ =	swait.ge [sflag:s6], $0x1000  }
0x26c: {  	[sflag:s6] =	ssyncset.done $0x0  }
0x26d: {  	[sflag:s6] =	ssyncadd.s32 $0xFFFFF000  }
0x26e: {  	_ =	swait.ge [sflag:s6], $0x1000  }
0x26f: {  	[sflag:s6] =	ssyncset.done $0x0  }
0x270: {  	[sflag:s6] =	ssyncadd.s32 $0xFFFFF000  }
0x271: {  	_ =	swait.ge [sflag:s6], $0x1000  }
0x272: {  	[sflag:s6] =	ssyncset.done $0x0  }
0x273: {  	[sflag:s6] =	ssyncadd.s32 $0xFFFFF000  }
0x274: {  	_ =	swait.ge [sflag:s6], $0x1000  }
0x275: {  	[sflag:s6] =	ssyncset.done $0x0  }
0x276: {  	[sflag:s6] =	ssyncadd.s32 $0xFFFFF000  }
0x277: {  	_ =	swait.ge [sflag:s6], $0x1000  }
0x278: {  	[sflag:s6] =	ssyncset.done $0x0  }
0x279: {  	[sflag:s6] =	ssyncadd.s32 $0xFFFFF000  }
0x27a: {  	_ =	swait.ge [sflag:s6], $0x1000  }
0x27b: {  	[sflag:s6] =	ssyncset.done $0x0  }
0x27c: {  	[sflag:s6] =	ssyncadd.s32 $0xFFFFF000  }
0x27d: {  	_ =	swait.ge [sflag:s6], $0x1000  }
0x27e: {  	[sflag:s6] =	ssyncset.done $0x0  }
0x27f: {  	[sflag:s6] =	ssyncadd.s32 $0xFFFFF000  }
0x280: {  	_ =	swait.ge [sflag:s6], $0x1000  }
0x281: {  	[sflag:s6] =	ssyncset.done $0x0  }
0x282: {  	[sflag:s6] =	ssyncadd.s32 $0xFFFFF000  }
0x283: {  	_ =	swait.ge [sflag:s6], $0x1000  }
0x284: {  	[sflag:s6] =	ssyncset.done $0x0  }
0x285: {  	[sflag:s6] =	ssyncadd.s32 $0xFFFFF000  }
0x286: {  	_ =	swait.ge [sflag:s6], $0x1000  }
0x287: {  	[sflag:s6] =	ssyncset.done $0x0  }
0x288: {  	[sflag:s6] =	ssyncadd.s32 $0xFFFFF000  }
0x289: {  	_ =	swait.ge [sflag:s6], $0x1000  }
0x28a: {  	[sflag:s6] =	ssyncset.done $0x0  }
0x28b: {  	[sflag:s6] =	ssyncadd.s32 $0xFFFFF000  }
0x28c: {  	_ =	swait.ge [sflag:s6], $0x1000  }
0x28d: {  	[sflag:s6] =	ssyncset.done $0x0  }
0x28e: {  	[sflag:s6] =	ssyncadd.s32 $0xFFFFF000  }
0x28f: {  	_ =	swait.ge [sflag:s6], $0x1000  }
0x290: {  	[sflag:s6] =	ssyncset.done $0x0  }
0x291: {  	[sflag:s6] =	ssyncadd.s32 $0xFFFFF000  }
0x292: {  	_ =	swait.ge [sflag:s6], $0x1000  }
0x293: {  	[sflag:s6] =	ssyncset.done $0x0  }
0x294: {  	[sflag:s6] =	ssyncadd.s32 $0xFFFFF000  }
0x295: {  	_ =	swait.ge [sflag:s6], $0x1000  }
0x296: {  	[sflag:s6] =	ssyncset.done $0x0  }
0x297: {  	[sflag:s6] =	ssyncadd.s32 $0xFFFFF000  }
0x298: {  	_ =	swait.ge [sflag:s6], $0x1000  }
0x299: {  	[sflag:s6] =	ssyncset.done $0x0  }
0x29a: {  	[sflag:s6] =	ssyncadd.s32 $0xFFFFF000  }
0x29b: {  	_ =	swait.ge [sflag:s6], $0x1000  }
0x29c: {  	[sflag:s6] =	ssyncset.done $0x0  }
0x29d: {  	[sflag:s6] =	ssyncadd.s32 $0xFFFFF000  }
0x29e: {  	_ =	swait.ge [sflag:s6], $0x1000  }
0x29f: {  	[sflag:s6] =	ssyncset.done $0x0  }
0x2a0: {  	[sflag:s6] =	ssyncadd.s32 $0xFFFFF000  }
0x2a1: {  	_ =	swait.ge [sflag:s6], $0x1000  }
0x2a2: {  	[sflag:s6] =	ssyncset.done $0x0  }
0x2a3: {  	[sflag:s6] =	ssyncadd.s32 $0xFFFFF000  }
0x2a4: {  	_ =	swait.ge [sflag:s6], $0x1000  }
0x2a5: {  	[sflag:s6] =	ssyncset.done $0x0  }
0x2a6: {  	[sflag:s6] =	ssyncadd.s32 $0xFFFFF000  }
0x2a7: {  	_ =	swait.ge [sflag:s6], $0x1000  }
0x2a8: {  	[sflag:s6] =	ssyncset.done $0x0  }
0x2a9: {  	s10 =	simm.s32 $0x0;
	s3 =	rddreg [dreg:$0x9];
	[sflag:s6] =	ssyncadd.s32 $0xFFFFF000  }
0x2aa: {  	[hbm4b:s3+s10] =	stream.linear.scatter [tilespmem:s11], [sflag:$0x2], $0x19000, $0x38;
	[tilespmem:$0x1DB00] =	vst v63  }
0x2ab: {  	_ =	swait.ge [sflag:s31], $0x19000  }
0x2ac: {  	[sflag:s31] =	ssyncset.done $0x0  }
0x2ad: {  	s28 =	sld [smem:$0x7CD];
	[sflag:s31] =	ssyncadd.s32 $0xFFFE7000  }
0x2ae: {  	[tilespmem:s11], [sflag:$0x1] =	stream.indirect.gather [hbm4b:s5+s7], $0x20, s30, s7, $0xb8;
	[tilespmem:$0x1DB00] =	vst v63  }
0x2af: {  	s19 =	simm.s32 $0x5B00;
	s3 =	sld [smem:$0x7CE]  }
0x2b0: {  	[tilespmem:s19], [sflag:$0x1] =	stream.indirect.gather [hbm4b:s5+s7], $0x20, s28, s7, $0xb8;
	[tilespmem:$0x1DB00] =	vst v63  }
0x2b1: {  	s9 =	sld [smem:$0x7CF];
	s28 =	simm.s32 $0x6B00  }
0x2b2: {  	[tilespmem:s28], [sflag:$0x1] =	stream.indirect.gather [hbm4b:s5+s7], $0x20, s3, s7, $0xb8;
	[tilespmem:$0x1DB00] =	vst v63  }
0x2b3: {  	s10 =	sld [smem:$0x7D0];
	s30 =	simm.s32 $0x7B00  }
0x2b4: {  	[tilespmem:s30], [sflag:$0x1] =	stream.indirect.gather [hbm4b:s5+s7], $0x20, s9, s7, $0xb8;
	[tilespmem:$0x1DB00] =	vst v63  }
0x2b5: {  	s28 =	simm.s32 $0x8B00;
	s9 =	sld [smem:$0x7D1]  }
0x2b6: {  	[tilespmem:s28], [sflag:$0x1] =	stream.indirect.gather [hbm4b:s5+s7], $0x20, s10, s7, $0xb8;
	[tilespmem:$0x1DB00] =	vst v63  }
0x2b7: {  	s14 =	simm.s32 $0x9B00;
	s30 =	sld [smem:$0x7D2]  }
0x2b8: {  	[tilespmem:s14], [sflag:$0x1] =	stream.indirect.gather [hbm4b:s5+s7], $0x20, s9, s7, $0xb8;
	[tilespmem:$0x1DB00] =	vst v63  }
0x2b9: {  	s12 =	simm.s32 $0xAB00;
	s3 =	sld [smem:$0x7D3]  }
0x2ba: {  	[tilespmem:s12], [sflag:$0x1] =	stream.indirect.gather [hbm4b:s5+s7], $0x20, s30, s7, $0xb8;
	[tilespmem:$0x1DB00] =	vst v63  }
0x2bb: {  	s17 =	simm.s32 $0xBB00;
	s12 =	sld [smem:$0x7D4]  }
0x2bc: {  	[tilespmem:s17], [sflag:$0x1] =	stream.indirect.gather [hbm4b:s5+s7], $0x20, s3, s7, $0xb8;
	[tilespmem:$0x1DB00] =	vst v63  }
0x2bd: {  	s28 =	simm.s32 $0xCB00;
	s17 =	sld [smem:$0x7D5]  }
0x2be: {  	[tilespmem:s28], [sflag:$0x1] =	stream.indirect.gather [hbm4b:s5+s7], $0x20, s12, s7, $0xb8;
	[tilespmem:$0x1DB00] =	vst v63  }
0x2bf: {  	s21 =	simm.s32 $0xDB00;
	s3 =	sld [smem:$0x7D6]  }
0x2c0: {  	[tilespmem:s21], [sflag:$0x1] =	stream.indirect.gather [hbm4b:s5+s7], $0x20, s17, s7, $0xb8;
	[tilespmem:$0x1DB00] =	vst v63  }
0x2c1: {  	s24 =	simm.s32 $0xEB00;
	s12 =	sld [smem:$0x7D7]  }
0x2c2: {  	[tilespmem:s24], [sflag:$0x1] =	stream.indirect.gather [hbm4b:s5+s7], $0x20, s3, s7, $0xb8;
	[tilespmem:$0x1DB00] =	vst v63  }
0x2c3: {  	s22 =	simm.s32 $0xFB00;
	s17 =	sld [smem:$0x7D8]  }
0x2c4: {  	[tilespmem:s22], [sflag:$0x1] =	stream.indirect.gather [hbm4b:s5+s7], $0x20, s12, s7, $0xb8;
	[tilespmem:$0x1DB00] =	vst v63  }
0x2c5: {  	s26 =	simm.s32 $0x10B00;
	s28 =	sld [smem:$0x7D9]  }
0x2c6: {  	[tilespmem:s26], [sflag:$0x1] =	stream.indirect.gather [hbm4b:s5+s7], $0x20, s17, s7, $0xb8;
	[tilespmem:$0x1DB00] =	vst v63  }
0x2c7: {  	s29 =	simm.s32 $0x11B00;
	s3 =	sld [smem:$0x7DA]  }
0x2c8: {  	[tilespmem:s29], [sflag:$0x1] =	stream.indirect.gather [hbm4b:s5+s7], $0x20, s28, s7, $0xb8;
	[tilespmem:$0x1DB00] =	vst v63  }
0x2c9: {  	s16 =	simm.s32 $0x12B00;
	s12 =	sld [smem:$0x7DB]  }
0x2ca: {  	[tilespmem:s16], [sflag:$0x1] =	stream.indirect.gather [hbm4b:s5+s7], $0x20, s3, s7, $0xb8;
	[tilespmem:$0x1DB00] =	vst v63  }
0x2cb: {  	s18 =	simm.s32 $0x13B00;
	s17 =	sld [smem:$0x7DC]  }
0x2cc: {  	[tilespmem:s18], [sflag:$0x1] =	stream.indirect.gather [hbm4b:s5+s7], $0x20, s12, s7, $0xb8;
	[tilespmem:$0x1DB00] =	vst v63  }
0x2cd: {  	s2 =	simm.s32 $0x14B00;
	s22 =	sld [smem:$0x7DD]  }
0x2ce: {  	[tilespmem:s2], [sflag:$0x1] =	stream.indirect.gather [hbm4b:s5+s7], $0x20, s17, s7, $0xb8;
	[tilespmem:$0x1DB00] =	vst v63  }
0x2cf: {  	s15 =	simm.s32 $0x15B00;
	s29 =	sld [smem:$0x7DE]  }
0x2d0: {  	[tilespmem:s15], [sflag:$0x1] =	stream.indirect.gather [hbm4b:s5+s7], $0x20, s22, s7, $0xb8;
	[tilespmem:$0x1DB00] =	vst v63  }
0x2d1: {  	s4 =	simm.s32 $0x16B00;
	s2 =	sld [smem:$0x7DF]  }
0x2d2: {  	[tilespmem:s4], [sflag:$0x1] =	stream.indirect.gather [hbm4b:s5+s7], $0x20, s29, s7, $0xb8;
	[tilespmem:$0x1DB00] =	vst v63  }
0x2d3: {  	s23 =	simm.s32 $0x17B00;
	s3 =	sld [smem:$0x7E0]  }
0x2d4: {  	[tilespmem:s23], [sflag:$0x1] =	stream.indirect.gather [hbm4b:s5+s7], $0x20, s2, s7, $0xb8;
	[tilespmem:$0x1DB00] =	vst v63  }
0x2d5: {  	s20 =	simm.s32 $0x18B00;
	s4 =	sld [smem:$0x7E1]  }
0x2d6: {  	[tilespmem:s20], [sflag:$0x1] =	stream.indirect.gather [hbm4b:s5+s7], $0x20, s3, s7, $0xb8;
	[tilespmem:$0x1DB00] =	vst v63  }
0x2d7: {  	s1 =	simm.s32 $0x19B00;
	s23 =	sld [smem:$0x7E2]  }
0x2d8: {  	[tilespmem:s1], [sflag:$0x1] =	stream.indirect.gather [hbm4b:s5+s7], $0x20, s4, s7, $0xb8;
	[tilespmem:$0x1DB00] =	vst v63  }
0x2d9: {  	s29 =	sld [smem:$0x7E3];
	s3 =	simm.s32 $0x1AB00  }
0x2da: {  	[tilespmem:s3], [sflag:$0x1] =	stream.indirect.gather [hbm4b:s5+s7], $0x20, s23, s7, $0xb8;
	[tilespmem:$0x1DB00] =	vst v63  }
0x2db: {  	s25 =	simm.s32 $0x1BB00;
	s4 =	sld [smem:$0x7E4]  }
0x2dc: {  	[tilespmem:s25], [sflag:$0x1] =	stream.indirect.gather [hbm4b:s5+s7], $0x20, s29, s7, $0xb8;
	[tilespmem:$0x1DB00] =	vst v63  }
0x2dd: {  	s13 =	simm.s32 $0x1CB00  }
0x2de: {  	[tilespmem:s13], [sflag:$0x1] =	stream.indirect.gather [hbm4b:s5+s7], $0x20, s4, s7, $0xb8;
	[tilespmem:$0x1DB00] =	vst v63  }
0x2df: {  	_ =	swait.ge [sflag:s6], $0x1000  }
0x2e0: {  	[sflag:s6] =	ssyncset.done $0x0  }
0x2e1: {  	[sflag:s6] =	ssyncadd.s32 $0xFFFFF000  }
0x2e2: {  	_ =	swait.ge [sflag:s6], $0x1000  }
0x2e3: {  	[sflag:s6] =	ssyncset.done $0x0  }
0x2e4: {  	[sflag:s6] =	ssyncadd.s32 $0xFFFFF000  }
0x2e5: {  	_ =	swait.ge [sflag:s6], $0x1000  }
0x2e6: {  	[sflag:s6] =	ssyncset.done $0x0  }
0x2e7: {  	[sflag:s6] =	ssyncadd.s32 $0xFFFFF000  }
0x2e8: {  	_ =	swait.ge [sflag:s6], $0x1000  }
0x2e9: {  	[sflag:s6] =	ssyncset.done $0x0  }
0x2ea: {  	[sflag:s6] =	ssyncadd.s32 $0xFFFFF000  }
0x2eb: {  	_ =	swait.ge [sflag:s6], $0x1000  }
0x2ec: {  	[sflag:s6] =	ssyncset.done $0x0  }
0x2ed: {  	[sflag:s6] =	ssyncadd.s32 $0xFFFFF000  }
0x2ee: {  	_ =	swait.ge [sflag:s6], $0x1000  }
0x2ef: {  	[sflag:s6] =	ssyncset.done $0x0  }
0x2f0: {  	[sflag:s6] =	ssyncadd.s32 $0xFFFFF000  }
0x2f1: {  	_ =	swait.ge [sflag:s6], $0x1000  }
0x2f2: {  	[sflag:s6] =	ssyncset.done $0x0  }
0x2f3: {  	[sflag:s6] =	ssyncadd.s32 $0xFFFFF000  }
0x2f4: {  	_ =	swait.ge [sflag:s6], $0x1000  }
0x2f5: {  	[sflag:s6] =	ssyncset.done $0x0  }
0x2f6: {  	[sflag:s6] =	ssyncadd.s32 $0xFFFFF000  }
0x2f7: {  	_ =	swait.ge [sflag:s6], $0x1000  }
0x2f8: {  	[sflag:s6] =	ssyncset.done $0x0  }
0x2f9: {  	[sflag:s6] =	ssyncadd.s32 $0xFFFFF000  }
0x2fa: {  	_ =	swait.ge [sflag:s6], $0x1000  }
0x2fb: {  	[sflag:s6] =	ssyncset.done $0x0  }
0x2fc: {  	[sflag:s6] =	ssyncadd.s32 $0xFFFFF000  }
0x2fd: {  	_ =	swait.ge [sflag:s6], $0x1000  }
0x2fe: {  	[sflag:s6] =	ssyncset.done $0x0  }
0x2ff: {  	[sflag:s6] =	ssyncadd.s32 $0xFFFFF000  }
0x300: {  	_ =	swait.ge [sflag:s6], $0x1000  }
0x301: {  	[sflag:s6] =	ssyncset.done $0x0  }
0x302: {  	[sflag:s6] =	ssyncadd.s32 $0xFFFFF000  }
0x303: {  	_ =	swait.ge [sflag:s6], $0x1000  }
0x304: {  	[sflag:s6] =	ssyncset.done $0x0  }
0x305: {  	[sflag:s6] =	ssyncadd.s32 $0xFFFFF000  }
0x306: {  	_ =	swait.ge [sflag:s6], $0x1000  }
0x307: {  	[sflag:s6] =	ssyncset.done $0x0  }
0x308: {  	[sflag:s6] =	ssyncadd.s32 $0xFFFFF000  }
0x309: {  	_ =	swait.ge [sflag:s6], $0x1000  }
0x30a: {  	[sflag:s6] =	ssyncset.done $0x0  }
0x30b: {  	[sflag:s6] =	ssyncadd.s32 $0xFFFFF000  }
0x30c: {  	_ =	swait.ge [sflag:s6], $0x1000  }
0x30d: {  	[sflag:s6] =	ssyncset.done $0x0  }
0x30e: {  	[sflag:s6] =	ssyncadd.s32 $0xFFFFF000  }
0x30f: {  	_ =	swait.ge [sflag:s6], $0x1000  }
0x310: {  	[sflag:s6] =	ssyncset.done $0x0  }
0x311: {  	[sflag:s6] =	ssyncadd.s32 $0xFFFFF000  }
0x312: {  	_ =	swait.ge [sflag:s6], $0x1000  }
0x313: {  	[sflag:s6] =	ssyncset.done $0x0  }
0x314: {  	[sflag:s6] =	ssyncadd.s32 $0xFFFFF000  }
0x315: {  	_ =	swait.ge [sflag:s6], $0x1000  }
0x316: {  	[sflag:s6] =	ssyncset.done $0x0  }
0x317: {  	[sflag:s6] =	ssyncadd.s32 $0xFFFFF000  }
0x318: {  	_ =	swait.ge [sflag:s6], $0x1000  }
0x319: {  	[sflag:s6] =	ssyncset.done $0x0  }
0x31a: {  	[sflag:s6] =	ssyncadd.s32 $0xFFFFF000  }
0x31b: {  	_ =	swait.ge [sflag:s6], $0x1000  }
0x31c: {  	[sflag:s6] =	ssyncset.done $0x0  }
0x31d: {  	[sflag:s6] =	ssyncadd.s32 $0xFFFFF000  }
0x31e: {  	_ =	swait.ge [sflag:s6], $0x1000  }
0x31f: {  	[sflag:s6] =	ssyncset.done $0x0  }
0x320: {  	[sflag:s6] =	ssyncadd.s32 $0xFFFFF000  }
0x321: {  	_ =	swait.ge [sflag:s6], $0x1000  }
0x322: {  	[sflag:s6] =	ssyncset.done $0x0  }
0x323: {  	[sflag:s6] =	ssyncadd.s32 $0xFFFFF000  }
0x324: {  	_ =	swait.ge [sflag:s6], $0x1000  }
0x325: {  	[sflag:s6] =	ssyncset.done $0x0  }
0x326: {  	[sflag:s6] =	ssyncadd.s32 $0xFFFFF000  }
0x327: {  	_ =	swait.ge [sflag:s6], $0x1000  }
0x328: {  	[sflag:s6] =	ssyncset.done $0x0  }
0x329: {  	s25 =	simm.s32 $0x0;
	s13 =	rddreg [dreg:$0xa];
	[sflag:s6] =	ssyncadd.s32 $0xFFFFF000  }
0x32a: {  	[hbm4b:s13+s25] =	stream.linear.scatter [tilespmem:s11], [sflag:$0x2], $0x19000, $0x38;
	[tilespmem:$0x1DB00] =	vst v63  }
0x32b: {  	_ =	swait.ge [sflag:s31], $0x19000  }
0x32c: {  	s29 =	sld [smem:$0x7E5]  }
0x32d: {  	[sflag:s31] =	ssyncset.done $0x0  }
0x32e: {  	s4 =	simm.s32 $0x4B00;
	s3 =	sld [smem:$0x7E6];
	[sflag:s31] =	ssyncadd.s32 $0xFFFE7000  }
0x32f: {  	[tilespmem:s4], [sflag:$0x1] =	stream.indirect.gather [hbm4b:s5+s7], $0x20, s29, s7, $0xb8;
	[tilespmem:$0x1DB00] =	vst v63  }
0x330: {  	s19 =	simm.s32 $0x5B00;
	s11 =	sld [smem:$0x7E7]  }
0x331: {  	[tilespmem:s19], [sflag:$0x1] =	stream.indirect.gather [hbm4b:s5+s7], $0x20, s3, s7, $0xb8;
	[tilespmem:$0x1DB00] =	vst v63  }
0x332: {  	s13 =	sld [smem:$0x7E8];
	s19 =	simm.s32 $0x6B00  }
0x333: {  	[tilespmem:s19], [sflag:$0x1] =	stream.indirect.gather [hbm4b:s5+s7], $0x20, s11, s7, $0xb8;
	[tilespmem:$0x1DB00] =	vst v63  }
0x334: {  	s25 =	sld [smem:$0x7E9];
	s29 =	simm.s32 $0x7B00  }
0x335: {  	[tilespmem:s29], [sflag:$0x1] =	stream.indirect.gather [hbm4b:s5+s7], $0x20, s13, s7, $0xb8;
	[tilespmem:$0x1DB00] =	vst v63  }
0x336: {  	s11 =	sld [smem:$0x7EA];
	s13 =	simm.s32 $0x8B00  }
0x337: {  	[tilespmem:s13], [sflag:$0x1] =	stream.indirect.gather [hbm4b:s5+s7], $0x20, s25, s7, $0xb8;
	[tilespmem:$0x1DB00] =	vst v63  }
0x338: {  	s19 =	sld [smem:$0x7EB];
	s25 =	simm.s32 $0x9B00  }
0x339: {  	[tilespmem:s25], [sflag:$0x1] =	stream.indirect.gather [hbm4b:s5+s7], $0x20, s11, s7, $0xb8;
	[tilespmem:$0x1DB00] =	vst v63  }
0x33a: {  	s14 =	simm.s32 $0xAB00;
	s29 =	sld [smem:$0x7EC]  }
0x33b: {  	[tilespmem:s14], [sflag:$0x1] =	stream.indirect.gather [hbm4b:s5+s7], $0x20, s19, s7, $0xb8;
	[tilespmem:$0x1DB00] =	vst v63  }
0x33c: {  	s30 =	simm.s32 $0xBB00;
	s3 =	sld [smem:$0x7ED]  }
0x33d: {  	[tilespmem:s30], [sflag:$0x1] =	stream.indirect.gather [hbm4b:s5+s7], $0x20, s29, s7, $0xb8;
	[tilespmem:$0x1DB00] =	vst v63  }
0x33e: {  	s13 =	simm.s32 $0xCB00;
	s11 =	sld [smem:$0x7EE]  }
0x33f: {  	[tilespmem:s13], [sflag:$0x1] =	stream.indirect.gather [hbm4b:s5+s7], $0x20, s3, s7, $0xb8;
	[tilespmem:$0x1DB00] =	vst v63  }
0x340: {  	s21 =	simm.s32 $0xDB00;
	s14 =	sld [smem:$0x7EF]  }
0x341: {  	[tilespmem:s21], [sflag:$0x1] =	stream.indirect.gather [hbm4b:s5+s7], $0x20, s11, s7, $0xb8;
	[tilespmem:$0x1DB00] =	vst v63  }
0x342: {  	s19 =	sld [smem:$0x7F0];
	s21 =	simm.s32 $0xEB00  }
0x343: {  	[tilespmem:s21], [sflag:$0x1] =	stream.indirect.gather [hbm4b:s5+s7], $0x20, s14, s7, $0xb8;
	[tilespmem:$0x1DB00] =	vst v63  }
0x344: {  	s24 =	simm.s32 $0xFB00;
	s25 =	sld [smem:$0x7F1]  }
0x345: {  	[tilespmem:s24], [sflag:$0x1] =	stream.indirect.gather [hbm4b:s5+s7], $0x20, s19, s7, $0xb8;
	[tilespmem:$0x1DB00] =	vst v63  }
0x346: {  	s29 =	sld [smem:$0x7F2];
	s30 =	simm.s32 $0x10B00  }
0x347: {  	[tilespmem:s30], [sflag:$0x1] =	stream.indirect.gather [hbm4b:s5+s7], $0x20, s25, s7, $0xb8;
	[tilespmem:$0x1DB00] =	vst v63  }
0x348: {  	s26 =	simm.s32 $0x11B00;
	s3 =	sld [smem:$0x7F3]  }
0x349: {  	[tilespmem:s26], [sflag:$0x1] =	stream.indirect.gather [hbm4b:s5+s7], $0x20, s29, s7, $0xb8;
	[tilespmem:$0x1DB00] =	vst v63  }
0x34a: {  	s28 =	simm.s32 $0x12B00;
	s11 =	sld [smem:$0x7F4]  }
0x34b: {  	[tilespmem:s28], [sflag:$0x1] =	stream.indirect.gather [hbm4b:s5+s7], $0x20, s3, s7, $0xb8;
	[tilespmem:$0x1DB00] =	vst v63  }
0x34c: {  	s18 =	simm.s32 $0x13B00;
	s13 =	sld [smem:$0x7F5]  }
0x34d: {  	[tilespmem:s18], [sflag:$0x1] =	stream.indirect.gather [hbm4b:s5+s7], $0x20, s11, s7, $0xb8;
	[tilespmem:$0x1DB00] =	vst v63  }
0x34e: {  	s16 =	simm.s32 $0x14B00;
	s14 =	sld [smem:$0x7F6]  }
0x34f: {  	[tilespmem:s16], [sflag:$0x1] =	stream.indirect.gather [hbm4b:s5+s7], $0x20, s13, s7, $0xb8;
	[tilespmem:$0x1DB00] =	vst v63  }
0x350: {  	s17 =	simm.s32 $0x15B00;
	s18 =	sld [smem:$0x7F7]  }
0x351: {  	[tilespmem:s17], [sflag:$0x1] =	stream.indirect.gather [hbm4b:s5+s7], $0x20, s14, s7, $0xb8;
	[tilespmem:$0x1DB00] =	vst v63  }
0x352: {  	s12 =	simm.s32 $0x16B00;
	s19 =	sld [smem:$0x7F8]  }
0x353: {  	[tilespmem:s12], [sflag:$0x1] =	stream.indirect.gather [hbm4b:s5+s7], $0x20, s18, s7, $0xb8;
	[tilespmem:$0x1DB00] =	vst v63  }
0x354: {  	s22 =	simm.s32 $0x17B00;
	s21 =	sld [smem:$0x7F9]  }
0x355: {  	[tilespmem:s22], [sflag:$0x1] =	stream.indirect.gather [hbm4b:s5+s7], $0x20, s19, s7, $0xb8;
	[tilespmem:$0x1DB00] =	vst v63  }
0x356: {  	s15 =	simm.s32 $0x18B00;
	s24 =	sld [smem:$0x7FA]  }
0x357: {  	[tilespmem:s15], [sflag:$0x1] =	stream.indirect.gather [hbm4b:s5+s7], $0x20, s21, s7, $0xb8;
	[tilespmem:$0x1DB00] =	vst v63  }
0x358: {  	s2 =	simm.s32 $0x19B00;
	s25 =	sld [smem:$0x7FB]  }
0x359: {  	[tilespmem:s2], [sflag:$0x1] =	stream.indirect.gather [hbm4b:s5+s7], $0x20, s24, s7, $0xb8;
	[tilespmem:$0x1DB00] =	vst v63  }
0x35a: {  	s23 =	simm.s32 $0x1AB00;
	s26 =	sld [smem:$0x7FC]  }
0x35b: {  	[tilespmem:s23], [sflag:$0x1] =	stream.indirect.gather [hbm4b:s5+s7], $0x20, s25, s7, $0xb8;
	[tilespmem:$0x1DB00] =	vst v63  }
0x35c: {  	s20 =	simm.s32 $0x1BB00;
	s28 =	sld [smem:$0x7FD]  }
0x35d: {  	[tilespmem:s20], [sflag:$0x1] =	stream.indirect.gather [hbm4b:s5+s7], $0x20, s26, s7, $0xb8;
	[tilespmem:$0x1DB00] =	vst v63  }
0x35e: {  	s1 =	simm.s32 $0x1CB00  }
0x35f: {  	[tilespmem:s1], [sflag:$0x1] =	stream.indirect.gather [hbm4b:s5+s7], $0x20, s28, s7, $0xb8;
	[tilespmem:$0x1DB00] =	vst v63  }
0x360: {  	_ =	swait.ge [sflag:s6], $0x1000  }
0x361: {  	[sflag:s6] =	ssyncset.done $0x0  }
0x362: {  	[sflag:s6] =	ssyncadd.s32 $0xFFFFF000  }
0x363: {  	_ =	swait.ge [sflag:s6], $0x1000  }
0x364: {  	[sflag:s6] =	ssyncset.done $0x0  }
0x365: {  	[sflag:s6] =	ssyncadd.s32 $0xFFFFF000  }
0x366: {  	_ =	swait.ge [sflag:s6], $0x1000  }
0x367: {  	[sflag:s6] =	ssyncset.done $0x0  }
0x368: {  	[sflag:s6] =	ssyncadd.s32 $0xFFFFF000  }
0x369: {  	_ =	swait.ge [sflag:s6], $0x1000  }
0x36a: {  	[sflag:s6] =	ssyncset.done $0x0  }
0x36b: {  	[sflag:s6] =	ssyncadd.s32 $0xFFFFF000  }
0x36c: {  	_ =	swait.ge [sflag:s6], $0x1000  }
0x36d: {  	[sflag:s6] =	ssyncset.done $0x0  }
0x36e: {  	[sflag:s6] =	ssyncadd.s32 $0xFFFFF000  }
0x36f: {  	_ =	swait.ge [sflag:s6], $0x1000  }
0x370: {  	[sflag:s6] =	ssyncset.done $0x0  }
0x371: {  	[sflag:s6] =	ssyncadd.s32 $0xFFFFF000  }
0x372: {  	_ =	swait.ge [sflag:s6], $0x1000  }
0x373: {  	[sflag:s6] =	ssyncset.done $0x0  }
0x374: {  	[sflag:s6] =	ssyncadd.s32 $0xFFFFF000  }
0x375: {  	_ =	swait.ge [sflag:s6], $0x1000  }
0x376: {  	[sflag:s6] =	ssyncset.done $0x0  }
0x377: {  	[sflag:s6] =	ssyncadd.s32 $0xFFFFF000  }
0x378: {  	_ =	swait.ge [sflag:s6], $0x1000  }
0x379: {  	[sflag:s6] =	ssyncset.done $0x0  }
0x37a: {  	[sflag:s6] =	ssyncadd.s32 $0xFFFFF000  }
0x37b: {  	_ =	swait.ge [sflag:s6], $0x1000  }
0x37c: {  	[sflag:s6] =	ssyncset.done $0x0  }
0x37d: {  	[sflag:s6] =	ssyncadd.s32 $0xFFFFF000  }
0x37e: {  	_ =	swait.ge [sflag:s6], $0x1000  }
0x37f: {  	[sflag:s6] =	ssyncset.done $0x0  }
0x380: {  	[sflag:s6] =	ssyncadd.s32 $0xFFFFF000  }
0x381: {  	_ =	swait.ge [sflag:s6], $0x1000  }
0x382: {  	[sflag:s6] =	ssyncset.done $0x0  }
0x383: {  	[sflag:s6] =	ssyncadd.s32 $0xFFFFF000  }
0x384: {  	_ =	swait.ge [sflag:s6], $0x1000  }
0x385: {  	[sflag:s6] =	ssyncset.done $0x0  }
0x386: {  	[sflag:s6] =	ssyncadd.s32 $0xFFFFF000  }
0x387: {  	_ =	swait.ge [sflag:s6], $0x1000  }
0x388: {  	[sflag:s6] =	ssyncset.done $0x0  }
0x389: {  	[sflag:s6] =	ssyncadd.s32 $0xFFFFF000  }
0x38a: {  	_ =	swait.ge [sflag:s6], $0x1000  }
0x38b: {  	[sflag:s6] =	ssyncset.done $0x0  }
0x38c: {  	[sflag:s6] =	ssyncadd.s32 $0xFFFFF000  }
0x38d: {  	_ =	swait.ge [sflag:s6], $0x1000  }
0x38e: {  	[sflag:s6] =	ssyncset.done $0x0  }
0x38f: {  	[sflag:s6] =	ssyncadd.s32 $0xFFFFF000  }
0x390: {  	_ =	swait.ge [sflag:s6], $0x1000  }
0x391: {  	[sflag:s6] =	ssyncset.done $0x0  }
0x392: {  	[sflag:s6] =	ssyncadd.s32 $0xFFFFF000  }
0x393: {  	_ =	swait.ge [sflag:s6], $0x1000  }
0x394: {  	[sflag:s6] =	ssyncset.done $0x0  }
0x395: {  	[sflag:s6] =	ssyncadd.s32 $0xFFFFF000  }
0x396: {  	_ =	swait.ge [sflag:s6], $0x1000  }
0x397: {  	[sflag:s6] =	ssyncset.done $0x0  }
0x398: {  	[sflag:s6] =	ssyncadd.s32 $0xFFFFF000  }
0x399: {  	_ =	swait.ge [sflag:s6], $0x1000  }
0x39a: {  	[sflag:s6] =	ssyncset.done $0x0  }
0x39b: {  	[sflag:s6] =	ssyncadd.s32 $0xFFFFF000  }
0x39c: {  	_ =	swait.ge [sflag:s6], $0x1000  }
0x39d: {  	[sflag:s6] =	ssyncset.done $0x0  }
0x39e: {  	[sflag:s6] =	ssyncadd.s32 $0xFFFFF000  }
0x39f: {  	_ =	swait.ge [sflag:s6], $0x1000  }
0x3a0: {  	[sflag:s6] =	ssyncset.done $0x0  }
0x3a1: {  	[sflag:s6] =	ssyncadd.s32 $0xFFFFF000  }
0x3a2: {  	_ =	swait.ge [sflag:s6], $0x1000  }
0x3a3: {  	[sflag:s6] =	ssyncset.done $0x0  }
0x3a4: {  	[sflag:s6] =	ssyncadd.s32 $0xFFFFF000  }
0x3a5: {  	_ =	swait.ge [sflag:s6], $0x1000  }
0x3a6: {  	[sflag:s6] =	ssyncset.done $0x0  }
0x3a7: {  	[sflag:s6] =	ssyncadd.s32 $0xFFFFF000  }
0x3a8: {  	_ =	swait.ge [sflag:s6], $0x1000  }
0x3a9: {  	s30 =	sld [smem:$0x77F];
	_ =	sdelay $0x2  }
0x3aa: {  	p1 =	sne.s32 s30, $0x1  }
.Ltmp1:
0x3ab: {  	[sflag:s6] =	ssyncset.done $0x0;
	(pc) =	sbr.rel @!p1 .LBB2_2-.Ltmp1, $4  }
0x3ac: {  	s2 =	simm.s32 $0x0;
	s29 =	rddreg [dreg:$0xb];
	[sflag:s6] =	ssyncadd.s32 $0xFFFFF000  }
0x3ad: {  	[hbm4b:s29+s2] =	stream.linear.scatter [tilespmem:s4], [sflag:$0x2], $0x19000, $0x38;
	[tilespmem:$0x1DB00] =	vst v63  }
0x3ae: {  	p0 =	por $0x1, $0x1;
	_ =	swait.ge [sflag:s31], $0x19000  }
0x3af: {  	s9 =	sadd.s32 $0xFFFFFFFF, s30;
	s10 =	rddreg [dreg:$0x3];
	[sflag:s31] =	ssyncset.done $0x0  }
.LBB2_3:
0x3b0: {  	[sflag:s31] =	ssyncadd.s32 $0xFFFE7000  }
0x3b1: {  	[tilespmem:s2], [sflag:$0x2] =	stream.linear.gather [hbm4b:s10+s2], $0x1900, $0x38;
	[tilespmem:$0x1DB00] =	vst v63  }
0x3b2: {  	_ =	swait.ge [sflag:s31], $0x1900  }
0x3b3: {  	[sflag:s31] =	ssyncset.done $0x0  }
0x3b4: {  	s1 =	simm.s32 $0x1900;
	s14 =	rddreg [dreg:$0x4];
	[sflag:s31] =	ssyncadd.s32 $0xFFFFE700  }
0x3b5: {  	[tilespmem:s1], [sflag:$0x2] =	stream.linear.gather [hbm4b:s14+s2], $0x1900, $0x38;
	[tilespmem:$0x1DB00] =	vst v63  }
0x3b6: {  	_ =	swait.ge [sflag:s31], $0x1900  }
0x3b7: {  	[sflag:s31] =	ssyncset.done $0x0  }
0x3b8: {  	s16 =	simm.s32 $0x3200;
	s15 =	rddreg [dreg:$0x5];
	[sflag:s31] =	ssyncadd.s32 $0xFFFFE700  }
0x3b9: {  	[tilespmem:s16], [sflag:$0x2] =	stream.linear.gather [hbm4b:s15+s2], $0x1900, $0x38;
	[tilespmem:$0x1DB00] =	vst v63  }
0x3ba: {  	_ =	swait.ge [sflag:s31], $0x1900  }
0x3bb: {  	[sflag:s31] =	ssyncset.done $0x0  }
0x3bc: {  	[sflag:s31] =	ssyncadd.s32 $0xFFFFE700  }
0x3bd: {  	[tilespmem:s4], [sflag:$0x1] =	stream.indirect.gather [hbm4b:s8+s7], $0x20, s2, s7, $0xb8;
	[tilespmem:$0x1DB00] =	vst v63  }
0x3be: {  	s18 =	simm.s32 $0x5B00;
	s17 =	rddreg [dreg:$0xc]  }
0x3bf: {  	[tilespmem:s18], [sflag:$0x1] =	stream.indirect.gather [hbm4b:s8+s7], $0x20, s7, s7, $0xb8;
	[tilespmem:$0x1DB00] =	vst v63  }
0x3c0: {  	s19 =	simm.s32 $0x6B00;
	s11 =	rddreg [dreg:$0xd]  }
0x3c1: {  	[tilespmem:s19], [sflag:$0x1] =	stream.indirect.gather [hbm4b:s8+s7], $0x20, s17, s7, $0xb8;
	[tilespmem:$0x1DB00] =	vst v63  }
0x3c2: {  	s21 =	simm.s32 $0x7B00;
	s20 =	rddreg [dreg:$0xe]  }
0x3c3: {  	[tilespmem:s21], [sflag:$0x1] =	stream.indirect.gather [hbm4b:s8+s7], $0x20, s11, s7, $0xb8;
	[tilespmem:$0x1DB00] =	vst v63  }
0x3c4: {  	s23 =	simm.s32 $0x8B00;
	s22 =	rddreg [dreg:$0xf]  }
0x3c5: {  	[tilespmem:s23], [sflag:$0x1] =	stream.indirect.gather [hbm4b:s8+s7], $0x20, s20, s7, $0xb8;
	[tilespmem:$0x1DB00] =	vst v63  }
0x3c6: {  	s25 =	simm.s32 $0x9B00;
	s24 =	rddreg [dreg:$0x10]  }
0x3c7: {  	[tilespmem:s25], [sflag:$0x1] =	stream.indirect.gather [hbm4b:s8+s7], $0x20, s22, s7, $0xb8;
	[tilespmem:$0x1DB00] =	vst v63  }
0x3c8: {  	s28 =	simm.s32 $0xAB00;
	s26 =	rddreg [dreg:$0x11]  }
0x3c9: {  	[tilespmem:s28], [sflag:$0x1] =	stream.indirect.gather [hbm4b:s8+s7], $0x20, s24, s7, $0xb8;
	[tilespmem:$0x1DB00] =	vst v63  }
0x3ca: {  	s30 =	simm.s32 $0xBB00;
	s29 =	rddreg [dreg:$0x12]  }
0x3cb: {  	[tilespmem:s30], [sflag:$0x1] =	stream.indirect.gather [hbm4b:s8+s7], $0x20, s26, s7, $0xb8;
	[tilespmem:$0x1DB00] =	vst v63  }
0x3cc: {  	s3 =	simm.s32 $0xCB00;
	s15 =	rddreg [dreg:$0x15]  }
0x3cd: {  	[tilespmem:s3], [sflag:$0x1] =	stream.indirect.gather [hbm4b:s8+s7], $0x20, s29, s7, $0xb8;
	[tilespmem:$0x1DB00] =	vst v63  }
0x3ce: {  	s12 =	simm.s32 $0xDB00;
	s2 =	rddreg [dreg:$0x13]  }
0x3cf: {  	[tilespmem:s12], [sflag:$0x1] =	stream.indirect.gather [hbm4b:s8+s7], $0x20, s2, s7, $0xb8;
	[tilespmem:$0x1DB00] =	vst v63  }
0x3d0: {  	s16 =	simm.s32 $0xEB00;
	s4 =	rddreg [dreg:$0x14]  }
0x3d1: {  	[tilespmem:s16], [sflag:$0x1] =	stream.indirect.gather [hbm4b:s8+s7], $0x20, s4, s7, $0xb8;
	[tilespmem:$0x1DB00] =	vst v63  }
0x3d2: {  	s1 =	rddreg [dreg:$0x1a];
	s19 =	simm.s32 $0xFB00  }
0x3d3: {  	[tilespmem:s19], [sflag:$0x1] =	stream.indirect.gather [hbm4b:s8+s7], $0x20, s15, s7, $0xb8;
	[tilespmem:$0x1DB00] =	vst v63  }
0x3d4: {  	s17 =	rddreg [dreg:$0x16];
	s22 =	simm.s32 $0x10B00  }
0x3d5: {  	[tilespmem:s22], [sflag:$0x1] =	stream.indirect.gather [hbm4b:s8+s7], $0x20, s17, s7, $0xb8;
	[tilespmem:$0x1DB00] =	vst v63  }
0x3d6: {  	s20 =	rddreg [dreg:$0x17];
	s26 =	simm.s32 $0x11B00  }
0x3d7: {  	[tilespmem:s26], [sflag:$0x1] =	stream.indirect.gather [hbm4b:s8+s7], $0x20, s20, s7, $0xb8;
	[tilespmem:$0x1DB00] =	vst v63  }
0x3d8: {  	s24 =	rddreg [dreg:$0x18];
	s30 =	simm.s32 $0x12B00  }
0x3d9: {  	[tilespmem:s30], [sflag:$0x1] =	stream.indirect.gather [hbm4b:s8+s7], $0x20, s24, s7, $0xb8;
	[tilespmem:$0x1DB00] =	vst v63  }
0x3da: {  	s29 =	rddreg [dreg:$0x19];
	s4 =	simm.s32 $0x13B00  }
0x3db: {  	[tilespmem:s4], [sflag:$0x1] =	stream.indirect.gather [hbm4b:s8+s7], $0x20, s29, s7, $0xb8;
	[tilespmem:$0x1DB00] =	vst v63  }
0x3dc: {  	s12 =	rddreg [dreg:$0x1b];
	s15 =	simm.s32 $0x14B00  }
0x3dd: {  	[tilespmem:s15], [sflag:$0x1] =	stream.indirect.gather [hbm4b:s8+s7], $0x20, s1, s7, $0xb8;
	[tilespmem:$0x1DB00] =	vst v63  }
0x3de: {  	s2 =	sld [smem:$0x780];
	s19 =	simm.s32 $0x15B00  }
0x3df: {  	[tilespmem:s19], [sflag:$0x1] =	stream.indirect.gather [hbm4b:s8+s7], $0x20, s12, s7, $0xb8;
	[tilespmem:$0x1DB00] =	vst v63  }
0x3e0: {  	s17 =	rddreg [dreg:$0x1c];
	s22 =	simm.s32 $0x16B00  }
0x3e1: {  	[tilespmem:s22], [sflag:$0x1] =	stream.indirect.gather [hbm4b:s8+s7], $0x20, s17, s7, $0xb8;
	[tilespmem:$0x1DB00] =	vst v63  }
0x3e2: {  	s20 =	rddreg [dreg:$0x1d];
	s26 =	simm.s32 $0x17B00  }
0x3e3: {  	[tilespmem:s26], [sflag:$0x1] =	stream.indirect.gather [hbm4b:s8+s7], $0x20, s20, s7, $0xb8;
	[tilespmem:$0x1DB00] =	vst v63  }
0x3e4: {  	s24 =	rddreg [dreg:$0x1e];
	s30 =	simm.s32 $0x18B00  }
0x3e5: {  	[tilespmem:s30], [sflag:$0x1] =	stream.indirect.gather [hbm4b:s8+s7], $0x20, s24, s7, $0xb8;
	[tilespmem:$0x1DB00] =	vst v63  }
0x3e6: {  	s29 =	rddreg [dreg:$0x1f];
	s4 =	simm.s32 $0x19B00  }
0x3e7: {  	[tilespmem:s4], [sflag:$0x1] =	stream.indirect.gather [hbm4b:s8+s7], $0x20, s29, s7, $0xb8;
	[tilespmem:$0x1DB00] =	vst v63  }
0x3e8: {  	s12 =	sld [smem:$0x781];
	s17 =	simm.s32 $0x1AB00  }
0x3e9: {  	[tilespmem:s17], [sflag:$0x1] =	stream.indirect.gather [hbm4b:s8+s7], $0x20, s2, s7, $0xb8;
	[tilespmem:$0x1DB00] =	vst v63  }
0x3ea: {  	s19 =	sld [smem:$0x782];
	s20 =	simm.s32 $0x1BB00  }
0x3eb: {  	[tilespmem:s20], [sflag:$0x1] =	stream.indirect.gather [hbm4b:s8+s7], $0x20, s12, s7, $0xb8;
	[tilespmem:$0x1DB00] =	vst v63  }
0x3ec: {  	s22 =	simm.s32 $0x1CB00  }
0x3ed: {  	[tilespmem:s22], [sflag:$0x1] =	stream.indirect.gather [hbm4b:s8+s7], $0x20, s19, s7, $0xb8;
	[tilespmem:$0x1DB00] =	vst v63  }
0x3ee: {  	_ =	swait.ge [sflag:s6], $0x1000  }
0x3ef: {  	[sflag:s6] =	ssyncset.done $0x0  }
0x3f0: {  	[sflag:s6] =	ssyncadd.s32 $0xFFFFF000  }
0x3f1: {  	_ =	swait.ge [sflag:s6], $0x1000  }
0x3f2: {  	[sflag:s6] =	ssyncset.done $0x0  }
0x3f3: {  	[sflag:s6] =	ssyncadd.s32 $0xFFFFF000  }
0x3f4: {  	_ =	swait.ge [sflag:s6], $0x1000  }
0x3f5: {  	[sflag:s6] =	ssyncset.done $0x0  }
0x3f6: {  	[sflag:s6] =	ssyncadd.s32 $0xFFFFF000  }
0x3f7: {  	_ =	swait.ge [sflag:s6], $0x1000  }
0x3f8: {  	[sflag:s6] =	ssyncset.done $0x0  }
0x3f9: {  	[sflag:s6] =	ssyncadd.s32 $0xFFFFF000  }
0x3fa: {  	_ =	swait.ge [sflag:s6], $0x1000  }
0x3fb: {  	[sflag:s6] =	ssyncset.done $0x0  }
0x3fc: {  	[sflag:s6] =	ssyncadd.s32 $0xFFFFF000  }
0x3fd: {  	_ =	swait.ge [sflag:s6], $0x1000  }
0x3fe: {  	[sflag:s6] =	ssyncset.done $0x0  }
0x3ff: {  	[sflag:s6] =	ssyncadd.s32 $0xFFFFF000  }
0x400: {  	_ =	swait.ge [sflag:s6], $0x1000  }
0x401: {  	[sflag:s6] =	ssyncset.done $0x0  }
0x402: {  	[sflag:s6] =	ssyncadd.s32 $0xFFFFF000  }
0x403: {  	_ =	swait.ge [sflag:s6], $0x1000  }
0x404: {  	[sflag:s6] =	ssyncset.done $0x0  }
0x405: {  	[sflag:s6] =	ssyncadd.s32 $0xFFFFF000  }
0x406: {  	_ =	swait.ge [sflag:s6], $0x1000  }
0x407: {  	[sflag:s6] =	ssyncset.done $0x0  }
0x408: {  	[sflag:s6] =	ssyncadd.s32 $0xFFFFF000  }
0x409: {  	_ =	swait.ge [sflag:s6], $0x1000  }
0x40a: {  	[sflag:s6] =	ssyncset.done $0x0  }
0x40b: {  	[sflag:s6] =	ssyncadd.s32 $0xFFFFF000  }
0x40c: {  	_ =	swait.ge [sflag:s6], $0x1000  }
0x40d: {  	[sflag:s6] =	ssyncset.done $0x0  }
0x40e: {  	[sflag:s6] =	ssyncadd.s32 $0xFFFFF000  }
0x40f: {  	_ =	swait.ge [sflag:s6], $0x1000  }
0x410: {  	[sflag:s6] =	ssyncset.done $0x0  }
0x411: {  	[sflag:s6] =	ssyncadd.s32 $0xFFFFF000  }
0x412: {  	_ =	swait.ge [sflag:s6], $0x1000  }
0x413: {  	[sflag:s6] =	ssyncset.done $0x0  }
0x414: {  	[sflag:s6] =	ssyncadd.s32 $0xFFFFF000  }
0x415: {  	_ =	swait.ge [sflag:s6], $0x1000  }
0x416: {  	[sflag:s6] =	ssyncset.done $0x0  }
0x417: {  	[sflag:s6] =	ssyncadd.s32 $0xFFFFF000  }
0x418: {  	_ =	swait.ge [sflag:s6], $0x1000  }
0x419: {  	[sflag:s6] =	ssyncset.done $0x0  }
0x41a: {  	[sflag:s6] =	ssyncadd.s32 $0xFFFFF000  }
0x41b: {  	_ =	swait.ge [sflag:s6], $0x1000  }
0x41c: {  	[sflag:s6] =	ssyncset.done $0x0  }
0x41d: {  	[sflag:s6] =	ssyncadd.s32 $0xFFFFF000  }
0x41e: {  	_ =	swait.ge [sflag:s6], $0x1000  }
0x41f: {  	[sflag:s6] =	ssyncset.done $0x0  }
0x420: {  	[sflag:s6] =	ssyncadd.s32 $0xFFFFF000  }
0x421: {  	_ =	swait.ge [sflag:s6], $0x1000  }
0x422: {  	[sflag:s6] =	ssyncset.done $0x0  }
0x423: {  	[sflag:s6] =	ssyncadd.s32 $0xFFFFF000  }
0x424: {  	_ =	swait.ge [sflag:s6], $0x1000  }
0x425: {  	[sflag:s6] =	ssyncset.done $0x0  }
0x426: {  	[sflag:s6] =	ssyncadd.s32 $0xFFFFF000  }
0x427: {  	_ =	swait.ge [sflag:s6], $0x1000  }
0x428: {  	[sflag:s6] =	ssyncset.done $0x0  }
0x429: {  	[sflag:s6] =	ssyncadd.s32 $0xFFFFF000  }
0x42a: {  	_ =	swait.ge [sflag:s6], $0x1000  }
0x42b: {  	[sflag:s6] =	ssyncset.done $0x0  }
0x42c: {  	[sflag:s6] =	ssyncadd.s32 $0xFFFFF000  }
0x42d: {  	_ =	swait.ge [sflag:s6], $0x1000  }
0x42e: {  	[sflag:s6] =	ssyncset.done $0x0  }
0x42f: {  	[sflag:s6] =	ssyncadd.s32 $0xFFFFF000  }
0x430: {  	_ =	swait.ge [sflag:s6], $0x1000  }
0x431: {  	[sflag:s6] =	ssyncset.done $0x0  }
0x432: {  	[sflag:s6] =	ssyncadd.s32 $0xFFFFF000  }
0x433: {  	_ =	swait.ge [sflag:s6], $0x1000  }
0x434: {  	[sflag:s6] =	ssyncset.done $0x0  }
0x435: {  	[sflag:s6] =	ssyncadd.s32 $0xFFFFF000  }
0x436: {  	_ =	swait.ge [sflag:s6], $0x1000  }
0x437: {  	s15 =	simm.s32 $0x4B00;
	[sflag:s6] =	ssyncset.done $0x0  }
0x438: {  	s26 =	simm.s32 $0x0;
	s24 =	rddreg [dreg:$0x6];
	[sflag:s6] =	ssyncadd.s32 $0xFFFFF000  }
0x439: {  	[hbm4b:s24+s26] =	stream.linear.scatter [tilespmem:s15], [sflag:$0x2], $0x19000, $0x38;
	[tilespmem:$0x1DB00] =	vst v63  }
0x43a: {  	_ =	swait.ge [sflag:s31], $0x19000  }
0x43b: {  	s29 =	sld [smem:$0x783]  }
0x43c: {  	[sflag:s31] =	ssyncset.done $0x0  }
0x43d: {  	s30 =	sld [smem:$0x784];
	[sflag:s31] =	ssyncadd.s32 $0xFFFE7000  }
0x43e: {  	[tilespmem:s15], [sflag:$0x1] =	stream.indirect.gather [hbm4b:s8+s7], $0x20, s29, s7, $0xb8;
	[tilespmem:$0x1DB00] =	vst v63  }
0x43f: {  	s2 =	simm.s32 $0x5B00;
	s1 =	sld [smem:$0x785]  }
0x440: {  	[tilespmem:s2], [sflag:$0x1] =	stream.indirect.gather [hbm4b:s8+s7], $0x20, s30, s7, $0xb8;
	[tilespmem:$0x1DB00] =	vst v63  }
0x441: {  	s13 =	simm.s32 $0x6B00;
	s12 =	sld [smem:$0x786]  }
0x442: {  	[tilespmem:s13], [sflag:$0x1] =	stream.indirect.gather [hbm4b:s8+s7], $0x20, s1, s7, $0xb8;
	[tilespmem:$0x1DB00] =	vst v63  }
0x443: {  	s14 =	simm.s32 $0x7B00;
	s13 =	sld [smem:$0x787]  }
0x444: {  	[tilespmem:s14], [sflag:$0x1] =	stream.indirect.gather [hbm4b:s8+s7], $0x20, s12, s7, $0xb8;
	[tilespmem:$0x1DB00] =	vst v63  }
0x445: {  	s18 =	simm.s32 $0x8B00;
	s19 =	sld [smem:$0x788]  }
0x446: {  	[tilespmem:s18], [sflag:$0x1] =	stream.indirect.gather [hbm4b:s8+s7], $0x20, s13, s7, $0xb8;
	[tilespmem:$0x1DB00] =	vst v63  }
0x447: {  	s21 =	simm.s32 $0x9B00;
	s20 =	sld [smem:$0x789]  }
0x448: {  	[tilespmem:s21], [sflag:$0x1] =	stream.indirect.gather [hbm4b:s8+s7], $0x20, s19, s7, $0xb8;
	[tilespmem:$0x1DB00] =	vst v63  }
0x449: {  	s23 =	simm.s32 $0xAB00;
	s21 =	sld [smem:$0x78A]  }
0x44a: {  	[tilespmem:s23], [sflag:$0x1] =	stream.indirect.gather [hbm4b:s8+s7], $0x20, s20, s7, $0xb8;
	[tilespmem:$0x1DB00] =	vst v63  }
0x44b: {  	s25 =	simm.s32 $0xBB00;
	s22 =	sld [smem:$0x78B]  }
0x44c: {  	[tilespmem:s25], [sflag:$0x1] =	stream.indirect.gather [hbm4b:s8+s7], $0x20, s21, s7, $0xb8;
	[tilespmem:$0x1DB00] =	vst v63  }
0x44d: {  	s28 =	simm.s32 $0xCB00  }
0x44e: {  	[tilespmem:s28], [sflag:$0x1] =	stream.indirect.gather [hbm4b:s8+s7], $0x20, s22, s7, $0xb8;
	[tilespmem:$0x1DB00] =	vst v63  }
0x44f: {  	s10 =	sld [smem:$0x78C];
	_ =	sdelay $0x1  }
0x450: {  	s1 =	simm.s32 $0xDB00;
	s23 =	sld [smem:$0x78D]  }
0x451: {  	[tilespmem:s1], [sflag:$0x1] =	stream.indirect.gather [hbm4b:s8+s7], $0x20, s10, s7, $0xb8;
	[tilespmem:$0x1DB00] =	vst v63  }
0x452: {  	s16 =	simm.s32 $0xEB00;
	s25 =	sld [smem:$0x78E]  }
0x453: {  	[tilespmem:s16], [sflag:$0x1] =	stream.indirect.gather [hbm4b:s8+s7], $0x20, s23, s7, $0xb8;
	[tilespmem:$0x1DB00] =	vst v63  }
0x454: {  	s3 =	simm.s32 $0xFB00;
	s28 =	sld [smem:$0x78F]  }
0x455: {  	[tilespmem:s3], [sflag:$0x1] =	stream.indirect.gather [hbm4b:s8+s7], $0x20, s25, s7, $0xb8;
	[tilespmem:$0x1DB00] =	vst v63  }
0x456: {  	s18 =	simm.s32 $0x10B00;
	s30 =	sld [smem:$0x790]  }
0x457: {  	[tilespmem:s18], [sflag:$0x1] =	stream.indirect.gather [hbm4b:s8+s7], $0x20, s28, s7, $0xb8;
	[tilespmem:$0x1DB00] =	vst v63  }
0x458: {  	s21 =	simm.s32 $0x11B00;
	s3 =	sld [smem:$0x791]  }
0x459: {  	[tilespmem:s21], [sflag:$0x1] =	stream.indirect.gather [hbm4b:s8+s7], $0x20, s30, s7, $0xb8;
	[tilespmem:$0x1DB00] =	vst v63  }
0x45a: {  	s13 =	sld [smem:$0x792];
	s23 =	simm.s32 $0x12B00  }
0x45b: {  	[tilespmem:s23], [sflag:$0x1] =	stream.indirect.gather [hbm4b:s8+s7], $0x20, s3, s7, $0xb8;
	[tilespmem:$0x1DB00] =	vst v63  }
0x45c: {  	s14 =	sld [smem:$0x793];
	s3 =	simm.s32 $0x13B00  }
0x45d: {  	[tilespmem:s3], [sflag:$0x1] =	stream.indirect.gather [hbm4b:s8+s7], $0x20, s13, s7, $0xb8;
	[tilespmem:$0x1DB00] =	vst v63  }
0x45e: {  	s16 =	sld [smem:$0x794];
	s13 =	simm.s32 $0x14B00  }
0x45f: {  	[tilespmem:s13], [sflag:$0x1] =	stream.indirect.gather [hbm4b:s8+s7], $0x20, s14, s7, $0xb8;
	[tilespmem:$0x1DB00] =	vst v63  }
0x460: {  	s19 =	sld [smem:$0x795];
	s14 =	simm.s32 $0x15B00  }
0x461: {  	[tilespmem:s14], [sflag:$0x1] =	stream.indirect.gather [hbm4b:s8+s7], $0x20, s16, s7, $0xb8;
	[tilespmem:$0x1DB00] =	vst v63  }
0x462: {  	s20 =	sld [smem:$0x796];
	s16 =	simm.s32 $0x16B00  }
0x463: {  	[tilespmem:s16], [sflag:$0x1] =	stream.indirect.gather [hbm4b:s8+s7], $0x20, s19, s7, $0xb8;
	[tilespmem:$0x1DB00] =	vst v63  }
0x464: {  	s25 =	sld [smem:$0x797];
	s30 =	simm.s32 $0x17B00  }
0x465: {  	[tilespmem:s30], [sflag:$0x1] =	stream.indirect.gather [hbm4b:s8+s7], $0x20, s20, s7, $0xb8;
	[tilespmem:$0x1DB00] =	vst v63  }
0x466: {  	s28 =	simm.s32 $0x18B00;
	s19 =	sld [smem:$0x798]  }
0x467: {  	[tilespmem:s28], [sflag:$0x1] =	stream.indirect.gather [hbm4b:s8+s7], $0x20, s25, s7, $0xb8;
	[tilespmem:$0x1DB00] =	vst v63  }
0x468: {  	s20 =	sld [smem:$0x799];
	s25 =	simm.s32 $0x19B00  }
0x469: {  	[tilespmem:s25], [sflag:$0x1] =	stream.indirect.gather [hbm4b:s8+s7], $0x20, s19, s7, $0xb8;
	[tilespmem:$0x1DB00] =	vst v63  }
0x46a: {  	s17 =	simm.s32 $0x1AB00;
	s10 =	sld [smem:$0x79A]  }
0x46b: {  	[tilespmem:s17], [sflag:$0x1] =	stream.indirect.gather [hbm4b:s8+s7], $0x20, s20, s7, $0xb8;
	[tilespmem:$0x1DB00] =	vst v63  }
0x46c: {  	s19 =	sld [smem:$0x79B];
	s17 =	simm.s32 $0x1BB00  }
0x46d: {  	[tilespmem:s17], [sflag:$0x1] =	stream.indirect.gather [hbm4b:s8+s7], $0x20, s10, s7, $0xb8;
	[tilespmem:$0x1DB00] =	vst v63  }
0x46e: {  	s4 =	simm.s32 $0x1CB00  }
0x46f: {  	[tilespmem:s4], [sflag:$0x1] =	stream.indirect.gather [hbm4b:s8+s7], $0x20, s19, s7, $0xb8;
	[tilespmem:$0x1DB00] =	vst v63  }
0x470: {  	_ =	swait.ge [sflag:s6], $0x1000  }
0x471: {  	[sflag:s6] =	ssyncset.done $0x0  }
0x472: {  	[sflag:s6] =	ssyncadd.s32 $0xFFFFF000  }
0x473: {  	_ =	swait.ge [sflag:s6], $0x1000  }
0x474: {  	[sflag:s6] =	ssyncset.done $0x0  }
0x475: {  	[sflag:s6] =	ssyncadd.s32 $0xFFFFF000  }
0x476: {  	_ =	swait.ge [sflag:s6], $0x1000  }
0x477: {  	[sflag:s6] =	ssyncset.done $0x0  }
0x478: {  	[sflag:s6] =	ssyncadd.s32 $0xFFFFF000  }
0x479: {  	_ =	swait.ge [sflag:s6], $0x1000  }
0x47a: {  	[sflag:s6] =	ssyncset.done $0x0  }
0x47b: {  	[sflag:s6] =	ssyncadd.s32 $0xFFFFF000  }
0x47c: {  	_ =	swait.ge [sflag:s6], $0x1000  }
0x47d: {  	[sflag:s6] =	ssyncset.done $0x0  }
0x47e: {  	[sflag:s6] =	ssyncadd.s32 $0xFFFFF000  }
0x47f: {  	_ =	swait.ge [sflag:s6], $0x1000  }
0x480: {  	[sflag:s6] =	ssyncset.done $0x0  }
0x481: {  	[sflag:s6] =	ssyncadd.s32 $0xFFFFF000  }
0x482: {  	_ =	swait.ge [sflag:s6], $0x1000  }
0x483: {  	[sflag:s6] =	ssyncset.done $0x0  }
0x484: {  	[sflag:s6] =	ssyncadd.s32 $0xFFFFF000  }
0x485: {  	_ =	swait.ge [sflag:s6], $0x1000  }
0x486: {  	[sflag:s6] =	ssyncset.done $0x0  }
0x487: {  	[sflag:s6] =	ssyncadd.s32 $0xFFFFF000  }
0x488: {  	_ =	swait.ge [sflag:s6], $0x1000  }
0x489: {  	[sflag:s6] =	ssyncset.done $0x0  }
0x48a: {  	[sflag:s6] =	ssyncadd.s32 $0xFFFFF000  }
0x48b: {  	_ =	swait.ge [sflag:s6], $0x1000  }
0x48c: {  	[sflag:s6] =	ssyncset.done $0x0  }
0x48d: {  	[sflag:s6] =	ssyncadd.s32 $0xFFFFF000  }
0x48e: {  	_ =	swait.ge [sflag:s6], $0x1000  }
0x48f: {  	[sflag:s6] =	ssyncset.done $0x0  }
0x490: {  	[sflag:s6] =	ssyncadd.s32 $0xFFFFF000  }
0x491: {  	_ =	swait.ge [sflag:s6], $0x1000  }
0x492: {  	[sflag:s6] =	ssyncset.done $0x0  }
0x493: {  	[sflag:s6] =	ssyncadd.s32 $0xFFFFF000  }
0x494: {  	_ =	swait.ge [sflag:s6], $0x1000  }
0x495: {  	[sflag:s6] =	ssyncset.done $0x0  }
0x496: {  	[sflag:s6] =	ssyncadd.s32 $0xFFFFF000  }
0x497: {  	_ =	swait.ge [sflag:s6], $0x1000  }
0x498: {  	[sflag:s6] =	ssyncset.done $0x0  }
0x499: {  	[sflag:s6] =	ssyncadd.s32 $0xFFFFF000  }
0x49a: {  	_ =	swait.ge [sflag:s6], $0x1000  }
0x49b: {  	[sflag:s6] =	ssyncset.done $0x0  }
0x49c: {  	[sflag:s6] =	ssyncadd.s32 $0xFFFFF000  }
0x49d: {  	_ =	swait.ge [sflag:s6], $0x1000  }
0x49e: {  	[sflag:s6] =	ssyncset.done $0x0  }
0x49f: {  	[sflag:s6] =	ssyncadd.s32 $0xFFFFF000  }
0x4a0: {  	_ =	swait.ge [sflag:s6], $0x1000  }
0x4a1: {  	[sflag:s6] =	ssyncset.done $0x0  }
0x4a2: {  	[sflag:s6] =	ssyncadd.s32 $0xFFFFF000  }
0x4a3: {  	_ =	swait.ge [sflag:s6], $0x1000  }
0x4a4: {  	[sflag:s6] =	ssyncset.done $0x0  }
0x4a5: {  	[sflag:s6] =	ssyncadd.s32 $0xFFFFF000  }
0x4a6: {  	_ =	swait.ge [sflag:s6], $0x1000  }
0x4a7: {  	[sflag:s6] =	ssyncset.done $0x0  }
0x4a8: {  	[sflag:s6] =	ssyncadd.s32 $0xFFFFF000  }
0x4a9: {  	_ =	swait.ge [sflag:s6], $0x1000  }
0x4aa: {  	[sflag:s6] =	ssyncset.done $0x0  }
0x4ab: {  	[sflag:s6] =	ssyncadd.s32 $0xFFFFF000  }
0x4ac: {  	_ =	swait.ge [sflag:s6], $0x1000  }
0x4ad: {  	[sflag:s6] =	ssyncset.done $0x0  }
0x4ae: {  	[sflag:s6] =	ssyncadd.s32 $0xFFFFF000  }
0x4af: {  	_ =	swait.ge [sflag:s6], $0x1000  }
0x4b0: {  	[sflag:s6] =	ssyncset.done $0x0  }
0x4b1: {  	[sflag:s6] =	ssyncadd.s32 $0xFFFFF000  }
0x4b2: {  	_ =	swait.ge [sflag:s6], $0x1000  }
0x4b3: {  	[sflag:s6] =	ssyncset.done $0x0  }
0x4b4: {  	[sflag:s6] =	ssyncadd.s32 $0xFFFFF000  }
0x4b5: {  	_ =	swait.ge [sflag:s6], $0x1000  }
0x4b6: {  	[sflag:s6] =	ssyncset.done $0x0  }
0x4b7: {  	[sflag:s6] =	ssyncadd.s32 $0xFFFFF000  }
0x4b8: {  	_ =	swait.ge [sflag:s6], $0x1000  }
0x4b9: {  	[sflag:s6] =	ssyncset.done $0x0  }
0x4ba: {  	s11 =	simm.s32 $0x0;
	s4 =	rddreg [dreg:$0x7];
	[sflag:s6] =	ssyncadd.s32 $0xFFFFF000  }
0x4bb: {  	[hbm4b:s4+s11] =	stream.linear.scatter [tilespmem:s15], [sflag:$0x2], $0x19000, $0x38;
	[tilespmem:$0x1DB00] =	vst v63  }
0x4bc: {  	_ =	swait.ge [sflag:s31], $0x19000  }
0x4bd: {  	[sflag:s31] =	ssyncset.done $0x0  }
0x4be: {  	s11 =	simm.s32 $0x1900;
	s10 =	sld [smem:$0x79C];
	[sflag:s31] =	ssyncadd.s32 $0xFFFE7000  }
0x4bf: {  	[tilespmem:s15], [sflag:$0x1] =	stream.indirect.gather [hbm4b:s0+s7], $0x20, s11, s7, $0xb8;
	[tilespmem:$0x1DB00] =	vst v63  }
0x4c0: {  	s4 =	sld [smem:$0x79D]  }
0x4c1: {  	[tilespmem:s2], [sflag:$0x1] =	stream.indirect.gather [hbm4b:s0+s7], $0x20, s10, s7, $0xb8;
	[tilespmem:$0x1DB00] =	vst v63  }
0x4c2: {  	s29 =	simm.s32 $0x6B00;
	s10 =	sld [smem:$0x79E]  }
0x4c3: {  	[tilespmem:s29], [sflag:$0x1] =	stream.indirect.gather [hbm4b:s0+s7], $0x20, s4, s7, $0xb8;
	[tilespmem:$0x1DB00] =	vst v63  }
0x4c4: {  	s11 =	sld [smem:$0x79F];
	s4 =	simm.s32 $0x7B00  }
0x4c5: {  	[tilespmem:s4], [sflag:$0x1] =	stream.indirect.gather [hbm4b:s0+s7], $0x20, s10, s7, $0xb8;
	[tilespmem:$0x1DB00] =	vst v63  }
0x4c6: {  	s10 =	sld [smem:$0x7A0];
	s4 =	simm.s32 $0x8B00  }
0x4c7: {  	[tilespmem:s4], [sflag:$0x1] =	stream.indirect.gather [hbm4b:s0+s7], $0x20, s11, s7, $0xb8;
	[tilespmem:$0x1DB00] =	vst v63  }
0x4c8: {  	s11 =	sld [smem:$0x7A1];
	s4 =	simm.s32 $0x9B00  }
0x4c9: {  	[tilespmem:s4], [sflag:$0x1] =	stream.indirect.gather [hbm4b:s0+s7], $0x20, s10, s7, $0xb8;
	[tilespmem:$0x1DB00] =	vst v63  }
0x4ca: {  	s24 =	simm.s32 $0xAB00;
	s10 =	sld [smem:$0x7A2]  }
0x4cb: {  	[tilespmem:s24], [sflag:$0x1] =	stream.indirect.gather [hbm4b:s0+s7], $0x20, s11, s7, $0xb8;
	[tilespmem:$0x1DB00] =	vst v63  }
0x4cc: {  	s26 =	simm.s32 $0xBB00;
	s4 =	sld [smem:$0x7A3]  }
0x4cd: {  	[tilespmem:s26], [sflag:$0x1] =	stream.indirect.gather [hbm4b:s0+s7], $0x20, s10, s7, $0xb8;
	[tilespmem:$0x1DB00] =	vst v63  }
0x4ce: {  	s24 =	simm.s32 $0xCB00;
	s10 =	sld [smem:$0x7A4]  }
0x4cf: {  	[tilespmem:s24], [sflag:$0x1] =	stream.indirect.gather [hbm4b:s0+s7], $0x20, s4, s7, $0xb8;
	[tilespmem:$0x1DB00] =	vst v63  }
0x4d0: {  	s4 =	sld [smem:$0x7A5]  }
0x4d1: {  	[tilespmem:s1], [sflag:$0x1] =	stream.indirect.gather [hbm4b:s0+s7], $0x20, s10, s7, $0xb8;
	[tilespmem:$0x1DB00] =	vst v63  }
0x4d2: {  	s22 =	simm.s32 $0xEB00;
	s1 =	sld [smem:$0x7A6]  }
0x4d3: {  	[tilespmem:s22], [sflag:$0x1] =	stream.indirect.gather [hbm4b:s0+s7], $0x20, s4, s7, $0xb8;
	[tilespmem:$0x1DB00] =	vst v63  }
0x4d4: {  	s12 =	simm.s32 $0xFB00;
	s4 =	sld [smem:$0x7A7]  }
0x4d5: {  	[tilespmem:s12], [sflag:$0x1] =	stream.indirect.gather [hbm4b:s0+s7], $0x20, s1, s7, $0xb8;
	[tilespmem:$0x1DB00] =	vst v63  }
0x4d6: {  	s12 =	sld [smem:$0x7A8]  }
0x4d7: {  	[tilespmem:s18], [sflag:$0x1] =	stream.indirect.gather [hbm4b:s0+s7], $0x20, s4, s7, $0xb8;
	[tilespmem:$0x1DB00] =	vst v63  }
0x4d8: {  	s22 =	sld [smem:$0x7A9]  }
0x4d9: {  	[tilespmem:s21], [sflag:$0x1] =	stream.indirect.gather [hbm4b:s0+s7], $0x20, s12, s7, $0xb8;
	[tilespmem:$0x1DB00] =	vst v63  }
0x4da: {  	s1 =	sld [smem:$0x7AA]  }
0x4db: {  	[tilespmem:s23], [sflag:$0x1] =	stream.indirect.gather [hbm4b:s0+s7], $0x20, s22, s7, $0xb8;
	[tilespmem:$0x1DB00] =	vst v63  }
0x4dc: {  	s4 =	sld [smem:$0x7AB]  }
0x4dd: {  	[tilespmem:s3], [sflag:$0x1] =	stream.indirect.gather [hbm4b:s0+s7], $0x20, s1, s7, $0xb8;
	[tilespmem:$0x1DB00] =	vst v63  }
0x4de: {  	s12 =	sld [smem:$0x7AC]  }
0x4df: {  	[tilespmem:s13], [sflag:$0x1] =	stream.indirect.gather [hbm4b:s0+s7], $0x20, s4, s7, $0xb8;
	[tilespmem:$0x1DB00] =	vst v63  }
0x4e0: {  	s18 =	sld [smem:$0x7AD]  }
0x4e1: {  	[tilespmem:s14], [sflag:$0x1] =	stream.indirect.gather [hbm4b:s0+s7], $0x20, s12, s7, $0xb8;
	[tilespmem:$0x1DB00] =	vst v63  }
0x4e2: {  	s23 =	sld [smem:$0x7AE]  }
0x4e3: {  	[tilespmem:s16], [sflag:$0x1] =	stream.indirect.gather [hbm4b:s0+s7], $0x20, s18, s7, $0xb8;
	[tilespmem:$0x1DB00] =	vst v63  }
0x4e4: {  	s1 =	sld [smem:$0x7AF]  }
0x4e5: {  	[tilespmem:s30], [sflag:$0x1] =	stream.indirect.gather [hbm4b:s0+s7], $0x20, s23, s7, $0xb8;
	[tilespmem:$0x1DB00] =	vst v63  }
0x4e6: {  	s3 =	sld [smem:$0x7B0]  }
0x4e7: {  	[tilespmem:s28], [sflag:$0x1] =	stream.indirect.gather [hbm4b:s0+s7], $0x20, s1, s7, $0xb8;
	[tilespmem:$0x1DB00] =	vst v63  }
0x4e8: {  	s4 =	sld [smem:$0x7B1]  }
0x4e9: {  	[tilespmem:s25], [sflag:$0x1] =	stream.indirect.gather [hbm4b:s0+s7], $0x20, s3, s7, $0xb8;
	[tilespmem:$0x1DB00] =	vst v63  }
0x4ea: {  	s20 =	simm.s32 $0x1AB00;
	s12 =	sld [smem:$0x7B2]  }
0x4eb: {  	[tilespmem:s20], [sflag:$0x1] =	stream.indirect.gather [hbm4b:s0+s7], $0x20, s4, s7, $0xb8;
	[tilespmem:$0x1DB00] =	vst v63  }
0x4ec: {  	s13 =	sld [smem:$0x7B3]  }
0x4ed: {  	[tilespmem:s17], [sflag:$0x1] =	stream.indirect.gather [hbm4b:s0+s7], $0x20, s12, s7, $0xb8;
	[tilespmem:$0x1DB00] =	vst v63  }
0x4ee: {  	s19 =	simm.s32 $0x1CB00  }
0x4ef: {  	[tilespmem:s19], [sflag:$0x1] =	stream.indirect.gather [hbm4b:s0+s7], $0x20, s13, s7, $0xb8;
	[tilespmem:$0x1DB00] =	vst v63  }
0x4f0: {  	_ =	swait.ge [sflag:s6], $0x1000  }
0x4f1: {  	[sflag:s6] =	ssyncset.done $0x0  }
0x4f2: {  	[sflag:s6] =	ssyncadd.s32 $0xFFFFF000  }
0x4f3: {  	_ =	swait.ge [sflag:s6], $0x1000  }
0x4f4: {  	[sflag:s6] =	ssyncset.done $0x0  }
0x4f5: {  	[sflag:s6] =	ssyncadd.s32 $0xFFFFF000  }
0x4f6: {  	_ =	swait.ge [sflag:s6], $0x1000  }
0x4f7: {  	[sflag:s6] =	ssyncset.done $0x0  }
0x4f8: {  	[sflag:s6] =	ssyncadd.s32 $0xFFFFF000  }
0x4f9: {  	_ =	swait.ge [sflag:s6], $0x1000  }
0x4fa: {  	[sflag:s6] =	ssyncset.done $0x0  }
0x4fb: {  	[sflag:s6] =	ssyncadd.s32 $0xFFFFF000  }
0x4fc: {  	_ =	swait.ge [sflag:s6], $0x1000  }
0x4fd: {  	[sflag:s6] =	ssyncset.done $0x0  }
0x4fe: {  	[sflag:s6] =	ssyncadd.s32 $0xFFFFF000  }
0x4ff: {  	_ =	swait.ge [sflag:s6], $0x1000  }
0x500: {  	[sflag:s6] =	ssyncset.done $0x0  }
0x501: {  	[sflag:s6] =	ssyncadd.s32 $0xFFFFF000  }
0x502: {  	_ =	swait.ge [sflag:s6], $0x1000  }
0x503: {  	[sflag:s6] =	ssyncset.done $0x0  }
0x504: {  	[sflag:s6] =	ssyncadd.s32 $0xFFFFF000  }
0x505: {  	_ =	swait.ge [sflag:s6], $0x1000  }
0x506: {  	[sflag:s6] =	ssyncset.done $0x0  }
0x507: {  	[sflag:s6] =	ssyncadd.s32 $0xFFFFF000  }
0x508: {  	_ =	swait.ge [sflag:s6], $0x1000  }
0x509: {  	[sflag:s6] =	ssyncset.done $0x0  }
0x50a: {  	[sflag:s6] =	ssyncadd.s32 $0xFFFFF000  }
0x50b: {  	_ =	swait.ge [sflag:s6], $0x1000  }
0x50c: {  	[sflag:s6] =	ssyncset.done $0x0  }
0x50d: {  	[sflag:s6] =	ssyncadd.s32 $0xFFFFF000  }
0x50e: {  	_ =	swait.ge [sflag:s6], $0x1000  }
0x50f: {  	[sflag:s6] =	ssyncset.done $0x0  }
0x510: {  	[sflag:s6] =	ssyncadd.s32 $0xFFFFF000  }
0x511: {  	_ =	swait.ge [sflag:s6], $0x1000  }
0x512: {  	[sflag:s6] =	ssyncset.done $0x0  }
0x513: {  	[sflag:s6] =	ssyncadd.s32 $0xFFFFF000  }
0x514: {  	_ =	swait.ge [sflag:s6], $0x1000  }
0x515: {  	[sflag:s6] =	ssyncset.done $0x0  }
0x516: {  	[sflag:s6] =	ssyncadd.s32 $0xFFFFF000  }
0x517: {  	_ =	swait.ge [sflag:s6], $0x1000  }
0x518: {  	[sflag:s6] =	ssyncset.done $0x0  }
0x519: {  	[sflag:s6] =	ssyncadd.s32 $0xFFFFF000  }
0x51a: {  	_ =	swait.ge [sflag:s6], $0x1000  }
0x51b: {  	[sflag:s6] =	ssyncset.done $0x0  }
0x51c: {  	[sflag:s6] =	ssyncadd.s32 $0xFFFFF000  }
0x51d: {  	_ =	swait.ge [sflag:s6], $0x1000  }
0x51e: {  	[sflag:s6] =	ssyncset.done $0x0  }
0x51f: {  	[sflag:s6] =	ssyncadd.s32 $0xFFFFF000  }
0x520: {  	_ =	swait.ge [sflag:s6], $0x1000  }
0x521: {  	[sflag:s6] =	ssyncset.done $0x0  }
0x522: {  	[sflag:s6] =	ssyncadd.s32 $0xFFFFF000  }
0x523: {  	_ =	swait.ge [sflag:s6], $0x1000  }
0x524: {  	[sflag:s6] =	ssyncset.done $0x0  }
0x525: {  	[sflag:s6] =	ssyncadd.s32 $0xFFFFF000  }
0x526: {  	_ =	swait.ge [sflag:s6], $0x1000  }
0x527: {  	[sflag:s6] =	ssyncset.done $0x0  }
0x528: {  	[sflag:s6] =	ssyncadd.s32 $0xFFFFF000  }
0x529: {  	_ =	swait.ge [sflag:s6], $0x1000  }
0x52a: {  	[sflag:s6] =	ssyncset.done $0x0  }
0x52b: {  	[sflag:s6] =	ssyncadd.s32 $0xFFFFF000  }
0x52c: {  	_ =	swait.ge [sflag:s6], $0x1000  }
0x52d: {  	[sflag:s6] =	ssyncset.done $0x0  }
0x52e: {  	[sflag:s6] =	ssyncadd.s32 $0xFFFFF000  }
0x52f: {  	_ =	swait.ge [sflag:s6], $0x1000  }
0x530: {  	[sflag:s6] =	ssyncset.done $0x0  }
0x531: {  	[sflag:s6] =	ssyncadd.s32 $0xFFFFF000  }
0x532: {  	_ =	swait.ge [sflag:s6], $0x1000  }
0x533: {  	[sflag:s6] =	ssyncset.done $0x0  }
0x534: {  	[sflag:s6] =	ssyncadd.s32 $0xFFFFF000  }
0x535: {  	_ =	swait.ge [sflag:s6], $0x1000  }
0x536: {  	[sflag:s6] =	ssyncset.done $0x0  }
0x537: {  	[sflag:s6] =	ssyncadd.s32 $0xFFFFF000  }
0x538: {  	_ =	swait.ge [sflag:s6], $0x1000  }
0x539: {  	[sflag:s6] =	ssyncset.done $0x0  }
0x53a: {  	s18 =	simm.s32 $0x0;
	s17 =	rddreg [dreg:$0x8];
	[sflag:s6] =	ssyncadd.s32 $0xFFFFF000  }
0x53b: {  	[hbm4b:s17+s18] =	stream.linear.scatter [tilespmem:s15], [sflag:$0x2], $0x19000, $0x38;
	[tilespmem:$0x1DB00] =	vst v63  }
0x53c: {  	_ =	swait.ge [sflag:s31], $0x19000  }
0x53d: {  	s19 =	sld [smem:$0x7B4]  }
0x53e: {  	[sflag:s31] =	ssyncset.done $0x0  }
0x53f: {  	s20 =	sld [smem:$0x7B5];
	[sflag:s31] =	ssyncadd.s32 $0xFFFE7000  }
0x540: {  	[tilespmem:s15], [sflag:$0x1] =	stream.indirect.gather [hbm4b:s0+s7], $0x20, s19, s7, $0xb8;
	[tilespmem:$0x1DB00] =	vst v63  }
0x541: {  	s2 =	simm.s32 $0x5B00;
	s23 =	sld [smem:$0x7B6]  }
0x542: {  	[tilespmem:s2], [sflag:$0x1] =	stream.indirect.gather [hbm4b:s0+s7], $0x20, s20, s7, $0xb8;
	[tilespmem:$0x1DB00] =	vst v63  }
0x543: {  	s29 =	simm.s32 $0x6B00;
	s25 =	sld [smem:$0x7B7]  }
0x544: {  	[tilespmem:s29], [sflag:$0x1] =	stream.indirect.gather [hbm4b:s0+s7], $0x20, s23, s7, $0xb8;
	[tilespmem:$0x1DB00] =	vst v63  }
0x545: {  	s28 =	sld [smem:$0x7B8];
	s29 =	simm.s32 $0x7B00  }
0x546: {  	[tilespmem:s29], [sflag:$0x1] =	stream.indirect.gather [hbm4b:s0+s7], $0x20, s25, s7, $0xb8;
	[tilespmem:$0x1DB00] =	vst v63  }
0x547: {  	s13 =	simm.s32 $0x8B00;
	s4 =	sld [smem:$0x7B9]  }
0x548: {  	[tilespmem:s13], [sflag:$0x1] =	stream.indirect.gather [hbm4b:s0+s7], $0x20, s28, s7, $0xb8;
	[tilespmem:$0x1DB00] =	vst v63  }
0x549: {  	s17 =	sld [smem:$0x7BA];
	s19 =	simm.s32 $0x9B00  }
0x54a: {  	[tilespmem:s19], [sflag:$0x1] =	stream.indirect.gather [hbm4b:s0+s7], $0x20, s4, s7, $0xb8;
	[tilespmem:$0x1DB00] =	vst v63  }
0x54b: {  	s20 =	sld [smem:$0x7BB];
	s23 =	simm.s32 $0xAB00  }
0x54c: {  	[tilespmem:s23], [sflag:$0x1] =	stream.indirect.gather [hbm4b:s0+s7], $0x20, s17, s7, $0xb8;
	[tilespmem:$0x1DB00] =	vst v63  }
0x54d: {  	s26 =	simm.s32 $0xBB00;
	s25 =	sld [smem:$0x7BC]  }
0x54e: {  	[tilespmem:s26], [sflag:$0x1] =	stream.indirect.gather [hbm4b:s0+s7], $0x20, s20, s7, $0xb8;
	[tilespmem:$0x1DB00] =	vst v63  }
0x54f: {  	s4 =	simm.s32 $0xCB00;
	s26 =	sld [smem:$0x7BD]  }
0x550: {  	[tilespmem:s4], [sflag:$0x1] =	stream.indirect.gather [hbm4b:s0+s7], $0x20, s25, s7, $0xb8;
	[tilespmem:$0x1DB00] =	vst v63  }
0x551: {  	s24 =	simm.s32 $0xDB00;
	s19 =	sld [smem:$0x7BE]  }
0x552: {  	[tilespmem:s24], [sflag:$0x1] =	stream.indirect.gather [hbm4b:s0+s7], $0x20, s26, s7, $0xb8;
	[tilespmem:$0x1DB00] =	vst v63  }
0x553: {  	s20 =	sld [smem:$0x7BF];
	s24 =	simm.s32 $0xEB00  }
0x554: {  	[tilespmem:s24], [sflag:$0x1] =	stream.indirect.gather [hbm4b:s0+s7], $0x20, s19, s7, $0xb8;
	[tilespmem:$0x1DB00] =	vst v63  }
0x555: {  	s25 =	sld [smem:$0x7C0];
	s26 =	simm.s32 $0xFB00  }
0x556: {  	[tilespmem:s26], [sflag:$0x1] =	stream.indirect.gather [hbm4b:s0+s7], $0x20, s20, s7, $0xb8;
	[tilespmem:$0x1DB00] =	vst v63  }
0x557: {  	s4 =	sld [smem:$0x7C1];
	s19 =	simm.s32 $0x10B00  }
0x558: {  	[tilespmem:s19], [sflag:$0x1] =	stream.indirect.gather [hbm4b:s0+s7], $0x20, s25, s7, $0xb8;
	[tilespmem:$0x1DB00] =	vst v63  }
0x559: {  	s24 =	simm.s32 $0x11B00;
	s20 =	sld [smem:$0x7C2]  }
0x55a: {  	[tilespmem:s24], [sflag:$0x1] =	stream.indirect.gather [hbm4b:s0+s7], $0x20, s4, s7, $0xb8;
	[tilespmem:$0x1DB00] =	vst v63  }
0x55b: {  	s21 =	simm.s32 $0x12B00;
	s25 =	sld [smem:$0x7C3]  }
0x55c: {  	[tilespmem:s21], [sflag:$0x1] =	stream.indirect.gather [hbm4b:s0+s7], $0x20, s20, s7, $0xb8;
	[tilespmem:$0x1DB00] =	vst v63  }
0x55d: {  	s22 =	simm.s32 $0x13B00;
	s4 =	sld [smem:$0x7C4]  }
0x55e: {  	[tilespmem:s22], [sflag:$0x1] =	stream.indirect.gather [hbm4b:s0+s7], $0x20, s25, s7, $0xb8;
	[tilespmem:$0x1DB00] =	vst v63  }
0x55f: {  	s24 =	simm.s32 $0x14B00;
	s21 =	sld [smem:$0x7C5]  }
0x560: {  	[tilespmem:s24], [sflag:$0x1] =	stream.indirect.gather [hbm4b:s0+s7], $0x20, s4, s7, $0xb8;
	[tilespmem:$0x1DB00] =	vst v63  }
0x561: {  	s14 =	simm.s32 $0x15B00;
	s25 =	sld [smem:$0x7C6]  }
0x562: {  	[tilespmem:s14], [sflag:$0x1] =	stream.indirect.gather [hbm4b:s0+s7], $0x20, s21, s7, $0xb8;
	[tilespmem:$0x1DB00] =	vst v63  }
0x563: {  	s16 =	simm.s32 $0x16B00;
	s4 =	sld [smem:$0x7C7]  }
0x564: {  	[tilespmem:s16], [sflag:$0x1] =	stream.indirect.gather [hbm4b:s0+s7], $0x20, s25, s7, $0xb8;
	[tilespmem:$0x1DB00] =	vst v63  }
0x565: {  	s30 =	simm.s32 $0x17B00;
	s21 =	sld [smem:$0x7C8]  }
0x566: {  	[tilespmem:s30], [sflag:$0x1] =	stream.indirect.gather [hbm4b:s0+s7], $0x20, s4, s7, $0xb8;
	[tilespmem:$0x1DB00] =	vst v63  }
0x567: {  	s24 =	sld [smem:$0x7C9];
	s25 =	simm.s32 $0x18B00  }
0x568: {  	[tilespmem:s25], [sflag:$0x1] =	stream.indirect.gather [hbm4b:s0+s7], $0x20, s21, s7, $0xb8;
	[tilespmem:$0x1DB00] =	vst v63  }
0x569: {  	s10 =	sld [smem:$0x7CA];
	s21 =	simm.s32 $0x19B00  }
0x56a: {  	[tilespmem:s21], [sflag:$0x1] =	stream.indirect.gather [hbm4b:s0+s7], $0x20, s24, s7, $0xb8;
	[tilespmem:$0x1DB00] =	vst v63  }
0x56b: {  	s11 =	sld [smem:$0x7CB];
	s24 =	simm.s32 $0x1AB00  }
0x56c: {  	[tilespmem:s24], [sflag:$0x1] =	stream.indirect.gather [hbm4b:s0+s7], $0x20, s10, s7, $0xb8;
	[tilespmem:$0x1DB00] =	vst v63  }
0x56d: {  	s10 =	sld [smem:$0x7CC];
	s24 =	simm.s32 $0x1BB00  }
0x56e: {  	[tilespmem:s24], [sflag:$0x1] =	stream.indirect.gather [hbm4b:s0+s7], $0x20, s11, s7, $0xb8;
	[tilespmem:$0x1DB00] =	vst v63  }
0x56f: {  	s11 =	simm.s32 $0x1CB00  }
0x570: {  	[tilespmem:s11], [sflag:$0x1] =	stream.indirect.gather [hbm4b:s0+s7], $0x20, s10, s7, $0xb8;
	[tilespmem:$0x1DB00] =	vst v63  }
0x571: {  	_ =	swait.ge [sflag:s6], $0x1000  }
0x572: {  	[sflag:s6] =	ssyncset.done $0x0  }
0x573: {  	[sflag:s6] =	ssyncadd.s32 $0xFFFFF000  }
0x574: {  	_ =	swait.ge [sflag:s6], $0x1000  }
0x575: {  	[sflag:s6] =	ssyncset.done $0x0  }
0x576: {  	[sflag:s6] =	ssyncadd.s32 $0xFFFFF000  }
0x577: {  	_ =	swait.ge [sflag:s6], $0x1000  }
0x578: {  	[sflag:s6] =	ssyncset.done $0x0  }
0x579: {  	[sflag:s6] =	ssyncadd.s32 $0xFFFFF000  }
0x57a: {  	_ =	swait.ge [sflag:s6], $0x1000  }
0x57b: {  	[sflag:s6] =	ssyncset.done $0x0  }
0x57c: {  	[sflag:s6] =	ssyncadd.s32 $0xFFFFF000  }
0x57d: {  	_ =	swait.ge [sflag:s6], $0x1000  }
0x57e: {  	[sflag:s6] =	ssyncset.done $0x0  }
0x57f: {  	[sflag:s6] =	ssyncadd.s32 $0xFFFFF000  }
0x580: {  	_ =	swait.ge [sflag:s6], $0x1000  }
0x581: {  	[sflag:s6] =	ssyncset.done $0x0  }
0x582: {  	[sflag:s6] =	ssyncadd.s32 $0xFFFFF000  }
0x583: {  	_ =	swait.ge [sflag:s6], $0x1000  }
0x584: {  	[sflag:s6] =	ssyncset.done $0x0  }
0x585: {  	[sflag:s6] =	ssyncadd.s32 $0xFFFFF000  }
0x586: {  	_ =	swait.ge [sflag:s6], $0x1000  }
0x587: {  	[sflag:s6] =	ssyncset.done $0x0  }
0x588: {  	[sflag:s6] =	ssyncadd.s32 $0xFFFFF000  }
0x589: {  	_ =	swait.ge [sflag:s6], $0x1000  }
0x58a: {  	[sflag:s6] =	ssyncset.done $0x0  }
0x58b: {  	[sflag:s6] =	ssyncadd.s32 $0xFFFFF000  }
0x58c: {  	_ =	swait.ge [sflag:s6], $0x1000  }
0x58d: {  	[sflag:s6] =	ssyncset.done $0x0  }
0x58e: {  	[sflag:s6] =	ssyncadd.s32 $0xFFFFF000  }
0x58f: {  	_ =	swait.ge [sflag:s6], $0x1000  }
0x590: {  	[sflag:s6] =	ssyncset.done $0x0  }
0x591: {  	[sflag:s6] =	ssyncadd.s32 $0xFFFFF000  }
0x592: {  	_ =	swait.ge [sflag:s6], $0x1000  }
0x593: {  	[sflag:s6] =	ssyncset.done $0x0  }
0x594: {  	[sflag:s6] =	ssyncadd.s32 $0xFFFFF000  }
0x595: {  	_ =	swait.ge [sflag:s6], $0x1000  }
0x596: {  	[sflag:s6] =	ssyncset.done $0x0  }
0x597: {  	[sflag:s6] =	ssyncadd.s32 $0xFFFFF000  }
0x598: {  	_ =	swait.ge [sflag:s6], $0x1000  }
0x599: {  	[sflag:s6] =	ssyncset.done $0x0  }
0x59a: {  	[sflag:s6] =	ssyncadd.s32 $0xFFFFF000  }
0x59b: {  	_ =	swait.ge [sflag:s6], $0x1000  }
0x59c: {  	[sflag:s6] =	ssyncset.done $0x0  }
0x59d: {  	[sflag:s6] =	ssyncadd.s32 $0xFFFFF000  }
0x59e: {  	_ =	swait.ge [sflag:s6], $0x1000  }
0x59f: {  	[sflag:s6] =	ssyncset.done $0x0  }
0x5a0: {  	[sflag:s6] =	ssyncadd.s32 $0xFFFFF000  }
0x5a1: {  	_ =	swait.ge [sflag:s6], $0x1000  }
0x5a2: {  	[sflag:s6] =	ssyncset.done $0x0  }
0x5a3: {  	[sflag:s6] =	ssyncadd.s32 $0xFFFFF000  }
0x5a4: {  	_ =	swait.ge [sflag:s6], $0x1000  }
0x5a5: {  	[sflag:s6] =	ssyncset.done $0x0  }
0x5a6: {  	[sflag:s6] =	ssyncadd.s32 $0xFFFFF000  }
0x5a7: {  	_ =	swait.ge [sflag:s6], $0x1000  }
0x5a8: {  	[sflag:s6] =	ssyncset.done $0x0  }
0x5a9: {  	[sflag:s6] =	ssyncadd.s32 $0xFFFFF000  }
0x5aa: {  	_ =	swait.ge [sflag:s6], $0x1000  }
0x5ab: {  	[sflag:s6] =	ssyncset.done $0x0  }
0x5ac: {  	[sflag:s6] =	ssyncadd.s32 $0xFFFFF000  }
0x5ad: {  	_ =	swait.ge [sflag:s6], $0x1000  }
0x5ae: {  	[sflag:s6] =	ssyncset.done $0x0  }
0x5af: {  	[sflag:s6] =	ssyncadd.s32 $0xFFFFF000  }
0x5b0: {  	_ =	swait.ge [sflag:s6], $0x1000  }
0x5b1: {  	[sflag:s6] =	ssyncset.done $0x0  }
0x5b2: {  	[sflag:s6] =	ssyncadd.s32 $0xFFFFF000  }
0x5b3: {  	_ =	swait.ge [sflag:s6], $0x1000  }
0x5b4: {  	[sflag:s6] =	ssyncset.done $0x0  }
0x5b5: {  	[sflag:s6] =	ssyncadd.s32 $0xFFFFF000  }
0x5b6: {  	_ =	swait.ge [sflag:s6], $0x1000  }
0x5b7: {  	[sflag:s6] =	ssyncset.done $0x0  }
0x5b8: {  	[sflag:s6] =	ssyncadd.s32 $0xFFFFF000  }
0x5b9: {  	_ =	swait.ge [sflag:s6], $0x1000  }
0x5ba: {  	[sflag:s6] =	ssyncset.done $0x0  }
0x5bb: {  	s11 =	simm.s32 $0x0;
	s4 =	rddreg [dreg:$0x9];
	[sflag:s6] =	ssyncadd.s32 $0xFFFFF000  }
0x5bc: {  	[hbm4b:s4+s11] =	stream.linear.scatter [tilespmem:s15], [sflag:$0x2], $0x19000, $0x38;
	[tilespmem:$0x1DB00] =	vst v63  }
0x5bd: {  	_ =	swait.ge [sflag:s31], $0x19000  }
0x5be: {  	[sflag:s31] =	ssyncset.done $0x0  }
0x5bf: {  	s11 =	simm.s32 $0x3200;
	s10 =	sld [smem:$0x7CD];
	[sflag:s31] =	ssyncadd.s32 $0xFFFE7000  }
0x5c0: {  	[tilespmem:s15], [sflag:$0x1] =	stream.indirect.gather [hbm4b:s5+s7], $0x20, s11, s7, $0xb8;
	[tilespmem:$0x1DB00] =	vst v63  }
0x5c1: {  	s1 =	simm.s32 $0x5B00;
	s4 =	sld [smem:$0x7CE]  }
0x5c2: {  	[tilespmem:s1], [sflag:$0x1] =	stream.indirect.gather [hbm4b:s5+s7], $0x20, s10, s7, $0xb8;
	[tilespmem:$0x1DB00] =	vst v63  }
0x5c3: {  	s3 =	simm.s32 $0x6B00;
	s1 =	sld [smem:$0x7CF]  }
0x5c4: {  	[tilespmem:s3], [sflag:$0x1] =	stream.indirect.gather [hbm4b:s5+s7], $0x20, s4, s7, $0xb8;
	[tilespmem:$0x1DB00] =	vst v63  }
0x5c5: {  	s18 =	simm.s32 $0x7B00;
	s4 =	sld [smem:$0x7D0]  }
0x5c6: {  	[tilespmem:s18], [sflag:$0x1] =	stream.indirect.gather [hbm4b:s5+s7], $0x20, s1, s7, $0xb8;
	[tilespmem:$0x1DB00] =	vst v63  }
0x5c7: {  	s12 =	simm.s32 $0x8B00;
	s18 =	sld [smem:$0x7D1]  }
0x5c8: {  	[tilespmem:s12], [sflag:$0x1] =	stream.indirect.gather [hbm4b:s5+s7], $0x20, s4, s7, $0xb8;
	[tilespmem:$0x1DB00] =	vst v63  }
0x5c9: {  	s13 =	simm.s32 $0x9B00;
	s1 =	sld [smem:$0x7D2]  }
0x5ca: {  	[tilespmem:s13], [sflag:$0x1] =	stream.indirect.gather [hbm4b:s5+s7], $0x20, s18, s7, $0xb8;
	[tilespmem:$0x1DB00] =	vst v63  }
0x5cb: {  	s17 =	simm.s32 $0xAB00;
	s4 =	sld [smem:$0x7D3]  }
0x5cc: {  	[tilespmem:s17], [sflag:$0x1] =	stream.indirect.gather [hbm4b:s5+s7], $0x20, s1, s7, $0xb8;
	[tilespmem:$0x1DB00] =	vst v63  }
0x5cd: {  	s29 =	simm.s32 $0xBB00;
	s13 =	sld [smem:$0x7D4]  }
0x5ce: {  	[tilespmem:s29], [sflag:$0x1] =	stream.indirect.gather [hbm4b:s5+s7], $0x20, s4, s7, $0xb8;
	[tilespmem:$0x1DB00] =	vst v63  }
0x5cf: {  	s28 =	simm.s32 $0xCB00;
	s17 =	sld [smem:$0x7D5]  }
0x5d0: {  	[tilespmem:s28], [sflag:$0x1] =	stream.indirect.gather [hbm4b:s5+s7], $0x20, s13, s7, $0xb8;
	[tilespmem:$0x1DB00] =	vst v63  }
0x5d1: {  	s23 =	simm.s32 $0xDB00;
	s18 =	sld [smem:$0x7D6]  }
0x5d2: {  	[tilespmem:s23], [sflag:$0x1] =	stream.indirect.gather [hbm4b:s5+s7], $0x20, s17, s7, $0xb8;
	[tilespmem:$0x1DB00] =	vst v63  }
0x5d3: {  	s4 =	simm.s32 $0xEB00;
	s28 =	sld [smem:$0x7D7]  }
0x5d4: {  	[tilespmem:s4], [sflag:$0x1] =	stream.indirect.gather [hbm4b:s5+s7], $0x20, s18, s7, $0xb8;
	[tilespmem:$0x1DB00] =	vst v63  }
0x5d5: {  	s13 =	sld [smem:$0x7D8];
	s17 =	simm.s32 $0xFB00  }
0x5d6: {  	[tilespmem:s17], [sflag:$0x1] =	stream.indirect.gather [hbm4b:s5+s7], $0x20, s28, s7, $0xb8;
	[tilespmem:$0x1DB00] =	vst v63  }
0x5d7: {  	s2 =	simm.s32 $0x10B00;
	s18 =	sld [smem:$0x7D9]  }
0x5d8: {  	[tilespmem:s2], [sflag:$0x1] =	stream.indirect.gather [hbm4b:s5+s7], $0x20, s13, s7, $0xb8;
	[tilespmem:$0x1DB00] =	vst v63  }
0x5d9: {  	s26 =	simm.s32 $0x11B00;
	s2 =	sld [smem:$0x7DA]  }
0x5da: {  	[tilespmem:s26], [sflag:$0x1] =	stream.indirect.gather [hbm4b:s5+s7], $0x20, s18, s7, $0xb8;
	[tilespmem:$0x1DB00] =	vst v63  }
0x5db: {  	s19 =	simm.s32 $0x12B00;
	s4 =	sld [smem:$0x7DB]  }
0x5dc: {  	[tilespmem:s19], [sflag:$0x1] =	stream.indirect.gather [hbm4b:s5+s7], $0x20, s2, s7, $0xb8;
	[tilespmem:$0x1DB00] =	vst v63  }
0x5dd: {  	s20 =	simm.s32 $0x13B00;
	s13 =	sld [smem:$0x7DC]  }
0x5de: {  	[tilespmem:s20], [sflag:$0x1] =	stream.indirect.gather [hbm4b:s5+s7], $0x20, s4, s7, $0xb8;
	[tilespmem:$0x1DB00] =	vst v63  }
0x5df: {  	s22 =	simm.s32 $0x14B00;
	s19 =	sld [smem:$0x7DD]  }
0x5e0: {  	[tilespmem:s22], [sflag:$0x1] =	stream.indirect.gather [hbm4b:s5+s7], $0x20, s13, s7, $0xb8;
	[tilespmem:$0x1DB00] =	vst v63  }
0x5e1: {  	s14 =	simm.s32 $0x15B00;
	s20 =	sld [smem:$0x7DE]  }
0x5e2: {  	[tilespmem:s14], [sflag:$0x1] =	stream.indirect.gather [hbm4b:s5+s7], $0x20, s19, s7, $0xb8;
	[tilespmem:$0x1DB00] =	vst v63  }
0x5e3: {  	s16 =	simm.s32 $0x16B00;
	s22 =	sld [smem:$0x7DF]  }
0x5e4: {  	[tilespmem:s16], [sflag:$0x1] =	stream.indirect.gather [hbm4b:s5+s7], $0x20, s20, s7, $0xb8;
	[tilespmem:$0x1DB00] =	vst v63  }
0x5e5: {  	s30 =	simm.s32 $0x17B00;
	s4 =	sld [smem:$0x7E0]  }
0x5e6: {  	[tilespmem:s30], [sflag:$0x1] =	stream.indirect.gather [hbm4b:s5+s7], $0x20, s22, s7, $0xb8;
	[tilespmem:$0x1DB00] =	vst v63  }
0x5e7: {  	s25 =	simm.s32 $0x18B00;
	s16 =	sld [smem:$0x7E1]  }
0x5e8: {  	[tilespmem:s25], [sflag:$0x1] =	stream.indirect.gather [hbm4b:s5+s7], $0x20, s4, s7, $0xb8;
	[tilespmem:$0x1DB00] =	vst v63  }
0x5e9: {  	s21 =	simm.s32 $0x19B00;
	s19 =	sld [smem:$0x7E2]  }
0x5ea: {  	[tilespmem:s21], [sflag:$0x1] =	stream.indirect.gather [hbm4b:s5+s7], $0x20, s16, s7, $0xb8;
	[tilespmem:$0x1DB00] =	vst v63  }
0x5eb: {  	s30 =	simm.s32 $0x1AB00;
	s21 =	sld [smem:$0x7E3]  }
0x5ec: {  	[tilespmem:s30], [sflag:$0x1] =	stream.indirect.gather [hbm4b:s5+s7], $0x20, s19, s7, $0xb8;
	[tilespmem:$0x1DB00] =	vst v63  }
0x5ed: {  	s24 =	simm.s32 $0x1BB00;
	s4 =	sld [smem:$0x7E4]  }
0x5ee: {  	[tilespmem:s24], [sflag:$0x1] =	stream.indirect.gather [hbm4b:s5+s7], $0x20, s21, s7, $0xb8;
	[tilespmem:$0x1DB00] =	vst v63  }
0x5ef: {  	s21 =	simm.s32 $0x1CB00  }
0x5f0: {  	[tilespmem:s21], [sflag:$0x1] =	stream.indirect.gather [hbm4b:s5+s7], $0x20, s4, s7, $0xb8;
	[tilespmem:$0x1DB00] =	vst v63  }
0x5f1: {  	_ =	swait.ge [sflag:s6], $0x1000  }
0x5f2: {  	[sflag:s6] =	ssyncset.done $0x0  }
0x5f3: {  	[sflag:s6] =	ssyncadd.s32 $0xFFFFF000  }
0x5f4: {  	_ =	swait.ge [sflag:s6], $0x1000  }
0x5f5: {  	[sflag:s6] =	ssyncset.done $0x0  }
0x5f6: {  	[sflag:s6] =	ssyncadd.s32 $0xFFFFF000  }
0x5f7: {  	_ =	swait.ge [sflag:s6], $0x1000  }
0x5f8: {  	[sflag:s6] =	ssyncset.done $0x0  }
0x5f9: {  	[sflag:s6] =	ssyncadd.s32 $0xFFFFF000  }
0x5fa: {  	_ =	swait.ge [sflag:s6], $0x1000  }
0x5fb: {  	[sflag:s6] =	ssyncset.done $0x0  }
0x5fc: {  	[sflag:s6] =	ssyncadd.s32 $0xFFFFF000  }
0x5fd: {  	_ =	swait.ge [sflag:s6], $0x1000  }
0x5fe: {  	[sflag:s6] =	ssyncset.done $0x0  }
0x5ff: {  	[sflag:s6] =	ssyncadd.s32 $0xFFFFF000  }
0x600: {  	_ =	swait.ge [sflag:s6], $0x1000  }
0x601: {  	[sflag:s6] =	ssyncset.done $0x0  }
0x602: {  	[sflag:s6] =	ssyncadd.s32 $0xFFFFF000  }
0x603: {  	_ =	swait.ge [sflag:s6], $0x1000  }
0x604: {  	[sflag:s6] =	ssyncset.done $0x0  }
0x605: {  	[sflag:s6] =	ssyncadd.s32 $0xFFFFF000  }
0x606: {  	_ =	swait.ge [sflag:s6], $0x1000  }
0x607: {  	[sflag:s6] =	ssyncset.done $0x0  }
0x608: {  	[sflag:s6] =	ssyncadd.s32 $0xFFFFF000  }
0x609: {  	_ =	swait.ge [sflag:s6], $0x1000  }
0x60a: {  	[sflag:s6] =	ssyncset.done $0x0  }
0x60b: {  	[sflag:s6] =	ssyncadd.s32 $0xFFFFF000  }
0x60c: {  	_ =	swait.ge [sflag:s6], $0x1000  }
0x60d: {  	[sflag:s6] =	ssyncset.done $0x0  }
0x60e: {  	[sflag:s6] =	ssyncadd.s32 $0xFFFFF000  }
0x60f: {  	_ =	swait.ge [sflag:s6], $0x1000  }
0x610: {  	[sflag:s6] =	ssyncset.done $0x0  }
0x611: {  	[sflag:s6] =	ssyncadd.s32 $0xFFFFF000  }
0x612: {  	_ =	swait.ge [sflag:s6], $0x1000  }
0x613: {  	[sflag:s6] =	ssyncset.done $0x0  }
0x614: {  	[sflag:s6] =	ssyncadd.s32 $0xFFFFF000  }
0x615: {  	_ =	swait.ge [sflag:s6], $0x1000  }
0x616: {  	[sflag:s6] =	ssyncset.done $0x0  }
0x617: {  	[sflag:s6] =	ssyncadd.s32 $0xFFFFF000  }
0x618: {  	_ =	swait.ge [sflag:s6], $0x1000  }
0x619: {  	[sflag:s6] =	ssyncset.done $0x0  }
0x61a: {  	[sflag:s6] =	ssyncadd.s32 $0xFFFFF000  }
0x61b: {  	_ =	swait.ge [sflag:s6], $0x1000  }
0x61c: {  	[sflag:s6] =	ssyncset.done $0x0  }
0x61d: {  	[sflag:s6] =	ssyncadd.s32 $0xFFFFF000  }
0x61e: {  	_ =	swait.ge [sflag:s6], $0x1000  }
0x61f: {  	[sflag:s6] =	ssyncset.done $0x0  }
0x620: {  	[sflag:s6] =	ssyncadd.s32 $0xFFFFF000  }
0x621: {  	_ =	swait.ge [sflag:s6], $0x1000  }
0x622: {  	[sflag:s6] =	ssyncset.done $0x0  }
0x623: {  	[sflag:s6] =	ssyncadd.s32 $0xFFFFF000  }
0x624: {  	_ =	swait.ge [sflag:s6], $0x1000  }
0x625: {  	[sflag:s6] =	ssyncset.done $0x0  }
0x626: {  	[sflag:s6] =	ssyncadd.s32 $0xFFFFF000  }
0x627: {  	_ =	swait.ge [sflag:s6], $0x1000  }
0x628: {  	[sflag:s6] =	ssyncset.done $0x0  }
0x629: {  	[sflag:s6] =	ssyncadd.s32 $0xFFFFF000  }
0x62a: {  	_ =	swait.ge [sflag:s6], $0x1000  }
0x62b: {  	[sflag:s6] =	ssyncset.done $0x0  }
0x62c: {  	[sflag:s6] =	ssyncadd.s32 $0xFFFFF000  }
0x62d: {  	_ =	swait.ge [sflag:s6], $0x1000  }
0x62e: {  	[sflag:s6] =	ssyncset.done $0x0  }
0x62f: {  	[sflag:s6] =	ssyncadd.s32 $0xFFFFF000  }
0x630: {  	_ =	swait.ge [sflag:s6], $0x1000  }
0x631: {  	[sflag:s6] =	ssyncset.done $0x0  }
0x632: {  	[sflag:s6] =	ssyncadd.s32 $0xFFFFF000  }
0x633: {  	_ =	swait.ge [sflag:s6], $0x1000  }
0x634: {  	[sflag:s6] =	ssyncset.done $0x0  }
0x635: {  	[sflag:s6] =	ssyncadd.s32 $0xFFFFF000  }
0x636: {  	_ =	swait.ge [sflag:s6], $0x1000  }
0x637: {  	[sflag:s6] =	ssyncset.done $0x0  }
0x638: {  	[sflag:s6] =	ssyncadd.s32 $0xFFFFF000  }
0x639: {  	_ =	swait.ge [sflag:s6], $0x1000  }
0x63a: {  	[sflag:s6] =	ssyncset.done $0x0  }
0x63b: {  	s30 =	simm.s32 $0x0;
	s24 =	rddreg [dreg:$0xa];
	[sflag:s6] =	ssyncadd.s32 $0xFFFFF000  }
0x63c: {  	[hbm4b:s24+s30] =	stream.linear.scatter [tilespmem:s15], [sflag:$0x2], $0x19000, $0x38;
	[tilespmem:$0x1DB00] =	vst v63  }
0x63d: {  	_ =	swait.ge [sflag:s31], $0x19000  }
0x63e: {  	s11 =	sld [smem:$0x7E5]  }
0x63f: {  	[sflag:s31] =	ssyncset.done $0x0  }
0x640: {  	s4 =	simm.s32 $0x4B00;
	s15 =	sld [smem:$0x7E6];
	[sflag:s31] =	ssyncadd.s32 $0xFFFE7000  }
0x641: {  	[tilespmem:s4], [sflag:$0x1] =	stream.indirect.gather [hbm4b:s5+s7], $0x20, s11, s7, $0xb8;
	[tilespmem:$0x1DB00] =	vst v63  }
0x642: {  	s24 =	simm.s32 $0x5B00;
	s10 =	sld [smem:$0x7E7]  }
0x643: {  	[tilespmem:s24], [sflag:$0x1] =	stream.indirect.gather [hbm4b:s5+s7], $0x20, s15, s7, $0xb8;
	[tilespmem:$0x1DB00] =	vst v63  }
0x644: {  	s30 =	simm.s32 $0x6B00;
	s11 =	sld [smem:$0x7E8]  }
0x645: {  	[tilespmem:s30], [sflag:$0x1] =	stream.indirect.gather [hbm4b:s5+s7], $0x20, s10, s7, $0xb8;
	[tilespmem:$0x1DB00] =	vst v63  }
0x646: {  	s24 =	simm.s32 $0x7B00;
	s10 =	sld [smem:$0x7E9]  }
0x647: {  	[tilespmem:s24], [sflag:$0x1] =	stream.indirect.gather [hbm4b:s5+s7], $0x20, s11, s7, $0xb8;
	[tilespmem:$0x1DB00] =	vst v63  }
0x648: {  	s3 =	simm.s32 $0x8B00;
	s30 =	sld [smem:$0x7EA]  }
0x649: {  	[tilespmem:s3], [sflag:$0x1] =	stream.indirect.gather [hbm4b:s5+s7], $0x20, s10, s7, $0xb8;
	[tilespmem:$0x1DB00] =	vst v63  }
0x64a: {  	s12 =	simm.s32 $0x9B00;
	s3 =	sld [smem:$0x7EB]  }
0x64b: {  	[tilespmem:s12], [sflag:$0x1] =	stream.indirect.gather [hbm4b:s5+s7], $0x20, s30, s7, $0xb8;
	[tilespmem:$0x1DB00] =	vst v63  }
0x64c: {  	s15 =	simm.s32 $0xAB00;
	s12 =	sld [smem:$0x7EC]  }
0x64d: {  	[tilespmem:s15], [sflag:$0x1] =	stream.indirect.gather [hbm4b:s5+s7], $0x20, s3, s7, $0xb8;
	[tilespmem:$0x1DB00] =	vst v63  }
0x64e: {  	s29 =	simm.s32 $0xBB00;
	s24 =	sld [smem:$0x7ED]  }
0x64f: {  	[tilespmem:s29], [sflag:$0x1] =	stream.indirect.gather [hbm4b:s5+s7], $0x20, s12, s7, $0xb8;
	[tilespmem:$0x1DB00] =	vst v63  }
0x650: {  	s30 =	sld [smem:$0x7EE];
	s12 =	simm.s32 $0xCB00  }
0x651: {  	[tilespmem:s12], [sflag:$0x1] =	stream.indirect.gather [hbm4b:s5+s7], $0x20, s24, s7, $0xb8;
	[tilespmem:$0x1DB00] =	vst v63  }
0x652: {  	s23 =	simm.s32 $0xDB00;
	s15 =	sld [smem:$0x7EF]  }
0x653: {  	[tilespmem:s23], [sflag:$0x1] =	stream.indirect.gather [hbm4b:s5+s7], $0x20, s30, s7, $0xb8;
	[tilespmem:$0x1DB00] =	vst v63  }
0x654: {  	s24 =	simm.s32 $0xEB00;
	s23 =	sld [smem:$0x7F0]  }
0x655: {  	[tilespmem:s24], [sflag:$0x1] =	stream.indirect.gather [hbm4b:s5+s7], $0x20, s15, s7, $0xb8;
	[tilespmem:$0x1DB00] =	vst v63  }
0x656: {  	s28 =	simm.s32 $0xFB00;
	s29 =	sld [smem:$0x7F1]  }
0x657: {  	[tilespmem:s28], [sflag:$0x1] =	stream.indirect.gather [hbm4b:s5+s7], $0x20, s23, s7, $0xb8;
	[tilespmem:$0x1DB00] =	vst v63  }
0x658: {  	s1 =	simm.s32 $0x10B00;
	s30 =	sld [smem:$0x7F2]  }
0x659: {  	[tilespmem:s1], [sflag:$0x1] =	stream.indirect.gather [hbm4b:s5+s7], $0x20, s29, s7, $0xb8;
	[tilespmem:$0x1DB00] =	vst v63  }
0x65a: {  	s26 =	simm.s32 $0x11B00;
	s1 =	sld [smem:$0x7F3]  }
0x65b: {  	[tilespmem:s26], [sflag:$0x1] =	stream.indirect.gather [hbm4b:s5+s7], $0x20, s30, s7, $0xb8;
	[tilespmem:$0x1DB00] =	vst v63  }
0x65c: {  	s17 =	simm.s32 $0x12B00;
	s3 =	sld [smem:$0x7F4]  }
0x65d: {  	[tilespmem:s17], [sflag:$0x1] =	stream.indirect.gather [hbm4b:s5+s7], $0x20, s1, s7, $0xb8;
	[tilespmem:$0x1DB00] =	vst v63  }
0x65e: {  	s18 =	simm.s32 $0x13B00;
	s12 =	sld [smem:$0x7F5]  }
0x65f: {  	[tilespmem:s18], [sflag:$0x1] =	stream.indirect.gather [hbm4b:s5+s7], $0x20, s3, s7, $0xb8;
	[tilespmem:$0x1DB00] =	vst v63  }
0x660: {  	s2 =	simm.s32 $0x14B00;
	s15 =	sld [smem:$0x7F6]  }
0x661: {  	[tilespmem:s2], [sflag:$0x1] =	stream.indirect.gather [hbm4b:s5+s7], $0x20, s12, s7, $0xb8;
	[tilespmem:$0x1DB00] =	vst v63  }
0x662: {  	s13 =	simm.s32 $0x15B00;
	s17 =	sld [smem:$0x7F7]  }
0x663: {  	[tilespmem:s13], [sflag:$0x1] =	stream.indirect.gather [hbm4b:s5+s7], $0x20, s15, s7, $0xb8;
	[tilespmem:$0x1DB00] =	vst v63  }
0x664: {  	s14 =	simm.s32 $0x16B00;
	s18 =	sld [smem:$0x7F8]  }
0x665: {  	[tilespmem:s14], [sflag:$0x1] =	stream.indirect.gather [hbm4b:s5+s7], $0x20, s17, s7, $0xb8;
	[tilespmem:$0x1DB00] =	vst v63  }
0x666: {  	s22 =	simm.s32 $0x17B00;
	s23 =	sld [smem:$0x7F9]  }
0x667: {  	[tilespmem:s22], [sflag:$0x1] =	stream.indirect.gather [hbm4b:s5+s7], $0x20, s18, s7, $0xb8;
	[tilespmem:$0x1DB00] =	vst v63  }
0x668: {  	s20 =	simm.s32 $0x18B00;
	s24 =	sld [smem:$0x7FA]  }
0x669: {  	[tilespmem:s20], [sflag:$0x1] =	stream.indirect.gather [hbm4b:s5+s7], $0x20, s23, s7, $0xb8;
	[tilespmem:$0x1DB00] =	vst v63  }
0x66a: {  	s16 =	simm.s32 $0x19B00;
	s26 =	sld [smem:$0x7FB]  }
0x66b: {  	[tilespmem:s16], [sflag:$0x1] =	stream.indirect.gather [hbm4b:s5+s7], $0x20, s24, s7, $0xb8;
	[tilespmem:$0x1DB00] =	vst v63  }
0x66c: {  	s25 =	simm.s32 $0x1AB00;
	s28 =	sld [smem:$0x7FC]  }
0x66d: {  	[tilespmem:s25], [sflag:$0x1] =	stream.indirect.gather [hbm4b:s5+s7], $0x20, s26, s7, $0xb8;
	[tilespmem:$0x1DB00] =	vst v63  }
0x66e: {  	s19 =	simm.s32 $0x1BB00;
	s29 =	sld [smem:$0x7FD]  }
0x66f: {  	[tilespmem:s19], [sflag:$0x1] =	stream.indirect.gather [hbm4b:s5+s7], $0x20, s28, s7, $0xb8;
	[tilespmem:$0x1DB00] =	vst v63  }
0x670: {  	s21 =	simm.s32 $0x1CB00  }
0x671: {  	[tilespmem:s21], [sflag:$0x1] =	stream.indirect.gather [hbm4b:s5+s7], $0x20, s29, s7, $0xb8;
	[tilespmem:$0x1DB00] =	vst v63  }
0x672: {  	_ =	swait.ge [sflag:s6], $0x1000  }
0x673: {  	[sflag:s6] =	ssyncset.done $0x0  }
0x674: {  	[sflag:s6] =	ssyncadd.s32 $0xFFFFF000  }
0x675: {  	_ =	swait.ge [sflag:s6], $0x1000  }
0x676: {  	[sflag:s6] =	ssyncset.done $0x0  }
0x677: {  	[sflag:s6] =	ssyncadd.s32 $0xFFFFF000  }
0x678: {  	_ =	swait.ge [sflag:s6], $0x1000  }
0x679: {  	[sflag:s6] =	ssyncset.done $0x0  }
0x67a: {  	[sflag:s6] =	ssyncadd.s32 $0xFFFFF000  }
0x67b: {  	_ =	swait.ge [sflag:s6], $0x1000  }
0x67c: {  	[sflag:s6] =	ssyncset.done $0x0  }
0x67d: {  	[sflag:s6] =	ssyncadd.s32 $0xFFFFF000  }
0x67e: {  	_ =	swait.ge [sflag:s6], $0x1000  }
0x67f: {  	[sflag:s6] =	ssyncset.done $0x0  }
0x680: {  	[sflag:s6] =	ssyncadd.s32 $0xFFFFF000  }
0x681: {  	_ =	swait.ge [sflag:s6], $0x1000  }
0x682: {  	[sflag:s6] =	ssyncset.done $0x0  }
0x683: {  	[sflag:s6] =	ssyncadd.s32 $0xFFFFF000  }
0x684: {  	_ =	swait.ge [sflag:s6], $0x1000  }
0x685: {  	[sflag:s6] =	ssyncset.done $0x0  }
0x686: {  	[sflag:s6] =	ssyncadd.s32 $0xFFFFF000  }
0x687: {  	_ =	swait.ge [sflag:s6], $0x1000  }
0x688: {  	[sflag:s6] =	ssyncset.done $0x0  }
0x689: {  	[sflag:s6] =	ssyncadd.s32 $0xFFFFF000  }
0x68a: {  	_ =	swait.ge [sflag:s6], $0x1000  }
0x68b: {  	[sflag:s6] =	ssyncset.done $0x0  }
0x68c: {  	[sflag:s6] =	ssyncadd.s32 $0xFFFFF000  }
0x68d: {  	_ =	swait.ge [sflag:s6], $0x1000  }
0x68e: {  	[sflag:s6] =	ssyncset.done $0x0  }
0x68f: {  	[sflag:s6] =	ssyncadd.s32 $0xFFFFF000  }
0x690: {  	_ =	swait.ge [sflag:s6], $0x1000  }
0x691: {  	[sflag:s6] =	ssyncset.done $0x0  }
0x692: {  	[sflag:s6] =	ssyncadd.s32 $0xFFFFF000  }
0x693: {  	_ =	swait.ge [sflag:s6], $0x1000  }
0x694: {  	[sflag:s6] =	ssyncset.done $0x0  }
0x695: {  	[sflag:s6] =	ssyncadd.s32 $0xFFFFF000  }
0x696: {  	_ =	swait.ge [sflag:s6], $0x1000  }
0x697: {  	[sflag:s6] =	ssyncset.done $0x0  }
0x698: {  	[sflag:s6] =	ssyncadd.s32 $0xFFFFF000  }
0x699: {  	_ =	swait.ge [sflag:s6], $0x1000  }
0x69a: {  	[sflag:s6] =	ssyncset.done $0x0  }
0x69b: {  	[sflag:s6] =	ssyncadd.s32 $0xFFFFF000  }
0x69c: {  	_ =	swait.ge [sflag:s6], $0x1000  }
0x69d: {  	[sflag:s6] =	ssyncset.done $0x0  }
0x69e: {  	[sflag:s6] =	ssyncadd.s32 $0xFFFFF000  }
0x69f: {  	_ =	swait.ge [sflag:s6], $0x1000  }
0x6a0: {  	[sflag:s6] =	ssyncset.done $0x0  }
0x6a1: {  	[sflag:s6] =	ssyncadd.s32 $0xFFFFF000  }
0x6a2: {  	_ =	swait.ge [sflag:s6], $0x1000  }
0x6a3: {  	[sflag:s6] =	ssyncset.done $0x0  }
0x6a4: {  	[sflag:s6] =	ssyncadd.s32 $0xFFFFF000  }
0x6a5: {  	_ =	swait.ge [sflag:s6], $0x1000  }
0x6a6: {  	[sflag:s6] =	ssyncset.done $0x0  }
0x6a7: {  	[sflag:s6] =	ssyncadd.s32 $0xFFFFF000  }
0x6a8: {  	_ =	swait.ge [sflag:s6], $0x1000  }
0x6a9: {  	[sflag:s6] =	ssyncset.done $0x0  }
0x6aa: {  	[sflag:s6] =	ssyncadd.s32 $0xFFFFF000  }
0x6ab: {  	_ =	swait.ge [sflag:s6], $0x1000  }
0x6ac: {  	[sflag:s6] =	ssyncset.done $0x0  }
0x6ad: {  	[sflag:s6] =	ssyncadd.s32 $0xFFFFF000  }
0x6ae: {  	_ =	swait.ge [sflag:s6], $0x1000  }
0x6af: {  	[sflag:s6] =	ssyncset.done $0x0  }
0x6b0: {  	[sflag:s6] =	ssyncadd.s32 $0xFFFFF000  }
0x6b1: {  	_ =	swait.ge [sflag:s6], $0x1000  }
0x6b2: {  	[sflag:s6] =	ssyncset.done $0x0  }
0x6b3: {  	[sflag:s6] =	ssyncadd.s32 $0xFFFFF000  }
0x6b4: {  	_ =	swait.ge [sflag:s6], $0x1000  }
0x6b5: {  	[sflag:s6] =	ssyncset.done $0x0  }
0x6b6: {  	[sflag:s6] =	ssyncadd.s32 $0xFFFFF000  }
0x6b7: {  	_ =	swait.ge [sflag:s6], $0x1000  }
0x6b8: {  	[sflag:s6] =	ssyncset.done $0x0  }
0x6b9: {  	[sflag:s6] =	ssyncadd.s32 $0xFFFFF000  }
0x6ba: {  	p1 =	sne.s32 s9, $0x1;
	_ =	swait.ge [sflag:s6], $0x1000  }
.Ltmp2:
0x6bb: {  	[sflag:s6] =	ssyncset.done $0x0;
	(pc) =	sbr.rel @p1 .LBB2_3-.Ltmp2, $4  }
0x6bc: {  	s2 =	simm.s32 $0x0;
	s30 =	rddreg [dreg:$0xb];
	[sflag:s6] =	ssyncadd.s32 $0xFFFFF000  }
0x6bd: {  	[hbm4b:s30+s2] =	stream.linear.scatter [tilespmem:s4], [sflag:$0x2], $0x19000, $0x38;
	[tilespmem:$0x1DB00] =	vst v63  }
0x6be: {  	_ =	swait.ge [sflag:s31], $0x19000  }
0x6bf: {  	s9 =	sadd.s32 $0xFFFFFFFF, s9;
	s10 =	rddreg [dreg:$0x3];
	[sflag:s31] =	ssyncset.done $0x0  }
0x6c0: {  	s30 =	simm.s32 $0x3200;
	s12 =	simm.s32 $0x1900  }
.LBB2_5:
0x6c1: {  	[sflag:s31] =	ssyncadd.s32 @p0 $0xFFFE7000  }
0x6c2: {  	[tilespmem:s2], [sflag:$0x2] =	stream.linear.gather [hbm4b:s10+s2], $0x1900, $0x38;
	[tilespmem:$0x1DB00] =	vst v63  }
0x6c3: {  	_ =	swait.ge [sflag:s31], $0x1900  }
0x6c4: {  	[sflag:s31] =	ssyncset.done $0x0  }
0x6c5: {  	s9 =	rddreg [dreg:$0x4];
	[sflag:s31] =	ssyncadd.s32 $0xFFFFE700  }
0x6c6: {  	[tilespmem:s12], [sflag:$0x2] =	stream.linear.gather [hbm4b:s9+s2], $0x1900, $0x38;
	[tilespmem:$0x1DB00] =	vst v63  }
0x6c7: {  	_ =	swait.ge [sflag:s31], $0x1900  }
0x6c8: {  	[sflag:s31] =	ssyncset.done $0x0  }
0x6c9: {  	s17 =	rddreg [dreg:$0x5];
	[sflag:s31] =	ssyncadd.s32 $0xFFFFE700  }
0x6ca: {  	[tilespmem:s30], [sflag:$0x2] =	stream.linear.gather [hbm4b:s17+s2], $0x1900, $0x38;
	[tilespmem:$0x1DB00] =	vst v63  }
0x6cb: {  	_ =	swait.ge [sflag:s31], $0x1900  }
0x6cc: {  	[sflag:s31] =	ssyncset.done $0x0  }
0x6cd: {  	[sflag:s31] =	ssyncadd.s32 $0xFFFFE700  }
0x6ce: {  	[tilespmem:s4], [sflag:$0x1] =	stream.indirect.gather [hbm4b:s8+s7], $0x20, s2, s7, $0xb8;
	[tilespmem:$0x1DB00] =	vst v63  }
0x6cf: {  	s1 =	simm.s32 $0x5B00;
	s18 =	rddreg [dreg:$0xc]  }
0x6d0: {  	[tilespmem:s1], [sflag:$0x1] =	stream.indirect.gather [hbm4b:s8+s7], $0x20, s7, s7, $0xb8;
	[tilespmem:$0x1DB00] =	vst v63  }
0x6d1: {  	s20 =	simm.s32 $0x6B00;
	s19 =	rddreg [dreg:$0xd]  }
0x6d2: {  	[tilespmem:s20], [sflag:$0x1] =	stream.indirect.gather [hbm4b:s8+s7], $0x20, s18, s7, $0xb8;
	[tilespmem:$0x1DB00] =	vst v63  }
0x6d3: {  	s22 =	simm.s32 $0x7B00;
	s21 =	rddreg [dreg:$0xe]  }
0x6d4: {  	[tilespmem:s22], [sflag:$0x1] =	stream.indirect.gather [hbm4b:s8+s7], $0x20, s19, s7, $0xb8;
	[tilespmem:$0x1DB00] =	vst v63  }
0x6d5: {  	s24 =	simm.s32 $0x8B00;
	s23 =	rddreg [dreg:$0xf]  }
0x6d6: {  	[tilespmem:s24], [sflag:$0x1] =	stream.indirect.gather [hbm4b:s8+s7], $0x20, s21, s7, $0xb8;
	[tilespmem:$0x1DB00] =	vst v63  }
0x6d7: {  	s26 =	simm.s32 $0x9B00;
	s25 =	rddreg [dreg:$0x10]  }
0x6d8: {  	[tilespmem:s26], [sflag:$0x1] =	stream.indirect.gather [hbm4b:s8+s7], $0x20, s23, s7, $0xb8;
	[tilespmem:$0x1DB00] =	vst v63  }
0x6d9: {  	s29 =	simm.s32 $0xAB00;
	s28 =	rddreg [dreg:$0x11]  }
0x6da: {  	[tilespmem:s29], [sflag:$0x1] =	stream.indirect.gather [hbm4b:s8+s7], $0x20, s25, s7, $0xb8;
	[tilespmem:$0x1DB00] =	vst v63  }
0x6db: {  	s12 =	simm.s32 $0xBB00;
	s30 =	rddreg [dreg:$0x12]  }
0x6dc: {  	[tilespmem:s12], [sflag:$0x1] =	stream.indirect.gather [hbm4b:s8+s7], $0x20, s28, s7, $0xb8;
	[tilespmem:$0x1DB00] =	vst v63  }
0x6dd: {  	s14 =	simm.s32 $0xCB00;
	s13 =	rddreg [dreg:$0x13]  }
0x6de: {  	[tilespmem:s14], [sflag:$0x1] =	stream.indirect.gather [hbm4b:s8+s7], $0x20, s30, s7, $0xb8;
	[tilespmem:$0x1DB00] =	vst v63  }
0x6df: {  	s16 =	simm.s32 $0xDB00;
	s15 =	rddreg [dreg:$0x14]  }
0x6e0: {  	[tilespmem:s16], [sflag:$0x1] =	stream.indirect.gather [hbm4b:s8+s7], $0x20, s13, s7, $0xb8;
	[tilespmem:$0x1DB00] =	vst v63  }
0x6e1: {  	s17 =	rddreg [dreg:$0x15];
	s18 =	simm.s32 $0xEB00  }
0x6e2: {  	[tilespmem:s18], [sflag:$0x1] =	stream.indirect.gather [hbm4b:s8+s7], $0x20, s15, s7, $0xb8;
	[tilespmem:$0x1DB00] =	vst v63  }
0x6e3: {  	s20 =	simm.s32 $0xFB00;
	s19 =	rddreg [dreg:$0x16]  }
0x6e4: {  	[tilespmem:s20], [sflag:$0x1] =	stream.indirect.gather [hbm4b:s8+s7], $0x20, s17, s7, $0xb8;
	[tilespmem:$0x1DB00] =	vst v63  }
0x6e5: {  	s22 =	simm.s32 $0x10B00;
	s21 =	rddreg [dreg:$0x17]  }
0x6e6: {  	[tilespmem:s22], [sflag:$0x1] =	stream.indirect.gather [hbm4b:s8+s7], $0x20, s19, s7, $0xb8;
	[tilespmem:$0x1DB00] =	vst v63  }
0x6e7: {  	s24 =	rddreg [dreg:$0x18];
	s26 =	simm.s32 $0x11B00  }
0x6e8: {  	[tilespmem:s26], [sflag:$0x1] =	stream.indirect.gather [hbm4b:s8+s7], $0x20, s21, s7, $0xb8;
	[tilespmem:$0x1DB00] =	vst v63  }
0x6e9: {  	s29 =	rddreg [dreg:$0x19];
	s30 =	simm.s32 $0x12B00  }
0x6ea: {  	[tilespmem:s30], [sflag:$0x1] =	stream.indirect.gather [hbm4b:s8+s7], $0x20, s24, s7, $0xb8;
	[tilespmem:$0x1DB00] =	vst v63  }
0x6eb: {  	s14 =	rddreg [dreg:$0x1b];
	s19 =	simm.s32 $0x13B00  }
0x6ec: {  	[tilespmem:s19], [sflag:$0x1] =	stream.indirect.gather [hbm4b:s8+s7], $0x20, s29, s7, $0xb8;
	[tilespmem:$0x1DB00] =	vst v63  }
0x6ed: {  	s13 =	rddreg [dreg:$0x1a];
	s15 =	simm.s32 $0x14B00  }
0x6ee: {  	[tilespmem:s15], [sflag:$0x1] =	stream.indirect.gather [hbm4b:s8+s7], $0x20, s13, s7, $0xb8;
	[tilespmem:$0x1DB00] =	vst v63  }
0x6ef: {  	s16 =	rddreg [dreg:$0x1c];
	s17 =	simm.s32 $0x15B00  }
0x6f0: {  	[tilespmem:s17], [sflag:$0x1] =	stream.indirect.gather [hbm4b:s8+s7], $0x20, s14, s7, $0xb8;
	[tilespmem:$0x1DB00] =	vst v63  }
0x6f1: {  	s18 =	rddreg [dreg:$0x1d];
	s20 =	simm.s32 $0x16B00  }
0x6f2: {  	[tilespmem:s20], [sflag:$0x1] =	stream.indirect.gather [hbm4b:s8+s7], $0x20, s16, s7, $0xb8;
	[tilespmem:$0x1DB00] =	vst v63  }
0x6f3: {  	s22 =	simm.s32 $0x17B00;
	s21 =	rddreg [dreg:$0x1e]  }
0x6f4: {  	[tilespmem:s22], [sflag:$0x1] =	stream.indirect.gather [hbm4b:s8+s7], $0x20, s18, s7, $0xb8;
	[tilespmem:$0x1DB00] =	vst v63  }
0x6f5: {  	s26 =	simm.s32 $0x18B00;
	s24 =	rddreg [dreg:$0x1f]  }
0x6f6: {  	[tilespmem:s26], [sflag:$0x1] =	stream.indirect.gather [hbm4b:s8+s7], $0x20, s21, s7, $0xb8;
	[tilespmem:$0x1DB00] =	vst v63  }
0x6f7: {  	s13 =	sld [smem:$0x780];
	s14 =	simm.s32 $0x19B00  }
0x6f8: {  	[tilespmem:s14], [sflag:$0x1] =	stream.indirect.gather [hbm4b:s8+s7], $0x20, s24, s7, $0xb8;
	[tilespmem:$0x1DB00] =	vst v63  }
0x6f9: {  	s15 =	sld [smem:$0x781];
	s16 =	simm.s32 $0x1AB00  }
0x6fa: {  	[tilespmem:s16], [sflag:$0x1] =	stream.indirect.gather [hbm4b:s8+s7], $0x20, s13, s7, $0xb8;
	[tilespmem:$0x1DB00] =	vst v63  }
0x6fb: {  	s17 =	sld [smem:$0x782];
	s18 =	simm.s32 $0x1BB00  }
0x6fc: {  	[tilespmem:s18], [sflag:$0x1] =	stream.indirect.gather [hbm4b:s8+s7], $0x20, s15, s7, $0xb8;
	[tilespmem:$0x1DB00] =	vst v63  }
0x6fd: {  	s20 =	simm.s32 $0x1CB00  }
0x6fe: {  	[tilespmem:s20], [sflag:$0x1] =	stream.indirect.gather [hbm4b:s8+s7], $0x20, s17, s7, $0xb8;
	[tilespmem:$0x1DB00] =	vst v63  }
0x6ff: {  	_ =	swait.ge [sflag:s6], $0x1000  }
0x700: {  	[sflag:s6] =	ssyncset.done $0x0  }
0x701: {  	[sflag:s6] =	ssyncadd.s32 $0xFFFFF000  }
0x702: {  	_ =	swait.ge [sflag:s6], $0x1000  }
0x703: {  	[sflag:s6] =	ssyncset.done $0x0  }
0x704: {  	[sflag:s6] =	ssyncadd.s32 $0xFFFFF000  }
0x705: {  	_ =	swait.ge [sflag:s6], $0x1000  }
0x706: {  	[sflag:s6] =	ssyncset.done $0x0  }
0x707: {  	[sflag:s6] =	ssyncadd.s32 $0xFFFFF000  }
0x708: {  	_ =	swait.ge [sflag:s6], $0x1000  }
0x709: {  	[sflag:s6] =	ssyncset.done $0x0  }
0x70a: {  	[sflag:s6] =	ssyncadd.s32 $0xFFFFF000  }
0x70b: {  	_ =	swait.ge [sflag:s6], $0x1000  }
0x70c: {  	[sflag:s6] =	ssyncset.done $0x0  }
0x70d: {  	[sflag:s6] =	ssyncadd.s32 $0xFFFFF000  }
0x70e: {  	_ =	swait.ge [sflag:s6], $0x1000  }
0x70f: {  	[sflag:s6] =	ssyncset.done $0x0  }
0x710: {  	[sflag:s6] =	ssyncadd.s32 $0xFFFFF000  }
0x711: {  	_ =	swait.ge [sflag:s6], $0x1000  }
0x712: {  	[sflag:s6] =	ssyncset.done $0x0  }
0x713: {  	[sflag:s6] =	ssyncadd.s32 $0xFFFFF000  }
0x714: {  	_ =	swait.ge [sflag:s6], $0x1000  }
0x715: {  	[sflag:s6] =	ssyncset.done $0x0  }
0x716: {  	[sflag:s6] =	ssyncadd.s32 $0xFFFFF000  }
0x717: {  	_ =	swait.ge [sflag:s6], $0x1000  }
0x718: {  	[sflag:s6] =	ssyncset.done $0x0  }
0x719: {  	[sflag:s6] =	ssyncadd.s32 $0xFFFFF000  }
0x71a: {  	_ =	swait.ge [sflag:s6], $0x1000  }
0x71b: {  	[sflag:s6] =	ssyncset.done $0x0  }
0x71c: {  	[sflag:s6] =	ssyncadd.s32 $0xFFFFF000  }
0x71d: {  	_ =	swait.ge [sflag:s6], $0x1000  }
0x71e: {  	[sflag:s6] =	ssyncset.done $0x0  }
0x71f: {  	[sflag:s6] =	ssyncadd.s32 $0xFFFFF000  }
0x720: {  	_ =	swait.ge [sflag:s6], $0x1000  }
0x721: {  	[sflag:s6] =	ssyncset.done $0x0  }
0x722: {  	[sflag:s6] =	ssyncadd.s32 $0xFFFFF000  }
0x723: {  	_ =	swait.ge [sflag:s6], $0x1000  }
0x724: {  	[sflag:s6] =	ssyncset.done $0x0  }
0x725: {  	[sflag:s6] =	ssyncadd.s32 $0xFFFFF000  }
0x726: {  	_ =	swait.ge [sflag:s6], $0x1000  }
0x727: {  	[sflag:s6] =	ssyncset.done $0x0  }
0x728: {  	[sflag:s6] =	ssyncadd.s32 $0xFFFFF000  }
0x729: {  	_ =	swait.ge [sflag:s6], $0x1000  }
0x72a: {  	[sflag:s6] =	ssyncset.done $0x0  }
0x72b: {  	[sflag:s6] =	ssyncadd.s32 $0xFFFFF000  }
0x72c: {  	_ =	swait.ge [sflag:s6], $0x1000  }
0x72d: {  	[sflag:s6] =	ssyncset.done $0x0  }
0x72e: {  	[sflag:s6] =	ssyncadd.s32 $0xFFFFF000  }
0x72f: {  	_ =	swait.ge [sflag:s6], $0x1000  }
0x730: {  	[sflag:s6] =	ssyncset.done $0x0  }
0x731: {  	[sflag:s6] =	ssyncadd.s32 $0xFFFFF000  }
0x732: {  	_ =	swait.ge [sflag:s6], $0x1000  }
0x733: {  	[sflag:s6] =	ssyncset.done $0x0  }
0x734: {  	[sflag:s6] =	ssyncadd.s32 $0xFFFFF000  }
0x735: {  	_ =	swait.ge [sflag:s6], $0x1000  }
0x736: {  	[sflag:s6] =	ssyncset.done $0x0  }
0x737: {  	[sflag:s6] =	ssyncadd.s32 $0xFFFFF000  }
0x738: {  	_ =	swait.ge [sflag:s6], $0x1000  }
0x739: {  	[sflag:s6] =	ssyncset.done $0x0  }
0x73a: {  	[sflag:s6] =	ssyncadd.s32 $0xFFFFF000  }
0x73b: {  	_ =	swait.ge [sflag:s6], $0x1000  }
0x73c: {  	[sflag:s6] =	ssyncset.done $0x0  }
0x73d: {  	[sflag:s6] =	ssyncadd.s32 $0xFFFFF000  }
0x73e: {  	_ =	swait.ge [sflag:s6], $0x1000  }
0x73f: {  	[sflag:s6] =	ssyncset.done $0x0  }
0x740: {  	[sflag:s6] =	ssyncadd.s32 $0xFFFFF000  }
0x741: {  	_ =	swait.ge [sflag:s6], $0x1000  }
0x742: {  	[sflag:s6] =	ssyncset.done $0x0  }
0x743: {  	[sflag:s6] =	ssyncadd.s32 $0xFFFFF000  }
0x744: {  	_ =	swait.ge [sflag:s6], $0x1000  }
0x745: {  	[sflag:s6] =	ssyncset.done $0x0  }
0x746: {  	[sflag:s6] =	ssyncadd.s32 $0xFFFFF000  }
0x747: {  	_ =	swait.ge [sflag:s6], $0x1000  }
0x748: {  	[sflag:s6] =	ssyncset.done $0x0  }
0x749: {  	s10 =	rddreg [dreg:$0x6];
	[sflag:s6] =	ssyncadd.s32 $0xFFFFF000  }
0x74a: {  	[hbm4b:s10+s2] =	stream.linear.scatter [tilespmem:s4], [sflag:$0x2], $0x19000, $0x38;
	[tilespmem:$0x1DB00] =	vst v63  }
0x74b: {  	_ =	swait.ge [sflag:s31], $0x19000  }
0x74c: {  	s13 =	sld [smem:$0x783]  }
0x74d: {  	[sflag:s31] =	ssyncset.done $0x0  }
0x74e: {  	s14 =	sld [smem:$0x784];
	[sflag:s31] =	ssyncadd.s32 $0xFFFE7000  }
0x74f: {  	[tilespmem:s4], [sflag:$0x1] =	stream.indirect.gather [hbm4b:s8+s7], $0x20, s13, s7, $0xb8;
	[tilespmem:$0x1DB00] =	vst v63  }
0x750: {  	s11 =	simm.s32 $0x5B00;
	s15 =	sld [smem:$0x785]  }
0x751: {  	[tilespmem:s11], [sflag:$0x1] =	stream.indirect.gather [hbm4b:s8+s7], $0x20, s14, s7, $0xb8;
	[tilespmem:$0x1DB00] =	vst v63  }
0x752: {  	s3 =	simm.s32 $0x6B00;
	s16 =	sld [smem:$0x786]  }
0x753: {  	[tilespmem:s3], [sflag:$0x1] =	stream.indirect.gather [hbm4b:s8+s7], $0x20, s15, s7, $0xb8;
	[tilespmem:$0x1DB00] =	vst v63  }
0x754: {  	s17 =	sld [smem:$0x787];
	s13 =	simm.s32 $0x7B00  }
0x755: {  	[tilespmem:s13], [sflag:$0x1] =	stream.indirect.gather [hbm4b:s8+s7], $0x20, s16, s7, $0xb8;
	[tilespmem:$0x1DB00] =	vst v63  }
0x756: {  	s18 =	sld [smem:$0x788];
	s15 =	simm.s32 $0x8B00  }
0x757: {  	[tilespmem:s15], [sflag:$0x1] =	stream.indirect.gather [hbm4b:s8+s7], $0x20, s17, s7, $0xb8;
	[tilespmem:$0x1DB00] =	vst v63  }
0x758: {  	s1 =	sld [smem:$0x789];
	s14 =	simm.s32 $0x9B00  }
0x759: {  	[tilespmem:s14], [sflag:$0x1] =	stream.indirect.gather [hbm4b:s8+s7], $0x20, s18, s7, $0xb8;
	[tilespmem:$0x1DB00] =	vst v63  }
0x75a: {  	s3 =	sld [smem:$0x78A];
	s16 =	simm.s32 $0xAB00  }
0x75b: {  	[tilespmem:s16], [sflag:$0x1] =	stream.indirect.gather [hbm4b:s8+s7], $0x20, s1, s7, $0xb8;
	[tilespmem:$0x1DB00] =	vst v63  }
0x75c: {  	s11 =	sld [smem:$0x78B];
	s17 =	simm.s32 $0xBB00  }
0x75d: {  	[tilespmem:s17], [sflag:$0x1] =	stream.indirect.gather [hbm4b:s8+s7], $0x20, s3, s7, $0xb8;
	[tilespmem:$0x1DB00] =	vst v63  }
0x75e: {  	s18 =	simm.s32 $0xCB00;
	s1 =	sld [smem:$0x78C]  }
0x75f: {  	[tilespmem:s18], [sflag:$0x1] =	stream.indirect.gather [hbm4b:s8+s7], $0x20, s11, s7, $0xb8;
	[tilespmem:$0x1DB00] =	vst v63  }
0x760: {  	s12 =	simm.s32 $0xDB00;
	s3 =	sld [smem:$0x78D]  }
0x761: {  	[tilespmem:s12], [sflag:$0x1] =	stream.indirect.gather [hbm4b:s8+s7], $0x20, s1, s7, $0xb8;
	[tilespmem:$0x1DB00] =	vst v63  }
0x762: {  	s23 =	simm.s32 $0xEB00;
	s10 =	sld [smem:$0x78E]  }
0x763: {  	[tilespmem:s23], [sflag:$0x1] =	stream.indirect.gather [hbm4b:s8+s7], $0x20, s3, s7, $0xb8;
	[tilespmem:$0x1DB00] =	vst v63  }
0x764: {  	s25 =	simm.s32 $0xFB00;
	s11 =	sld [smem:$0x78F]  }
0x765: {  	[tilespmem:s25], [sflag:$0x1] =	stream.indirect.gather [hbm4b:s8+s7], $0x20, s10, s7, $0xb8;
	[tilespmem:$0x1DB00] =	vst v63  }
0x766: {  	s28 =	simm.s32 $0x10B00;
	s12 =	sld [smem:$0x790]  }
0x767: {  	[tilespmem:s28], [sflag:$0x1] =	stream.indirect.gather [hbm4b:s8+s7], $0x20, s11, s7, $0xb8;
	[tilespmem:$0x1DB00] =	vst v63  }
0x768: {  	s23 =	sld [smem:$0x791];
	s11 =	simm.s32 $0x11B00  }
0x769: {  	[tilespmem:s11], [sflag:$0x1] =	stream.indirect.gather [hbm4b:s8+s7], $0x20, s12, s7, $0xb8;
	[tilespmem:$0x1DB00] =	vst v63  }
0x76a: {  	s1 =	sld [smem:$0x792];
	s12 =	simm.s32 $0x12B00  }
0x76b: {  	[tilespmem:s12], [sflag:$0x1] =	stream.indirect.gather [hbm4b:s8+s7], $0x20, s23, s7, $0xb8;
	[tilespmem:$0x1DB00] =	vst v63  }
0x76c: {  	s9 =	sld [smem:$0x793];
	s3 =	simm.s32 $0x13B00  }
0x76d: {  	[tilespmem:s3], [sflag:$0x1] =	stream.indirect.gather [hbm4b:s8+s7], $0x20, s1, s7, $0xb8;
	[tilespmem:$0x1DB00] =	vst v63  }
0x76e: {  	s23 =	sld [smem:$0x794];
	s1 =	simm.s32 $0x14B00  }
0x76f: {  	[tilespmem:s1], [sflag:$0x1] =	stream.indirect.gather [hbm4b:s8+s7], $0x20, s9, s7, $0xb8;
	[tilespmem:$0x1DB00] =	vst v63  }
0x770: {  	s19 =	simm.s32 $0x15B00;
	s9 =	sld [smem:$0x795]  }
0x771: {  	[tilespmem:s19], [sflag:$0x1] =	stream.indirect.gather [hbm4b:s8+s7], $0x20, s23, s7, $0xb8;
	[tilespmem:$0x1DB00] =	vst v63  }
0x772: {  	s30 =	simm.s32 $0x16B00;
	s23 =	sld [smem:$0x796]  }
0x773: {  	[tilespmem:s30], [sflag:$0x1] =	stream.indirect.gather [hbm4b:s8+s7], $0x20, s9, s7, $0xb8;
	[tilespmem:$0x1DB00] =	vst v63  }
0x774: {  	s29 =	simm.s32 $0x17B00;
	s19 =	sld [smem:$0x797]  }
0x775: {  	[tilespmem:s29], [sflag:$0x1] =	stream.indirect.gather [hbm4b:s8+s7], $0x20, s23, s7, $0xb8;
	[tilespmem:$0x1DB00] =	vst v63  }
0x776: {  	s26 =	simm.s32 $0x18B00;
	s23 =	sld [smem:$0x798]  }
0x777: {  	[tilespmem:s26], [sflag:$0x1] =	stream.indirect.gather [hbm4b:s8+s7], $0x20, s19, s7, $0xb8;
	[tilespmem:$0x1DB00] =	vst v63  }
0x778: {  	s24 =	simm.s32 $0x19B00;
	s26 =	sld [smem:$0x799]  }
0x779: {  	[tilespmem:s24], [sflag:$0x1] =	stream.indirect.gather [hbm4b:s8+s7], $0x20, s23, s7, $0xb8;
	[tilespmem:$0x1DB00] =	vst v63  }
0x77a: {  	s22 =	simm.s32 $0x1AB00;
	s29 =	sld [smem:$0x79A]  }
0x77b: {  	[tilespmem:s22], [sflag:$0x1] =	stream.indirect.gather [hbm4b:s8+s7], $0x20, s26, s7, $0xb8;
	[tilespmem:$0x1DB00] =	vst v63  }
0x77c: {  	s21 =	simm.s32 $0x1BB00;
	s19 =	sld [smem:$0x79B]  }
0x77d: {  	[tilespmem:s21], [sflag:$0x1] =	stream.indirect.gather [hbm4b:s8+s7], $0x20, s29, s7, $0xb8;
	[tilespmem:$0x1DB00] =	vst v63  }
0x77e: {  	s20 =	simm.s32 $0x1CB00  }
0x77f: {  	[tilespmem:s20], [sflag:$0x1] =	stream.indirect.gather [hbm4b:s8+s7], $0x20, s19, s7, $0xb8;
	[tilespmem:$0x1DB00] =	vst v63  }
0x780: {  	_ =	swait.ge [sflag:s6], $0x1000  }
0x781: {  	[sflag:s6] =	ssyncset.done $0x0  }
0x782: {  	[sflag:s6] =	ssyncadd.s32 $0xFFFFF000  }
0x783: {  	_ =	swait.ge [sflag:s6], $0x1000  }
0x784: {  	[sflag:s6] =	ssyncset.done $0x0  }
0x785: {  	[sflag:s6] =	ssyncadd.s32 $0xFFFFF000  }
0x786: {  	_ =	swait.ge [sflag:s6], $0x1000  }
0x787: {  	[sflag:s6] =	ssyncset.done $0x0  }
0x788: {  	[sflag:s6] =	ssyncadd.s32 $0xFFFFF000  }
0x789: {  	_ =	swait.ge [sflag:s6], $0x1000  }
0x78a: {  	[sflag:s6] =	ssyncset.done $0x0  }
0x78b: {  	[sflag:s6] =	ssyncadd.s32 $0xFFFFF000  }
0x78c: {  	_ =	swait.ge [sflag:s6], $0x1000  }
0x78d: {  	[sflag:s6] =	ssyncset.done $0x0  }
0x78e: {  	[sflag:s6] =	ssyncadd.s32 $0xFFFFF000  }
0x78f: {  	_ =	swait.ge [sflag:s6], $0x1000  }
0x790: {  	[sflag:s6] =	ssyncset.done $0x0  }
0x791: {  	[sflag:s6] =	ssyncadd.s32 $0xFFFFF000  }
0x792: {  	_ =	swait.ge [sflag:s6], $0x1000  }
0x793: {  	[sflag:s6] =	ssyncset.done $0x0  }
0x794: {  	[sflag:s6] =	ssyncadd.s32 $0xFFFFF000  }
0x795: {  	_ =	swait.ge [sflag:s6], $0x1000  }
0x796: {  	[sflag:s6] =	ssyncset.done $0x0  }
0x797: {  	[sflag:s6] =	ssyncadd.s32 $0xFFFFF000  }
0x798: {  	_ =	swait.ge [sflag:s6], $0x1000  }
0x799: {  	[sflag:s6] =	ssyncset.done $0x0  }
0x79a: {  	[sflag:s6] =	ssyncadd.s32 $0xFFFFF000  }
0x79b: {  	_ =	swait.ge [sflag:s6], $0x1000  }
0x79c: {  	[sflag:s6] =	ssyncset.done $0x0  }
0x79d: {  	[sflag:s6] =	ssyncadd.s32 $0xFFFFF000  }
0x79e: {  	_ =	swait.ge [sflag:s6], $0x1000  }
0x79f: {  	[sflag:s6] =	ssyncset.done $0x0  }
0x7a0: {  	[sflag:s6] =	ssyncadd.s32 $0xFFFFF000  }
0x7a1: {  	_ =	swait.ge [sflag:s6], $0x1000  }
0x7a2: {  	[sflag:s6] =	ssyncset.done $0x0  }
0x7a3: {  	[sflag:s6] =	ssyncadd.s32 $0xFFFFF000  }
0x7a4: {  	_ =	swait.ge [sflag:s6], $0x1000  }
0x7a5: {  	[sflag:s6] =	ssyncset.done $0x0  }
0x7a6: {  	[sflag:s6] =	ssyncadd.s32 $0xFFFFF000  }
0x7a7: {  	_ =	swait.ge [sflag:s6], $0x1000  }
0x7a8: {  	[sflag:s6] =	ssyncset.done $0x0  }
0x7a9: {  	[sflag:s6] =	ssyncadd.s32 $0xFFFFF000  }
0x7aa: {  	_ =	swait.ge [sflag:s6], $0x1000  }
0x7ab: {  	[sflag:s6] =	ssyncset.done $0x0  }
0x7ac: {  	[sflag:s6] =	ssyncadd.s32 $0xFFFFF000  }
0x7ad: {  	_ =	swait.ge [sflag:s6], $0x1000  }
0x7ae: {  	[sflag:s6] =	ssyncset.done $0x0  }
0x7af: {  	[sflag:s6] =	ssyncadd.s32 $0xFFFFF000  }
0x7b0: {  	_ =	swait.ge [sflag:s6], $0x1000  }
0x7b1: {  	[sflag:s6] =	ssyncset.done $0x0  }
0x7b2: {  	[sflag:s6] =	ssyncadd.s32 $0xFFFFF000  }
0x7b3: {  	_ =	swait.ge [sflag:s6], $0x1000  }
0x7b4: {  	[sflag:s6] =	ssyncset.done $0x0  }
0x7b5: {  	[sflag:s6] =	ssyncadd.s32 $0xFFFFF000  }
0x7b6: {  	_ =	swait.ge [sflag:s6], $0x1000  }
0x7b7: {  	[sflag:s6] =	ssyncset.done $0x0  }
0x7b8: {  	[sflag:s6] =	ssyncadd.s32 $0xFFFFF000  }
0x7b9: {  	_ =	swait.ge [sflag:s6], $0x1000  }
0x7ba: {  	[sflag:s6] =	ssyncset.done $0x0  }
0x7bb: {  	[sflag:s6] =	ssyncadd.s32 $0xFFFFF000  }
0x7bc: {  	_ =	swait.ge [sflag:s6], $0x1000  }
0x7bd: {  	[sflag:s6] =	ssyncset.done $0x0  }
0x7be: {  	[sflag:s6] =	ssyncadd.s32 $0xFFFFF000  }
0x7bf: {  	_ =	swait.ge [sflag:s6], $0x1000  }
0x7c0: {  	[sflag:s6] =	ssyncset.done $0x0  }
0x7c1: {  	[sflag:s6] =	ssyncadd.s32 $0xFFFFF000  }
0x7c2: {  	_ =	swait.ge [sflag:s6], $0x1000  }
0x7c3: {  	[sflag:s6] =	ssyncset.done $0x0  }
0x7c4: {  	[sflag:s6] =	ssyncadd.s32 $0xFFFFF000  }
0x7c5: {  	_ =	swait.ge [sflag:s6], $0x1000  }
0x7c6: {  	[sflag:s6] =	ssyncset.done $0x0  }
0x7c7: {  	[sflag:s6] =	ssyncadd.s32 $0xFFFFF000  }
0x7c8: {  	_ =	swait.ge [sflag:s6], $0x1000  }
0x7c9: {  	[sflag:s6] =	ssyncset.done $0x0  }
0x7ca: {  	s23 =	rddreg [dreg:$0x7];
	[sflag:s6] =	ssyncadd.s32 $0xFFFFF000  }
0x7cb: {  	[hbm4b:s23+s2] =	stream.linear.scatter [tilespmem:s4], [sflag:$0x2], $0x19000, $0x38;
	[tilespmem:$0x1DB00] =	vst v63  }
0x7cc: {  	_ =	swait.ge [sflag:s31], $0x19000  }
0x7cd: {  	[sflag:s31] =	ssyncset.done $0x0  }
0x7ce: {  	s26 =	simm.s32 $0x1900;
	s24 =	sld [smem:$0x79C];
	[sflag:s31] =	ssyncadd.s32 $0xFFFE7000  }
0x7cf: {  	[tilespmem:s4], [sflag:$0x1] =	stream.indirect.gather [hbm4b:s0+s7], $0x20, s26, s7, $0xb8;
	[tilespmem:$0x1DB00] =	vst v63  }
0x7d0: {  	s20 =	simm.s32 $0x5B00;
	s29 =	sld [smem:$0x79D]  }
0x7d1: {  	[tilespmem:s20], [sflag:$0x1] =	stream.indirect.gather [hbm4b:s0+s7], $0x20, s24, s7, $0xb8;
	[tilespmem:$0x1DB00] =	vst v63  }
0x7d2: {  	s19 =	simm.s32 $0x6B00;
	s10 =	sld [smem:$0x79E]  }
0x7d3: {  	[tilespmem:s19], [sflag:$0x1] =	stream.indirect.gather [hbm4b:s0+s7], $0x20, s29, s7, $0xb8;
	[tilespmem:$0x1DB00] =	vst v63  }
0x7d4: {  	s23 =	sld [smem:$0x79F]  }
0x7d5: {  	[tilespmem:s13], [sflag:$0x1] =	stream.indirect.gather [hbm4b:s0+s7], $0x20, s10, s7, $0xb8;
	[tilespmem:$0x1DB00] =	vst v63  }
0x7d6: {  	s24 =	sld [smem:$0x7A0]  }
0x7d7: {  	[tilespmem:s15], [sflag:$0x1] =	stream.indirect.gather [hbm4b:s0+s7], $0x20, s23, s7, $0xb8;
	[tilespmem:$0x1DB00] =	vst v63  }
0x7d8: {  	s29 =	sld [smem:$0x7A1]  }
0x7d9: {  	[tilespmem:s14], [sflag:$0x1] =	stream.indirect.gather [hbm4b:s0+s7], $0x20, s24, s7, $0xb8;
	[tilespmem:$0x1DB00] =	vst v63  }
0x7da: {  	s10 =	sld [smem:$0x7A2]  }
0x7db: {  	[tilespmem:s16], [sflag:$0x1] =	stream.indirect.gather [hbm4b:s0+s7], $0x20, s29, s7, $0xb8;
	[tilespmem:$0x1DB00] =	vst v63  }
0x7dc: {  	s13 =	sld [smem:$0x7A3]  }
0x7dd: {  	[tilespmem:s17], [sflag:$0x1] =	stream.indirect.gather [hbm4b:s0+s7], $0x20, s10, s7, $0xb8;
	[tilespmem:$0x1DB00] =	vst v63  }
0x7de: {  	s14 =	sld [smem:$0x7A4]  }
0x7df: {  	[tilespmem:s18], [sflag:$0x1] =	stream.indirect.gather [hbm4b:s0+s7], $0x20, s13, s7, $0xb8;
	[tilespmem:$0x1DB00] =	vst v63  }
0x7e0: {  	s15 =	sld [smem:$0x7A5];
	s13 =	simm.s32 $0xDB00  }
0x7e1: {  	[tilespmem:s13], [sflag:$0x1] =	stream.indirect.gather [hbm4b:s0+s7], $0x20, s14, s7, $0xb8;
	[tilespmem:$0x1DB00] =	vst v63  }
0x7e2: {  	s16 =	sld [smem:$0x7A6];
	s14 =	simm.s32 $0xEB00  }
0x7e3: {  	[tilespmem:s14], [sflag:$0x1] =	stream.indirect.gather [hbm4b:s0+s7], $0x20, s15, s7, $0xb8;
	[tilespmem:$0x1DB00] =	vst v63  }
0x7e4: {  	s25 =	simm.s32 $0xFB00;
	s17 =	sld [smem:$0x7A7]  }
0x7e5: {  	[tilespmem:s25], [sflag:$0x1] =	stream.indirect.gather [hbm4b:s0+s7], $0x20, s16, s7, $0xb8;
	[tilespmem:$0x1DB00] =	vst v63  }
0x7e6: {  	s28 =	simm.s32 $0x10B00;
	s10 =	sld [smem:$0x7A8]  }
0x7e7: {  	[tilespmem:s28], [sflag:$0x1] =	stream.indirect.gather [hbm4b:s0+s7], $0x20, s17, s7, $0xb8;
	[tilespmem:$0x1DB00] =	vst v63  }
0x7e8: {  	s15 =	sld [smem:$0x7A9]  }
0x7e9: {  	[tilespmem:s11], [sflag:$0x1] =	stream.indirect.gather [hbm4b:s0+s7], $0x20, s10, s7, $0xb8;
	[tilespmem:$0x1DB00] =	vst v63  }
0x7ea: {  	s17 =	sld [smem:$0x7AA]  }
0x7eb: {  	[tilespmem:s12], [sflag:$0x1] =	stream.indirect.gather [hbm4b:s0+s7], $0x20, s15, s7, $0xb8;
	[tilespmem:$0x1DB00] =	vst v63  }
0x7ec: {  	s25 =	sld [smem:$0x7AB]  }
0x7ed: {  	[tilespmem:s3], [sflag:$0x1] =	stream.indirect.gather [hbm4b:s0+s7], $0x20, s17, s7, $0xb8;
	[tilespmem:$0x1DB00] =	vst v63  }
0x7ee: {  	s28 =	sld [smem:$0x7AC]  }
0x7ef: {  	[tilespmem:s1], [sflag:$0x1] =	stream.indirect.gather [hbm4b:s0+s7], $0x20, s25, s7, $0xb8;
	[tilespmem:$0x1DB00] =	vst v63  }
0x7f0: {  	s10 =	simm.s32 $0x15B00;
	s3 =	sld [smem:$0x7AD]  }
0x7f1: {  	[tilespmem:s10], [sflag:$0x1] =	stream.indirect.gather [hbm4b:s0+s7], $0x20, s28, s7, $0xb8;
	[tilespmem:$0x1DB00] =	vst v63  }
0x7f2: {  	s30 =	simm.s32 $0x16B00;
	s11 =	sld [smem:$0x7AE]  }
0x7f3: {  	[tilespmem:s30], [sflag:$0x1] =	stream.indirect.gather [hbm4b:s0+s7], $0x20, s3, s7, $0xb8;
	[tilespmem:$0x1DB00] =	vst v63  }
0x7f4: {  	s12 =	sld [smem:$0x7AF];
	s30 =	simm.s32 $0x17B00  }
0x7f5: {  	[tilespmem:s30], [sflag:$0x1] =	stream.indirect.gather [hbm4b:s0+s7], $0x20, s11, s7, $0xb8;
	[tilespmem:$0x1DB00] =	vst v63  }
0x7f6: {  	s15 =	sld [smem:$0x7B0];
	s11 =	simm.s32 $0x18B00  }
0x7f7: {  	[tilespmem:s11], [sflag:$0x1] =	stream.indirect.gather [hbm4b:s0+s7], $0x20, s12, s7, $0xb8;
	[tilespmem:$0x1DB00] =	vst v63  }
0x7f8: {  	s17 =	sld [smem:$0x7B1];
	s3 =	simm.s32 $0x19B00  }
0x7f9: {  	[tilespmem:s3], [sflag:$0x1] =	stream.indirect.gather [hbm4b:s0+s7], $0x20, s15, s7, $0xb8;
	[tilespmem:$0x1DB00] =	vst v63  }
0x7fa: {  	s25 =	sld [smem:$0x7B2];
	s1 =	simm.s32 $0x1AB00  }
0x7fb: {  	[tilespmem:s1], [sflag:$0x1] =	stream.indirect.gather [hbm4b:s0+s7], $0x20, s17, s7, $0xb8;
	[tilespmem:$0x1DB00] =	vst v63  }
0x7fc: {  	s22 =	simm.s32 $0x1BB00;
	s28 =	sld [smem:$0x7B3]  }
0x7fd: {  	[tilespmem:s22], [sflag:$0x1] =	stream.indirect.gather [hbm4b:s0+s7], $0x20, s25, s7, $0xb8;
	[tilespmem:$0x1DB00] =	vst v63  }
0x7fe: {  	s21 =	simm.s32 $0x1CB00  }
0x7ff: {  	[tilespmem:s21], [sflag:$0x1] =	stream.indirect.gather [hbm4b:s0+s7], $0x20, s28, s7, $0xb8;
	[tilespmem:$0x1DB00] =	vst v63  }
0x800: {  	_ =	swait.ge [sflag:s6], $0x1000  }
0x801: {  	[sflag:s6] =	ssyncset.done $0x0  }
0x802: {  	[sflag:s6] =	ssyncadd.s32 $0xFFFFF000  }
0x803: {  	_ =	swait.ge [sflag:s6], $0x1000  }
0x804: {  	[sflag:s6] =	ssyncset.done $0x0  }
0x805: {  	[sflag:s6] =	ssyncadd.s32 $0xFFFFF000  }
0x806: {  	_ =	swait.ge [sflag:s6], $0x1000  }
0x807: {  	[sflag:s6] =	ssyncset.done $0x0  }
0x808: {  	[sflag:s6] =	ssyncadd.s32 $0xFFFFF000  }
0x809: {  	_ =	swait.ge [sflag:s6], $0x1000  }
0x80a: {  	[sflag:s6] =	ssyncset.done $0x0  }
0x80b: {  	[sflag:s6] =	ssyncadd.s32 $0xFFFFF000  }
0x80c: {  	_ =	swait.ge [sflag:s6], $0x1000  }
0x80d: {  	[sflag:s6] =	ssyncset.done $0x0  }
0x80e: {  	[sflag:s6] =	ssyncadd.s32 $0xFFFFF000  }
0x80f: {  	_ =	swait.ge [sflag:s6], $0x1000  }
0x810: {  	[sflag:s6] =	ssyncset.done $0x0  }
0x811: {  	[sflag:s6] =	ssyncadd.s32 $0xFFFFF000  }
0x812: {  	_ =	swait.ge [sflag:s6], $0x1000  }
0x813: {  	[sflag:s6] =	ssyncset.done $0x0  }
0x814: {  	[sflag:s6] =	ssyncadd.s32 $0xFFFFF000  }
0x815: {  	_ =	swait.ge [sflag:s6], $0x1000  }
0x816: {  	[sflag:s6] =	ssyncset.done $0x0  }
0x817: {  	[sflag:s6] =	ssyncadd.s32 $0xFFFFF000  }
0x818: {  	_ =	swait.ge [sflag:s6], $0x1000  }
0x819: {  	[sflag:s6] =	ssyncset.done $0x0  }
0x81a: {  	[sflag:s6] =	ssyncadd.s32 $0xFFFFF000  }
0x81b: {  	_ =	swait.ge [sflag:s6], $0x1000  }
0x81c: {  	[sflag:s6] =	ssyncset.done $0x0  }
0x81d: {  	[sflag:s6] =	ssyncadd.s32 $0xFFFFF000  }
0x81e: {  	_ =	swait.ge [sflag:s6], $0x1000  }
0x81f: {  	[sflag:s6] =	ssyncset.done $0x0  }
0x820: {  	[sflag:s6] =	ssyncadd.s32 $0xFFFFF000  }
0x821: {  	_ =	swait.ge [sflag:s6], $0x1000  }
0x822: {  	[sflag:s6] =	ssyncset.done $0x0  }
0x823: {  	[sflag:s6] =	ssyncadd.s32 $0xFFFFF000  }
0x824: {  	_ =	swait.ge [sflag:s6], $0x1000  }
0x825: {  	[sflag:s6] =	ssyncset.done $0x0  }
0x826: {  	[sflag:s6] =	ssyncadd.s32 $0xFFFFF000  }
0x827: {  	_ =	swait.ge [sflag:s6], $0x1000  }
0x828: {  	[sflag:s6] =	ssyncset.done $0x0  }
0x829: {  	[sflag:s6] =	ssyncadd.s32 $0xFFFFF000  }
0x82a: {  	_ =	swait.ge [sflag:s6], $0x1000  }
0x82b: {  	[sflag:s6] =	ssyncset.done $0x0  }
0x82c: {  	[sflag:s6] =	ssyncadd.s32 $0xFFFFF000  }
0x82d: {  	_ =	swait.ge [sflag:s6], $0x1000  }
0x82e: {  	[sflag:s6] =	ssyncset.done $0x0  }
0x82f: {  	[sflag:s6] =	ssyncadd.s32 $0xFFFFF000  }
0x830: {  	_ =	swait.ge [sflag:s6], $0x1000  }
0x831: {  	[sflag:s6] =	ssyncset.done $0x0  }
0x832: {  	[sflag:s6] =	ssyncadd.s32 $0xFFFFF000  }
0x833: {  	_ =	swait.ge [sflag:s6], $0x1000  }
0x834: {  	[sflag:s6] =	ssyncset.done $0x0  }
0x835: {  	[sflag:s6] =	ssyncadd.s32 $0xFFFFF000  }
0x836: {  	_ =	swait.ge [sflag:s6], $0x1000  }
0x837: {  	[sflag:s6] =	ssyncset.done $0x0  }
0x838: {  	[sflag:s6] =	ssyncadd.s32 $0xFFFFF000  }
0x839: {  	_ =	swait.ge [sflag:s6], $0x1000  }
0x83a: {  	[sflag:s6] =	ssyncset.done $0x0  }
0x83b: {  	[sflag:s6] =	ssyncadd.s32 $0xFFFFF000  }
0x83c: {  	_ =	swait.ge [sflag:s6], $0x1000  }
0x83d: {  	[sflag:s6] =	ssyncset.done $0x0  }
0x83e: {  	[sflag:s6] =	ssyncadd.s32 $0xFFFFF000  }
0x83f: {  	_ =	swait.ge [sflag:s6], $0x1000  }
0x840: {  	[sflag:s6] =	ssyncset.done $0x0  }
0x841: {  	[sflag:s6] =	ssyncadd.s32 $0xFFFFF000  }
0x842: {  	_ =	swait.ge [sflag:s6], $0x1000  }
0x843: {  	[sflag:s6] =	ssyncset.done $0x0  }
0x844: {  	[sflag:s6] =	ssyncadd.s32 $0xFFFFF000  }
0x845: {  	_ =	swait.ge [sflag:s6], $0x1000  }
0x846: {  	[sflag:s6] =	ssyncset.done $0x0  }
0x847: {  	[sflag:s6] =	ssyncadd.s32 $0xFFFFF000  }
0x848: {  	_ =	swait.ge [sflag:s6], $0x1000  }
0x849: {  	[sflag:s6] =	ssyncset.done $0x0  }
0x84a: {  	s9 =	rddreg [dreg:$0x8];
	[sflag:s6] =	ssyncadd.s32 $0xFFFFF000  }
0x84b: {  	[hbm4b:s9+s2] =	stream.linear.scatter [tilespmem:s4], [sflag:$0x2], $0x19000, $0x38;
	[tilespmem:$0x1DB00] =	vst v63  }
0x84c: {  	_ =	swait.ge [sflag:s31], $0x19000  }
0x84d: {  	s12 =	sld [smem:$0x7B4]  }
0x84e: {  	[sflag:s31] =	ssyncset.done $0x0  }
0x84f: {  	s15 =	sld [smem:$0x7B5];
	[sflag:s31] =	ssyncadd.s32 $0xFFFE7000  }
0x850: {  	[tilespmem:s4], [sflag:$0x1] =	stream.indirect.gather [hbm4b:s0+s7], $0x20, s12, s7, $0xb8;
	[tilespmem:$0x1DB00] =	vst v63  }
0x851: {  	s17 =	sld [smem:$0x7B6]  }
0x852: {  	[tilespmem:s20], [sflag:$0x1] =	stream.indirect.gather [hbm4b:s0+s7], $0x20, s15, s7, $0xb8;
	[tilespmem:$0x1DB00] =	vst v63  }
0x853: {  	s21 =	sld [smem:$0x7B7]  }
0x854: {  	[tilespmem:s19], [sflag:$0x1] =	stream.indirect.gather [hbm4b:s0+s7], $0x20, s17, s7, $0xb8;
	[tilespmem:$0x1DB00] =	vst v63  }
0x855: {  	s28 =	simm.s32 $0x7B00;
	s25 =	sld [smem:$0x7B8]  }
0x856: {  	[tilespmem:s28], [sflag:$0x1] =	stream.indirect.gather [hbm4b:s0+s7], $0x20, s21, s7, $0xb8;
	[tilespmem:$0x1DB00] =	vst v63  }
0x857: {  	s26 =	simm.s32 $0x8B00;
	s17 =	sld [smem:$0x7B9]  }
0x858: {  	[tilespmem:s26], [sflag:$0x1] =	stream.indirect.gather [hbm4b:s0+s7], $0x20, s25, s7, $0xb8;
	[tilespmem:$0x1DB00] =	vst v63  }
0x859: {  	s23 =	simm.s32 $0x9B00;
	s19 =	sld [smem:$0x7BA]  }
0x85a: {  	[tilespmem:s23], [sflag:$0x1] =	stream.indirect.gather [hbm4b:s0+s7], $0x20, s17, s7, $0xb8;
	[tilespmem:$0x1DB00] =	vst v63  }
0x85b: {  	s29 =	simm.s32 $0xAB00;
	s20 =	sld [smem:$0x7BB]  }
0x85c: {  	[tilespmem:s29], [sflag:$0x1] =	stream.indirect.gather [hbm4b:s0+s7], $0x20, s19, s7, $0xb8;
	[tilespmem:$0x1DB00] =	vst v63  }
0x85d: {  	s21 =	sld [smem:$0x7BC];
	s23 =	simm.s32 $0xBB00  }
0x85e: {  	[tilespmem:s23], [sflag:$0x1] =	stream.indirect.gather [hbm4b:s0+s7], $0x20, s20, s7, $0xb8;
	[tilespmem:$0x1DB00] =	vst v63  }
0x85f: {  	s18 =	simm.s32 $0xCB00;
	s26 =	sld [smem:$0x7BD]  }
0x860: {  	[tilespmem:s18], [sflag:$0x1] =	stream.indirect.gather [hbm4b:s0+s7], $0x20, s21, s7, $0xb8;
	[tilespmem:$0x1DB00] =	vst v63  }
0x861: {  	s29 =	sld [smem:$0x7BE]  }
0x862: {  	[tilespmem:s13], [sflag:$0x1] =	stream.indirect.gather [hbm4b:s0+s7], $0x20, s26, s7, $0xb8;
	[tilespmem:$0x1DB00] =	vst v63  }
0x863: {  	s13 =	sld [smem:$0x7BF]  }
0x864: {  	[tilespmem:s14], [sflag:$0x1] =	stream.indirect.gather [hbm4b:s0+s7], $0x20, s29, s7, $0xb8;
	[tilespmem:$0x1DB00] =	vst v63  }
0x865: {  	s24 =	simm.s32 $0xFB00;
	s14 =	sld [smem:$0x7C0]  }
0x866: {  	[tilespmem:s24], [sflag:$0x1] =	stream.indirect.gather [hbm4b:s0+s7], $0x20, s13, s7, $0xb8;
	[tilespmem:$0x1DB00] =	vst v63  }
0x867: {  	s19 =	sld [smem:$0x7C1];
	s24 =	simm.s32 $0x10B00  }
0x868: {  	[tilespmem:s24], [sflag:$0x1] =	stream.indirect.gather [hbm4b:s0+s7], $0x20, s14, s7, $0xb8;
	[tilespmem:$0x1DB00] =	vst v63  }
0x869: {  	s16 =	simm.s32 $0x11B00;
	s26 =	sld [smem:$0x7C2]  }
0x86a: {  	[tilespmem:s16], [sflag:$0x1] =	stream.indirect.gather [hbm4b:s0+s7], $0x20, s19, s7, $0xb8;
	[tilespmem:$0x1DB00] =	vst v63  }
0x86b: {  	s29 =	sld [smem:$0x7C3];
	s19 =	simm.s32 $0x12B00  }
0x86c: {  	[tilespmem:s19], [sflag:$0x1] =	stream.indirect.gather [hbm4b:s0+s7], $0x20, s26, s7, $0xb8;
	[tilespmem:$0x1DB00] =	vst v63  }
0x86d: {  	s24 =	sld [smem:$0x7C4];
	s26 =	simm.s32 $0x13B00  }
0x86e: {  	[tilespmem:s26], [sflag:$0x1] =	stream.indirect.gather [hbm4b:s0+s7], $0x20, s29, s7, $0xb8;
	[tilespmem:$0x1DB00] =	vst v63  }
0x86f: {  	s9 =	sld [smem:$0x7C5];
	s29 =	simm.s32 $0x14B00  }
0x870: {  	[tilespmem:s29], [sflag:$0x1] =	stream.indirect.gather [hbm4b:s0+s7], $0x20, s24, s7, $0xb8;
	[tilespmem:$0x1DB00] =	vst v63  }
0x871: {  	s24 =	sld [smem:$0x7C6]  }
0x872: {  	[tilespmem:s10], [sflag:$0x1] =	stream.indirect.gather [hbm4b:s0+s7], $0x20, s9, s7, $0xb8;
	[tilespmem:$0x1DB00] =	vst v63  }
0x873: {  	s29 =	simm.s32 $0x16B00;
	s9 =	sld [smem:$0x7C7]  }
0x874: {  	[tilespmem:s29], [sflag:$0x1] =	stream.indirect.gather [hbm4b:s0+s7], $0x20, s24, s7, $0xb8;
	[tilespmem:$0x1DB00] =	vst v63  }
0x875: {  	s24 =	sld [smem:$0x7C8]  }
0x876: {  	[tilespmem:s30], [sflag:$0x1] =	stream.indirect.gather [hbm4b:s0+s7], $0x20, s9, s7, $0xb8;
	[tilespmem:$0x1DB00] =	vst v63  }
0x877: {  	s30 =	sld [smem:$0x7C9]  }
0x878: {  	[tilespmem:s11], [sflag:$0x1] =	stream.indirect.gather [hbm4b:s0+s7], $0x20, s24, s7, $0xb8;
	[tilespmem:$0x1DB00] =	vst v63  }
0x879: {  	s11 =	sld [smem:$0x7CA]  }
0x87a: {  	[tilespmem:s3], [sflag:$0x1] =	stream.indirect.gather [hbm4b:s0+s7], $0x20, s30, s7, $0xb8;
	[tilespmem:$0x1DB00] =	vst v63  }
0x87b: {  	s19 =	sld [smem:$0x7CB]  }
0x87c: {  	[tilespmem:s1], [sflag:$0x1] =	stream.indirect.gather [hbm4b:s0+s7], $0x20, s11, s7, $0xb8;
	[tilespmem:$0x1DB00] =	vst v63  }
0x87d: {  	s8 =	sld [smem:$0x7CC];
	s30 =	simm.s32 $0x1BB00  }
0x87e: {  	[tilespmem:s30], [sflag:$0x1] =	stream.indirect.gather [hbm4b:s0+s7], $0x20, s19, s7, $0xb8;
	[tilespmem:$0x1DB00] =	vst v63  }
0x87f: {  	s19 =	simm.s32 $0x1CB00  }
0x880: {  	[tilespmem:s19], [sflag:$0x1] =	stream.indirect.gather [hbm4b:s0+s7], $0x20, s8, s7, $0xb8;
	[tilespmem:$0x1DB00] =	vst v63  }
0x881: {  	_ =	swait.ge [sflag:s6], $0x1000  }
0x882: {  	[sflag:s6] =	ssyncset.done $0x0  }
0x883: {  	[sflag:s6] =	ssyncadd.s32 $0xFFFFF000  }
0x884: {  	_ =	swait.ge [sflag:s6], $0x1000  }
0x885: {  	[sflag:s6] =	ssyncset.done $0x0  }
0x886: {  	[sflag:s6] =	ssyncadd.s32 $0xFFFFF000  }
0x887: {  	_ =	swait.ge [sflag:s6], $0x1000  }
0x888: {  	[sflag:s6] =	ssyncset.done $0x0  }
0x889: {  	[sflag:s6] =	ssyncadd.s32 $0xFFFFF000  }
0x88a: {  	_ =	swait.ge [sflag:s6], $0x1000  }
0x88b: {  	[sflag:s6] =	ssyncset.done $0x0  }
0x88c: {  	[sflag:s6] =	ssyncadd.s32 $0xFFFFF000  }
0x88d: {  	_ =	swait.ge [sflag:s6], $0x1000  }
0x88e: {  	[sflag:s6] =	ssyncset.done $0x0  }
0x88f: {  	[sflag:s6] =	ssyncadd.s32 $0xFFFFF000  }
0x890: {  	_ =	swait.ge [sflag:s6], $0x1000  }
0x891: {  	[sflag:s6] =	ssyncset.done $0x0  }
0x892: {  	[sflag:s6] =	ssyncadd.s32 $0xFFFFF000  }
0x893: {  	_ =	swait.ge [sflag:s6], $0x1000  }
0x894: {  	[sflag:s6] =	ssyncset.done $0x0  }
0x895: {  	[sflag:s6] =	ssyncadd.s32 $0xFFFFF000  }
0x896: {  	_ =	swait.ge [sflag:s6], $0x1000  }
0x897: {  	[sflag:s6] =	ssyncset.done $0x0  }
0x898: {  	[sflag:s6] =	ssyncadd.s32 $0xFFFFF000  }
0x899: {  	_ =	swait.ge [sflag:s6], $0x1000  }
0x89a: {  	[sflag:s6] =	ssyncset.done $0x0  }
0x89b: {  	[sflag:s6] =	ssyncadd.s32 $0xFFFFF000  }
0x89c: {  	_ =	swait.ge [sflag:s6], $0x1000  }
0x89d: {  	[sflag:s6] =	ssyncset.done $0x0  }
0x89e: {  	[sflag:s6] =	ssyncadd.s32 $0xFFFFF000  }
0x89f: {  	_ =	swait.ge [sflag:s6], $0x1000  }
0x8a0: {  	[sflag:s6] =	ssyncset.done $0x0  }
0x8a1: {  	[sflag:s6] =	ssyncadd.s32 $0xFFFFF000  }
0x8a2: {  	_ =	swait.ge [sflag:s6], $0x1000  }
0x8a3: {  	[sflag:s6] =	ssyncset.done $0x0  }
0x8a4: {  	[sflag:s6] =	ssyncadd.s32 $0xFFFFF000  }
0x8a5: {  	_ =	swait.ge [sflag:s6], $0x1000  }
0x8a6: {  	[sflag:s6] =	ssyncset.done $0x0  }
0x8a7: {  	[sflag:s6] =	ssyncadd.s32 $0xFFFFF000  }
0x8a8: {  	_ =	swait.ge [sflag:s6], $0x1000  }
0x8a9: {  	[sflag:s6] =	ssyncset.done $0x0  }
0x8aa: {  	[sflag:s6] =	ssyncadd.s32 $0xFFFFF000  }
0x8ab: {  	_ =	swait.ge [sflag:s6], $0x1000  }
0x8ac: {  	[sflag:s6] =	ssyncset.done $0x0  }
0x8ad: {  	[sflag:s6] =	ssyncadd.s32 $0xFFFFF000  }
0x8ae: {  	_ =	swait.ge [sflag:s6], $0x1000  }
0x8af: {  	[sflag:s6] =	ssyncset.done $0x0  }
0x8b0: {  	[sflag:s6] =	ssyncadd.s32 $0xFFFFF000  }
0x8b1: {  	_ =	swait.ge [sflag:s6], $0x1000  }
0x8b2: {  	[sflag:s6] =	ssyncset.done $0x0  }
0x8b3: {  	[sflag:s6] =	ssyncadd.s32 $0xFFFFF000  }
0x8b4: {  	_ =	swait.ge [sflag:s6], $0x1000  }
0x8b5: {  	[sflag:s6] =	ssyncset.done $0x0  }
0x8b6: {  	[sflag:s6] =	ssyncadd.s32 $0xFFFFF000  }
0x8b7: {  	_ =	swait.ge [sflag:s6], $0x1000  }
0x8b8: {  	[sflag:s6] =	ssyncset.done $0x0  }
0x8b9: {  	[sflag:s6] =	ssyncadd.s32 $0xFFFFF000  }
0x8ba: {  	_ =	swait.ge [sflag:s6], $0x1000  }
0x8bb: {  	[sflag:s6] =	ssyncset.done $0x0  }
0x8bc: {  	[sflag:s6] =	ssyncadd.s32 $0xFFFFF000  }
0x8bd: {  	_ =	swait.ge [sflag:s6], $0x1000  }
0x8be: {  	[sflag:s6] =	ssyncset.done $0x0  }
0x8bf: {  	[sflag:s6] =	ssyncadd.s32 $0xFFFFF000  }
0x8c0: {  	_ =	swait.ge [sflag:s6], $0x1000  }
0x8c1: {  	[sflag:s6] =	ssyncset.done $0x0  }
0x8c2: {  	[sflag:s6] =	ssyncadd.s32 $0xFFFFF000  }
0x8c3: {  	_ =	swait.ge [sflag:s6], $0x1000  }
0x8c4: {  	[sflag:s6] =	ssyncset.done $0x0  }
0x8c5: {  	[sflag:s6] =	ssyncadd.s32 $0xFFFFF000  }
0x8c6: {  	_ =	swait.ge [sflag:s6], $0x1000  }
0x8c7: {  	[sflag:s6] =	ssyncset.done $0x0  }
0x8c8: {  	[sflag:s6] =	ssyncadd.s32 $0xFFFFF000  }
0x8c9: {  	_ =	swait.ge [sflag:s6], $0x1000  }
0x8ca: {  	[sflag:s6] =	ssyncset.done $0x0  }
0x8cb: {  	s11 =	rddreg [dreg:$0x9];
	[sflag:s6] =	ssyncadd.s32 $0xFFFFF000  }
0x8cc: {  	[hbm4b:s11+s2] =	stream.linear.scatter [tilespmem:s4], [sflag:$0x2], $0x19000, $0x38;
	[tilespmem:$0x1DB00] =	vst v63  }
0x8cd: {  	_ =	swait.ge [sflag:s31], $0x19000  }
0x8ce: {  	[sflag:s31] =	ssyncset.done $0x0  }
0x8cf: {  	s9 =	simm.s32 $0x3200;
	s30 =	sld [smem:$0x7CD];
	[sflag:s31] =	ssyncadd.s32 $0xFFFE7000  }
0x8d0: {  	[tilespmem:s4], [sflag:$0x1] =	stream.indirect.gather [hbm4b:s5+s7], $0x20, s9, s7, $0xb8;
	[tilespmem:$0x1DB00] =	vst v63  }
0x8d1: {  	s12 =	simm.s32 $0x5B00;
	s11 =	sld [smem:$0x7CE]  }
0x8d2: {  	[tilespmem:s12], [sflag:$0x1] =	stream.indirect.gather [hbm4b:s5+s7], $0x20, s30, s7, $0xb8;
	[tilespmem:$0x1DB00] =	vst v63  }
0x8d3: {  	s22 =	simm.s32 $0x6B00;
	s30 =	sld [smem:$0x7CF]  }
0x8d4: {  	[tilespmem:s22], [sflag:$0x1] =	stream.indirect.gather [hbm4b:s5+s7], $0x20, s11, s7, $0xb8;
	[tilespmem:$0x1DB00] =	vst v63  }
0x8d5: {  	s15 =	simm.s32 $0x7B00;
	s9 =	sld [smem:$0x7D0]  }
0x8d6: {  	[tilespmem:s15], [sflag:$0x1] =	stream.indirect.gather [hbm4b:s5+s7], $0x20, s30, s7, $0xb8;
	[tilespmem:$0x1DB00] =	vst v63  }
0x8d7: {  	s25 =	simm.s32 $0x8B00;
	s11 =	sld [smem:$0x7D1]  }
0x8d8: {  	[tilespmem:s25], [sflag:$0x1] =	stream.indirect.gather [hbm4b:s5+s7], $0x20, s9, s7, $0xb8;
	[tilespmem:$0x1DB00] =	vst v63  }
0x8d9: {  	s17 =	simm.s32 $0x9B00;
	s15 =	sld [smem:$0x7D2]  }
0x8da: {  	[tilespmem:s17], [sflag:$0x1] =	stream.indirect.gather [hbm4b:s5+s7], $0x20, s11, s7, $0xb8;
	[tilespmem:$0x1DB00] =	vst v63  }
0x8db: {  	s28 =	simm.s32 $0xAB00;
	s17 =	sld [smem:$0x7D3]  }
0x8dc: {  	[tilespmem:s28], [sflag:$0x1] =	stream.indirect.gather [hbm4b:s5+s7], $0x20, s15, s7, $0xb8;
	[tilespmem:$0x1DB00] =	vst v63  }
0x8dd: {  	s20 =	simm.s32 $0xBB00;
	s25 =	sld [smem:$0x7D4]  }
0x8de: {  	[tilespmem:s20], [sflag:$0x1] =	stream.indirect.gather [hbm4b:s5+s7], $0x20, s17, s7, $0xb8;
	[tilespmem:$0x1DB00] =	vst v63  }
0x8df: {  	s18 =	simm.s32 $0xCB00;
	s28 =	sld [smem:$0x7D5]  }
0x8e0: {  	[tilespmem:s18], [sflag:$0x1] =	stream.indirect.gather [hbm4b:s5+s7], $0x20, s25, s7, $0xb8;
	[tilespmem:$0x1DB00] =	vst v63  }
0x8e1: {  	s21 =	simm.s32 $0xDB00;
	s9 =	sld [smem:$0x7D6]  }
0x8e2: {  	[tilespmem:s21], [sflag:$0x1] =	stream.indirect.gather [hbm4b:s5+s7], $0x20, s28, s7, $0xb8;
	[tilespmem:$0x1DB00] =	vst v63  }
0x8e3: {  	s23 =	simm.s32 $0xEB00;
	s15 =	sld [smem:$0x7D7]  }
0x8e4: {  	[tilespmem:s23], [sflag:$0x1] =	stream.indirect.gather [hbm4b:s5+s7], $0x20, s9, s7, $0xb8;
	[tilespmem:$0x1DB00] =	vst v63  }
0x8e5: {  	s8 =	sld [smem:$0x7D8];
	s17 =	simm.s32 $0xFB00  }
0x8e6: {  	[tilespmem:s17], [sflag:$0x1] =	stream.indirect.gather [hbm4b:s5+s7], $0x20, s15, s7, $0xb8;
	[tilespmem:$0x1DB00] =	vst v63  }
0x8e7: {  	s18 =	sld [smem:$0x7D9];
	s15 =	simm.s32 $0x10B00  }
0x8e8: {  	[tilespmem:s15], [sflag:$0x1] =	stream.indirect.gather [hbm4b:s5+s7], $0x20, s8, s7, $0xb8;
	[tilespmem:$0x1DB00] =	vst v63  }
0x8e9: {  	s16 =	simm.s32 $0x11B00;
	s17 =	sld [smem:$0x7DA]  }
0x8ea: {  	[tilespmem:s16], [sflag:$0x1] =	stream.indirect.gather [hbm4b:s5+s7], $0x20, s18, s7, $0xb8;
	[tilespmem:$0x1DB00] =	vst v63  }
0x8eb: {  	s14 =	simm.s32 $0x12B00;
	s18 =	sld [smem:$0x7DB]  }
0x8ec: {  	[tilespmem:s14], [sflag:$0x1] =	stream.indirect.gather [hbm4b:s5+s7], $0x20, s17, s7, $0xb8;
	[tilespmem:$0x1DB00] =	vst v63  }
0x8ed: {  	s13 =	simm.s32 $0x13B00;
	s9 =	sld [smem:$0x7DC]  }
0x8ee: {  	[tilespmem:s13], [sflag:$0x1] =	stream.indirect.gather [hbm4b:s5+s7], $0x20, s18, s7, $0xb8;
	[tilespmem:$0x1DB00] =	vst v63  }
0x8ef: {  	s26 =	simm.s32 $0x14B00;
	s13 =	sld [smem:$0x7DD]  }
0x8f0: {  	[tilespmem:s26], [sflag:$0x1] =	stream.indirect.gather [hbm4b:s5+s7], $0x20, s9, s7, $0xb8;
	[tilespmem:$0x1DB00] =	vst v63  }
0x8f1: {  	s10 =	simm.s32 $0x15B00;
	s14 =	sld [smem:$0x7DE]  }
0x8f2: {  	[tilespmem:s10], [sflag:$0x1] =	stream.indirect.gather [hbm4b:s5+s7], $0x20, s13, s7, $0xb8;
	[tilespmem:$0x1DB00] =	vst v63  }
0x8f3: {  	s26 =	sld [smem:$0x7DF];
	s10 =	simm.s32 $0x16B00  }
0x8f4: {  	[tilespmem:s10], [sflag:$0x1] =	stream.indirect.gather [hbm4b:s5+s7], $0x20, s14, s7, $0xb8;
	[tilespmem:$0x1DB00] =	vst v63  }
0x8f5: {  	s29 =	simm.s32 $0x17B00;
	s14 =	sld [smem:$0x7E0]  }
0x8f6: {  	[tilespmem:s29], [sflag:$0x1] =	stream.indirect.gather [hbm4b:s5+s7], $0x20, s26, s7, $0xb8;
	[tilespmem:$0x1DB00] =	vst v63  }
0x8f7: {  	s24 =	simm.s32 $0x18B00;
	s9 =	sld [smem:$0x7E1]  }
0x8f8: {  	[tilespmem:s24], [sflag:$0x1] =	stream.indirect.gather [hbm4b:s5+s7], $0x20, s14, s7, $0xb8;
	[tilespmem:$0x1DB00] =	vst v63  }
0x8f9: {  	s3 =	simm.s32 $0x19B00;
	s10 =	sld [smem:$0x7E2]  }
0x8fa: {  	[tilespmem:s3], [sflag:$0x1] =	stream.indirect.gather [hbm4b:s5+s7], $0x20, s9, s7, $0xb8;
	[tilespmem:$0x1DB00] =	vst v63  }
0x8fb: {  	s1 =	simm.s32 $0x1AB00;
	s29 =	sld [smem:$0x7E3]  }
0x8fc: {  	[tilespmem:s1], [sflag:$0x1] =	stream.indirect.gather [hbm4b:s5+s7], $0x20, s10, s7, $0xb8;
	[tilespmem:$0x1DB00] =	vst v63  }
0x8fd: {  	s3 =	sld [smem:$0x7E4];
	s9 =	simm.s32 $0x1BB00  }
0x8fe: {  	[tilespmem:s9], [sflag:$0x1] =	stream.indirect.gather [hbm4b:s5+s7], $0x20, s29, s7, $0xb8;
	[tilespmem:$0x1DB00] =	vst v63  }
0x8ff: {  	_ = 	snop  }
0x900: {  	[tilespmem:s19], [sflag:$0x1] =	stream.indirect.gather [hbm4b:s5+s7], $0x20, s3, s7, $0xb8;
	[tilespmem:$0x1DB00] =	vst v63  }
0x901: {  	_ =	swait.ge [sflag:s6], $0x1000  }
0x902: {  	[sflag:s6] =	ssyncset.done $0x0  }
0x903: {  	[sflag:s6] =	ssyncadd.s32 $0xFFFFF000  }
0x904: {  	_ =	swait.ge [sflag:s6], $0x1000  }
0x905: {  	[sflag:s6] =	ssyncset.done $0x0  }
0x906: {  	[sflag:s6] =	ssyncadd.s32 $0xFFFFF000  }
0x907: {  	_ =	swait.ge [sflag:s6], $0x1000  }
0x908: {  	[sflag:s6] =	ssyncset.done $0x0  }
0x909: {  	[sflag:s6] =	ssyncadd.s32 $0xFFFFF000  }
0x90a: {  	_ =	swait.ge [sflag:s6], $0x1000  }
0x90b: {  	[sflag:s6] =	ssyncset.done $0x0  }
0x90c: {  	[sflag:s6] =	ssyncadd.s32 $0xFFFFF000  }
0x90d: {  	_ =	swait.ge [sflag:s6], $0x1000  }
0x90e: {  	[sflag:s6] =	ssyncset.done $0x0  }
0x90f: {  	[sflag:s6] =	ssyncadd.s32 $0xFFFFF000  }
0x910: {  	_ =	swait.ge [sflag:s6], $0x1000  }
0x911: {  	[sflag:s6] =	ssyncset.done $0x0  }
0x912: {  	[sflag:s6] =	ssyncadd.s32 $0xFFFFF000  }
0x913: {  	_ =	swait.ge [sflag:s6], $0x1000  }
0x914: {  	[sflag:s6] =	ssyncset.done $0x0  }
0x915: {  	[sflag:s6] =	ssyncadd.s32 $0xFFFFF000  }
0x916: {  	_ =	swait.ge [sflag:s6], $0x1000  }
0x917: {  	[sflag:s6] =	ssyncset.done $0x0  }
0x918: {  	[sflag:s6] =	ssyncadd.s32 $0xFFFFF000  }
0x919: {  	_ =	swait.ge [sflag:s6], $0x1000  }
0x91a: {  	[sflag:s6] =	ssyncset.done $0x0  }
0x91b: {  	[sflag:s6] =	ssyncadd.s32 $0xFFFFF000  }
0x91c: {  	_ =	swait.ge [sflag:s6], $0x1000  }
0x91d: {  	[sflag:s6] =	ssyncset.done $0x0  }
0x91e: {  	[sflag:s6] =	ssyncadd.s32 $0xFFFFF000  }
0x91f: {  	_ =	swait.ge [sflag:s6], $0x1000  }
0x920: {  	[sflag:s6] =	ssyncset.done $0x0  }
0x921: {  	[sflag:s6] =	ssyncadd.s32 $0xFFFFF000  }
0x922: {  	_ =	swait.ge [sflag:s6], $0x1000  }
0x923: {  	[sflag:s6] =	ssyncset.done $0x0  }
0x924: {  	[sflag:s6] =	ssyncadd.s32 $0xFFFFF000  }
0x925: {  	_ =	swait.ge [sflag:s6], $0x1000  }
0x926: {  	[sflag:s6] =	ssyncset.done $0x0  }
0x927: {  	[sflag:s6] =	ssyncadd.s32 $0xFFFFF000  }
0x928: {  	_ =	swait.ge [sflag:s6], $0x1000  }
0x929: {  	[sflag:s6] =	ssyncset.done $0x0  }
0x92a: {  	[sflag:s6] =	ssyncadd.s32 $0xFFFFF000  }
0x92b: {  	_ =	swait.ge [sflag:s6], $0x1000  }
0x92c: {  	[sflag:s6] =	ssyncset.done $0x0  }
0x92d: {  	[sflag:s6] =	ssyncadd.s32 $0xFFFFF000  }
0x92e: {  	_ =	swait.ge [sflag:s6], $0x1000  }
0x92f: {  	[sflag:s6] =	ssyncset.done $0x0  }
0x930: {  	[sflag:s6] =	ssyncadd.s32 $0xFFFFF000  }
0x931: {  	_ =	swait.ge [sflag:s6], $0x1000  }
0x932: {  	[sflag:s6] =	ssyncset.done $0x0  }
0x933: {  	[sflag:s6] =	ssyncadd.s32 $0xFFFFF000  }
0x934: {  	_ =	swait.ge [sflag:s6], $0x1000  }
0x935: {  	[sflag:s6] =	ssyncset.done $0x0  }
0x936: {  	[sflag:s6] =	ssyncadd.s32 $0xFFFFF000  }
0x937: {  	_ =	swait.ge [sflag:s6], $0x1000  }
0x938: {  	[sflag:s6] =	ssyncset.done $0x0  }
0x939: {  	[sflag:s6] =	ssyncadd.s32 $0xFFFFF000  }
0x93a: {  	_ =	swait.ge [sflag:s6], $0x1000  }
0x93b: {  	[sflag:s6] =	ssyncset.done $0x0  }
0x93c: {  	[sflag:s6] =	ssyncadd.s32 $0xFFFFF000  }
0x93d: {  	_ =	swait.ge [sflag:s6], $0x1000  }
0x93e: {  	[sflag:s6] =	ssyncset.done $0x0  }
0x93f: {  	[sflag:s6] =	ssyncadd.s32 $0xFFFFF000  }
0x940: {  	_ =	swait.ge [sflag:s6], $0x1000  }
0x941: {  	[sflag:s6] =	ssyncset.done $0x0  }
0x942: {  	[sflag:s6] =	ssyncadd.s32 $0xFFFFF000  }
0x943: {  	_ =	swait.ge [sflag:s6], $0x1000  }
0x944: {  	[sflag:s6] =	ssyncset.done $0x0  }
0x945: {  	[sflag:s6] =	ssyncadd.s32 $0xFFFFF000  }
0x946: {  	_ =	swait.ge [sflag:s6], $0x1000  }
0x947: {  	[sflag:s6] =	ssyncset.done $0x0  }
0x948: {  	[sflag:s6] =	ssyncadd.s32 $0xFFFFF000  }
0x949: {  	_ =	swait.ge [sflag:s6], $0x1000  }
0x94a: {  	[sflag:s6] =	ssyncset.done $0x0  }
0x94b: {  	s8 =	rddreg [dreg:$0xa];
	[sflag:s6] =	ssyncadd.s32 $0xFFFFF000  }
0x94c: {  	[hbm4b:s8+s2] =	stream.linear.scatter [tilespmem:s4], [sflag:$0x2], $0x19000, $0x38;
	[tilespmem:$0x1DB00] =	vst v63  }
0x94d: {  	_ =	swait.ge [sflag:s31], $0x19000  }
0x94e: {  	s29 =	sld [smem:$0x7E5]  }
0x94f: {  	[sflag:s31] =	ssyncset.done $0x0  }
0x950: {  	s1 =	sld [smem:$0x7E6];
	[sflag:s31] =	ssyncadd.s32 $0xFFFE7000  }
0x951: {  	[tilespmem:s4], [sflag:$0x1] =	stream.indirect.gather [hbm4b:s5+s7], $0x20, s29, s7, $0xb8;
	[tilespmem:$0x1DB00] =	vst v63  }
0x952: {  	s3 =	sld [smem:$0x7E7];
	s29 =	simm.s32 $0x5B00  }
0x953: {  	[tilespmem:s29], [sflag:$0x1] =	stream.indirect.gather [hbm4b:s5+s7], $0x20, s1, s7, $0xb8;
	[tilespmem:$0x1DB00] =	vst v63  }
0x954: {  	s22 =	simm.s32 $0x6B00;
	s1 =	sld [smem:$0x7E8]  }
0x955: {  	[tilespmem:s22], [sflag:$0x1] =	stream.indirect.gather [hbm4b:s5+s7], $0x20, s3, s7, $0xb8;
	[tilespmem:$0x1DB00] =	vst v63  }
0x956: {  	s12 =	simm.s32 $0x7B00;
	s3 =	sld [smem:$0x7E9]  }
0x957: {  	[tilespmem:s12], [sflag:$0x1] =	stream.indirect.gather [hbm4b:s5+s7], $0x20, s1, s7, $0xb8;
	[tilespmem:$0x1DB00] =	vst v63  }
0x958: {  	s29 =	simm.s32 $0x8B00;
	s22 =	sld [smem:$0x7EA]  }
0x959: {  	[tilespmem:s29], [sflag:$0x1] =	stream.indirect.gather [hbm4b:s5+s7], $0x20, s3, s7, $0xb8;
	[tilespmem:$0x1DB00] =	vst v63  }
0x95a: {  	s11 =	simm.s32 $0x9B00;
	s3 =	sld [smem:$0x7EB]  }
0x95b: {  	[tilespmem:s11], [sflag:$0x1] =	stream.indirect.gather [hbm4b:s5+s7], $0x20, s22, s7, $0xb8;
	[tilespmem:$0x1DB00] =	vst v63  }
0x95c: {  	s30 =	simm.s32 $0xAB00;
	s11 =	sld [smem:$0x7EC]  }
0x95d: {  	[tilespmem:s30], [sflag:$0x1] =	stream.indirect.gather [hbm4b:s5+s7], $0x20, s3, s7, $0xb8;
	[tilespmem:$0x1DB00] =	vst v63  }
0x95e: {  	s20 =	simm.s32 $0xBB00;
	s12 =	sld [smem:$0x7ED]  }
0x95f: {  	[tilespmem:s20], [sflag:$0x1] =	stream.indirect.gather [hbm4b:s5+s7], $0x20, s11, s7, $0xb8;
	[tilespmem:$0x1DB00] =	vst v63  }
0x960: {  	s25 =	simm.s32 $0xCB00;
	s20 =	sld [smem:$0x7EE]  }
0x961: {  	[tilespmem:s25], [sflag:$0x1] =	stream.indirect.gather [hbm4b:s5+s7], $0x20, s12, s7, $0xb8;
	[tilespmem:$0x1DB00] =	vst v63  }
0x962: {  	s21 =	simm.s32 $0xDB00;
	s22 =	sld [smem:$0x7EF]  }
0x963: {  	[tilespmem:s21], [sflag:$0x1] =	stream.indirect.gather [hbm4b:s5+s7], $0x20, s20, s7, $0xb8;
	[tilespmem:$0x1DB00] =	vst v63  }
0x964: {  	s23 =	simm.s32 $0xEB00;
	s25 =	sld [smem:$0x7F0]  }
0x965: {  	[tilespmem:s23], [sflag:$0x1] =	stream.indirect.gather [hbm4b:s5+s7], $0x20, s22, s7, $0xb8;
	[tilespmem:$0x1DB00] =	vst v63  }
0x966: {  	s28 =	simm.s32 $0xFB00;
	s29 =	sld [smem:$0x7F1]  }
0x967: {  	[tilespmem:s28], [sflag:$0x1] =	stream.indirect.gather [hbm4b:s5+s7], $0x20, s25, s7, $0xb8;
	[tilespmem:$0x1DB00] =	vst v63  }
0x968: {  	s30 =	sld [smem:$0x7F2];
	s3 =	simm.s32 $0x10B00  }
0x969: {  	[tilespmem:s3], [sflag:$0x1] =	stream.indirect.gather [hbm4b:s5+s7], $0x20, s29, s7, $0xb8;
	[tilespmem:$0x1DB00] =	vst v63  }
0x96a: {  	s16 =	simm.s32 $0x11B00;
	s11 =	sld [smem:$0x7F3]  }
0x96b: {  	[tilespmem:s16], [sflag:$0x1] =	stream.indirect.gather [hbm4b:s5+s7], $0x20, s30, s7, $0xb8;
	[tilespmem:$0x1DB00] =	vst v63  }
0x96c: {  	s15 =	simm.s32 $0x12B00;
	s12 =	sld [smem:$0x7F4]  }
0x96d: {  	[tilespmem:s15], [sflag:$0x1] =	stream.indirect.gather [hbm4b:s5+s7], $0x20, s11, s7, $0xb8;
	[tilespmem:$0x1DB00] =	vst v63  }
0x96e: {  	s17 =	simm.s32 $0x13B00;
	s16 =	sld [smem:$0x7F5]  }
0x96f: {  	[tilespmem:s17], [sflag:$0x1] =	stream.indirect.gather [hbm4b:s5+s7], $0x20, s12, s7, $0xb8;
	[tilespmem:$0x1DB00] =	vst v63  }
0x970: {  	s18 =	simm.s32 $0x14B00;
	s17 =	sld [smem:$0x7F6]  }
0x971: {  	[tilespmem:s18], [sflag:$0x1] =	stream.indirect.gather [hbm4b:s5+s7], $0x20, s16, s7, $0xb8;
	[tilespmem:$0x1DB00] =	vst v63  }
0x972: {  	s13 =	simm.s32 $0x15B00;
	s20 =	sld [smem:$0x7F7]  }
0x973: {  	[tilespmem:s13], [sflag:$0x1] =	stream.indirect.gather [hbm4b:s5+s7], $0x20, s17, s7, $0xb8;
	[tilespmem:$0x1DB00] =	vst v63  }
0x974: {  	s21 =	sld [smem:$0x7F8];
	s22 =	simm.s32 $0x16B00  }
0x975: {  	[tilespmem:s22], [sflag:$0x1] =	stream.indirect.gather [hbm4b:s5+s7], $0x20, s20, s7, $0xb8;
	[tilespmem:$0x1DB00] =	vst v63  }
0x976: {  	s26 =	simm.s32 $0x17B00;
	s23 =	sld [smem:$0x7F9]  }
0x977: {  	[tilespmem:s26], [sflag:$0x1] =	stream.indirect.gather [hbm4b:s5+s7], $0x20, s21, s7, $0xb8;
	[tilespmem:$0x1DB00] =	vst v63  }
0x978: {  	s24 =	simm.s32 $0x18B00;
	s25 =	sld [smem:$0x7FA]  }
0x979: {  	[tilespmem:s24], [sflag:$0x1] =	stream.indirect.gather [hbm4b:s5+s7], $0x20, s23, s7, $0xb8;
	[tilespmem:$0x1DB00] =	vst v63  }
0x97a: {  	s14 =	simm.s32 $0x19B00;
	s26 =	sld [smem:$0x7FB]  }
0x97b: {  	[tilespmem:s14], [sflag:$0x1] =	stream.indirect.gather [hbm4b:s5+s7], $0x20, s25, s7, $0xb8;
	[tilespmem:$0x1DB00] =	vst v63  }
0x97c: {  	s10 =	simm.s32 $0x1AB00;
	s28 =	sld [smem:$0x7FC]  }
0x97d: {  	[tilespmem:s10], [sflag:$0x1] =	stream.indirect.gather [hbm4b:s5+s7], $0x20, s26, s7, $0xb8;
	[tilespmem:$0x1DB00] =	vst v63  }
0x97e: {  	s29 =	sld [smem:$0x7FD]  }
0x97f: {  	[tilespmem:s9], [sflag:$0x1] =	stream.indirect.gather [hbm4b:s5+s7], $0x20, s28, s7, $0xb8;
	[tilespmem:$0x1DB00] =	vst v63  }
0x980: {  	s19 =	simm.s32 $0x1CB00  }
0x981: {  	[tilespmem:s19], [sflag:$0x1] =	stream.indirect.gather [hbm4b:s5+s7], $0x20, s29, s7, $0xb8;
	[tilespmem:$0x1DB00] =	vst v63  }
0x982: {  	_ =	swait.ge [sflag:s6], $0x1000  }
0x983: {  	[sflag:s6] =	ssyncset.done $0x0  }
0x984: {  	[sflag:s6] =	ssyncadd.s32 $0xFFFFF000  }
0x985: {  	_ =	swait.ge [sflag:s6], $0x1000  }
0x986: {  	[sflag:s6] =	ssyncset.done $0x0  }
0x987: {  	[sflag:s6] =	ssyncadd.s32 $0xFFFFF000  }
0x988: {  	_ =	swait.ge [sflag:s6], $0x1000  }
0x989: {  	[sflag:s6] =	ssyncset.done $0x0  }
0x98a: {  	[sflag:s6] =	ssyncadd.s32 $0xFFFFF000  }
0x98b: {  	_ =	swait.ge [sflag:s6], $0x1000  }
0x98c: {  	[sflag:s6] =	ssyncset.done $0x0  }
0x98d: {  	[sflag:s6] =	ssyncadd.s32 $0xFFFFF000  }
0x98e: {  	_ =	swait.ge [sflag:s6], $0x1000  }
0x98f: {  	[sflag:s6] =	ssyncset.done $0x0  }
0x990: {  	[sflag:s6] =	ssyncadd.s32 $0xFFFFF000  }
0x991: {  	_ =	swait.ge [sflag:s6], $0x1000  }
0x992: {  	[sflag:s6] =	ssyncset.done $0x0  }
0x993: {  	[sflag:s6] =	ssyncadd.s32 $0xFFFFF000  }
0x994: {  	_ =	swait.ge [sflag:s6], $0x1000  }
0x995: {  	[sflag:s6] =	ssyncset.done $0x0  }
0x996: {  	[sflag:s6] =	ssyncadd.s32 $0xFFFFF000  }
0x997: {  	_ =	swait.ge [sflag:s6], $0x1000  }
0x998: {  	[sflag:s6] =	ssyncset.done $0x0  }
0x999: {  	[sflag:s6] =	ssyncadd.s32 $0xFFFFF000  }
0x99a: {  	_ =	swait.ge [sflag:s6], $0x1000  }
0x99b: {  	[sflag:s6] =	ssyncset.done $0x0  }
0x99c: {  	[sflag:s6] =	ssyncadd.s32 $0xFFFFF000  }
0x99d: {  	_ =	swait.ge [sflag:s6], $0x1000  }
0x99e: {  	[sflag:s6] =	ssyncset.done $0x0  }
0x99f: {  	[sflag:s6] =	ssyncadd.s32 $0xFFFFF000  }
0x9a0: {  	_ =	swait.ge [sflag:s6], $0x1000  }
0x9a1: {  	[sflag:s6] =	ssyncset.done $0x0  }
0x9a2: {  	[sflag:s6] =	ssyncadd.s32 $0xFFFFF000  }
0x9a3: {  	_ =	swait.ge [sflag:s6], $0x1000  }
0x9a4: {  	[sflag:s6] =	ssyncset.done $0x0  }
0x9a5: {  	[sflag:s6] =	ssyncadd.s32 $0xFFFFF000  }
0x9a6: {  	_ =	swait.ge [sflag:s6], $0x1000  }
0x9a7: {  	[sflag:s6] =	ssyncset.done $0x0  }
0x9a8: {  	[sflag:s6] =	ssyncadd.s32 $0xFFFFF000  }
0x9a9: {  	_ =	swait.ge [sflag:s6], $0x1000  }
0x9aa: {  	[sflag:s6] =	ssyncset.done $0x0  }
0x9ab: {  	[sflag:s6] =	ssyncadd.s32 $0xFFFFF000  }
0x9ac: {  	_ =	swait.ge [sflag:s6], $0x1000  }
0x9ad: {  	[sflag:s6] =	ssyncset.done $0x0  }
0x9ae: {  	[sflag:s6] =	ssyncadd.s32 $0xFFFFF000  }
0x9af: {  	_ =	swait.ge [sflag:s6], $0x1000  }
0x9b0: {  	[sflag:s6] =	ssyncset.done $0x0  }
0x9b1: {  	[sflag:s6] =	ssyncadd.s32 $0xFFFFF000  }
0x9b2: {  	_ =	swait.ge [sflag:s6], $0x1000  }
0x9b3: {  	[sflag:s6] =	ssyncset.done $0x0  }
0x9b4: {  	[sflag:s6] =	ssyncadd.s32 $0xFFFFF000  }
0x9b5: {  	_ =	swait.ge [sflag:s6], $0x1000  }
0x9b6: {  	[sflag:s6] =	ssyncset.done $0x0  }
0x9b7: {  	[sflag:s6] =	ssyncadd.s32 $0xFFFFF000  }
0x9b8: {  	_ =	swait.ge [sflag:s6], $0x1000  }
0x9b9: {  	[sflag:s6] =	ssyncset.done $0x0  }
0x9ba: {  	[sflag:s6] =	ssyncadd.s32 $0xFFFFF000  }
0x9bb: {  	_ =	swait.ge [sflag:s6], $0x1000  }
0x9bc: {  	[sflag:s6] =	ssyncset.done $0x0  }
0x9bd: {  	[sflag:s6] =	ssyncadd.s32 $0xFFFFF000  }
0x9be: {  	_ =	swait.ge [sflag:s6], $0x1000  }
0x9bf: {  	[sflag:s6] =	ssyncset.done $0x0  }
0x9c0: {  	[sflag:s6] =	ssyncadd.s32 $0xFFFFF000  }
0x9c1: {  	_ =	swait.ge [sflag:s6], $0x1000  }
0x9c2: {  	[sflag:s6] =	ssyncset.done $0x0  }
0x9c3: {  	[sflag:s6] =	ssyncadd.s32 $0xFFFFF000  }
0x9c4: {  	_ =	swait.ge [sflag:s6], $0x1000  }
0x9c5: {  	[sflag:s6] =	ssyncset.done $0x0  }
0x9c6: {  	[sflag:s6] =	ssyncadd.s32 $0xFFFFF000  }
0x9c7: {  	_ =	swait.ge [sflag:s6], $0x1000  }
0x9c8: {  	[sflag:s6] =	ssyncset.done $0x0  }
0x9c9: {  	[sflag:s6] =	ssyncadd.s32 $0xFFFFF000  }
0x9ca: {  	_ =	swait.ge [sflag:s6], $0x1000  }
0x9cb: {  	[sflag:s6] =	ssyncset.done $0x0  }
0x9cc: {  	s30 =	rddreg [dreg:$0xb];
	[sflag:s6] =	ssyncadd.s32 $0xFFFFF000  }
0x9cd: {  	[hbm4b:s30+s2] =	stream.linear.scatter [tilespmem:s4], [sflag:$0x2], $0x19000, $0x38;
	[tilespmem:$0x1DB00] =	vst v63  }
0x9ce: {  	_ =	swait.ge [sflag:s31], $0x19000  }
0x9cf: {  	[sflag:s31] =	ssyncset.done $0x0  }
0x9d0: {  	[sflag:s31] =	ssyncadd.s32 $0xFFFE7000  }
0x9d1: {  	_ =	sfence.sel $0x180000  }
0x9d2: {  	[bflag:$0x0] =	sbarrier.arrive $0xFFFF  }
0x9d3: {  	_ =	strace $0x90000047  }
0x9d4: {  	s31 =	stileid.u32;
	[bflag:$0x2] =	sbarrier.arrive $0xFFFF  }
0x9d5: {  	p0 =	sne.s32 s31, $0x0;
	s0 =	rddreg [dreg:$0x2]  }
0x9d6: {  	s0 =	sadd.s32 @!p0 $0x100000, s0  }
0x9d7: {  	[sflag:s0] =	ssyncadd.tile.s32 @!p0 $0x1;
	_ =	shalt  }
.LBB2_2:
.Ltmp3:
0x9d8: {  	(pc) =	sbr.rel .LBB2_5-.Ltmp3, $2  }
0x9d9: {  	_ =	sdelay $0x2  }
0x9da: {  	s30 =	simm.s32 $0x3200;
	s12 =	simm.s32 $0x1900  }
.Lfunc_end2:
_tile_overlayer_lowered:
.L_overlay_start_2:
0x9db: {  	(tag) =	ssettag $0x2  }
0x9dc: {  	s0 =	rddreg [dreg:$0x0];
	s2 =	stileid.u32  }
0x9dd: {  	s1 =	rddreg [dreg:$0x1];
	p0 =	sne.s32 s2, $0x0  }
0x9de: {  	s3 =	rddreg [dreg:$0x2];
	[bflag:$0x3] =	sbarrier.arrive $0xFFFF;
	s2 =	simm.s32 @!p0 $0x1C02  }
0x9df: {  	[timem:s3], [sflag:s2] =	dma.local @!p0 [hbm:s0], s1  }
0x9e0: {  	s0 =	simm.s32 @!p0 $0x2  }
0x9e1: {  	_ =	swait.ge @!p0 [sflag:s0], s1  }
0x9e2: {  	s1 =	ssub.s32 @!p0 $0x0, s1;
	[sflag:s0] =	ssyncset.done @!p0 $0x0  }
0x9e3: {  	[sflag:s0] =	ssyncadd.s32 @!p0 s1  }
0x9e4: {  	[bflag:$0x3] =	sbarrier.arrive $0xFFFF  }
0x9e5: {  	_ =	shalt  }

// kernel: sparse-core-data-format-call.cloned.1.call-start
scs
called_computation_lowered:
.L_overlay_start_0:
0x0: {  	s2 =	sld [smem:$0x3FD9]  }
0x1: {  	s3 =	sld [smem:$0x3FFE];
	_ =	sdelay $0x1  }
0x2: {  	s1 =	srdreg.scid  }
0x3: {  	s0 =	sand.u32 $0x1, s1  }
0x4: {  	s18 =	sshll.u32 s0, $0xA;
	s2 =	sadd.s32 s3, s2  }
0x5: {  	s2 =	sadd.s32 s2, s18  }
0x6: {  	[smem:$0x3FC3] =	sst s2  }
0x7: {  	_ = 	snop  }
0x8: {  	s2 =	sld [smem:$0x3FD0];
	(tm) =	ssettm $0x1  }
0x9: {  	s19 =	sld [smem:$0x3FFB];
	_ =	sdelay $0x3  }
0xa: {  	_ =	strace s19  }
0xb: {  	s3 =	sld [smem:$0x3FFC];
	_ =	sdelay $0x3  }
0xc: {  	_ =	strace s3  }
0xd: {  	s3 =	sld [smem:$0x3FFD];
	_ =	sdelay $0x3  }
0xe: {  	_ =	strace s3  }
0xf: {  	_ =	strace $0x8FFFFFFF  }
0x10: {  	s20 =	sld [smem:$0x3FDB];
	_ =	sdelay $0x1  }
0x11: {  	s4 =	simm.s32 $_scs_section_size  }
0x12: {  	s5 =	simm.s32 $_size__tile_overlayer_lowered;
	s6 =	simm.s32 $_tile_overlayer_lowered  }
0x13: {  	s23 =	simm.s32 $0x1BFF;
	s22 =	sshll.u32 s6, $0x1;
	s3 =	sadd.s32 s4, s20  }
0x14: {  	s7 =	simm.s32 $0x0;
	s21 =	sshll.u32 s5, $0x1;
	s5 =	sadd.s32 s22, s3  }
0x15: {  	[timem:s7], [sflag:s23] =	dma.local [hbm:s5], s21  }
0x16: {  	_ =	swait.ge [sflag:s23], s21  }
0x17: {  	s4 =	ssub.s32 $0x0, s21;
	[sflag:s23] =	ssyncset.done $0x0  }
0x18: {  	[sflag:s23] =	ssyncadd.s32 s4;
	_ =	sdelay $0x1  }
0x19: {  	s24 =	simm.s32 $0x1B8B  }
0x1a: {  	_ =	swait.ge [sflag:s24], $0x1  }
0x1b: {  	[sflag:s24] =	ssyncset.done $0x0  }
0x1c: {  	s26 =	simm.s32 $0x1B8E;
	s25 =	sld [smem:$0x3FFE];
	[sflag:s24] =	ssyncadd.s32 $0xFFFFFFFF  }
0x1d: {  	s27 =	simm.s32 $execute0_lowered;
	[smem:$0x3FD2] =	sst s26  }
0x1e: {  	s5 =	sshll.u32 s27, $0x1;
	_ =	strace $0x80000049;
	[dreg:$0x1] =	wrdreg $0xFFFFFFFF  }
0x1f: {  	s28 =	simm.s32 $_size_execute0_lowered;
	s3 =	sadd.s32 s3, s5;
	[dreg:$0x0] =	wrdreg $0x0  }
0x20: {  	s5 =	sshll.u32 s28, $0x1;
	[dreg:$0x2] =	wrdreg s3  }
0x21: {  	[dreg:$0x3] =	wrdreg s5  }
0x22: {  	[dreg:$0x4] =	wrdreg $0xC0  }
0x23: {  	_ =	task [dreg:s7], $0x5FFFF  }
0x24: {  	[dreg:$0x1] =	wrdreg $0xFFFFFFFF  }
0x25: {  	[dreg:$0x0] =	wrdreg $0x60  }
0x26: {  	[dreg:$0x2] =	wrdreg s25  }
0x27: {  	[dreg:$0x3] =	wrdreg s2  }
0x28: {  	[dreg:$0x4] =	wrdreg $0x9  }
0x29: {  	_ =	task.clear_ibuf [dreg:s7], $0x5FFFF;
	_ =	strace $0x90000049  }
0x2a: {  	s29 =	simm.s32 $0x9;
	_ =	strace $0x8000004B  }
0x2b: {  	_ =	swait.ge [sflag:s29], $0x1  }
0x2c: {  	[sflag:s29] =	ssyncadd.s32 $0xFFFFFFFF  }
0x2d: {  	_ =	strace $0x9000004B  }
0x2e: {  	_ =	sfence  }
0x2f: {  	s30 =	sld [smem:$0x0];
	_ =	sdelay $0x2  }
0x30: {  	s31 =	sshll.u32 s1, $0xD;
	s1 =	sshrl.u32 s1, $0x2  }
0x31: {  	s3 =	sand.u32 $0x4000, s31;
	s1 =	sadd.s32 s1, s30  }
0x32: {  	s0 =	sor.u32 s3, s0;
	s1 =	sshll.u32 s1, $0x11  }
0x33: {  	s0 =	sor.u32 s1, s0  }
0x34: {  	s0 =	sadd.s32 $0x8F2B, s0  }
0x35: {  	[sflag:s0] =	ssyncadd.remote.s32 $0x1  }
0x36: {  	_ =	sfence.sel $0xFFFF  }
0x37: {  	[dreg:$0x0] =	wrdreg $0xFFFFFFFF;
	(pc) =	sbr.abs _section_cstart, $3  }
0x38: {  	[dreg:$0x1] =	wrdreg $0xFFFFFFFF  }
0x39: {  	_ =	task.clear_ibuf [dreg:s7], $0x2FFFF;
	_ =	strace $0x9FFFFFFF  }
0x3a: {  	(tm) =	ssettm $0x7FFFFFFF  }
0x3b: {  	_ =	shalt  }
tec
execute0_lowered:
.L_overlay_start_1:
0x0: {  	(tag) =	ssettag $0x1  }
0x1: {  	s0 =	srdreg.scid  }
0x2: {  	s1 =	sshll.u32 s0, $0x4  }
0x3: {  	s0 =	stileid.u32;
	s1 =	sand.u32 $0x10, s1  }
0x4: {  	s1 =	sor.u32 s0, s1  }
0x5: {  	s6 =	rddreg [dreg:$0x0];
	s4 =	simm.s32 $0x1;
	s2 =	sshll.u32 s1, $0x7  }
0x6: {  	s7 =	simm.s32 $0x2;
	s12 =	simm.s32 $0x0;
	s1 =	ssub.s32 $0x1000, s2  }
0x7: {  	s8 =	simm.s32 $0x8000;
	s13 =	simm.s32 $0x0;
	s3 =	sand.u32 $0xF80, s1  }
0x8: {  	s9 =	simm.s32 $0x0;
	s5 =	sshrl.u32 s1, $0xC;
	p0 =	sne.s32 s3, $0x0  }
.Ltmp0:
0x9: {  	s1 =	rddreg [dreg:$0x2];
	s4 =	simm.s32 @!p0 $0x0;
	(pc) =	sbr.rel .LBB1_1-.Ltmp0, $4  }
0xa: {  	s11 =	simm.s32 $0x0;
	s3 =	rddreg [dreg:$0x1];
	s5 =	sadd.s32 s4, s5  }
0xb: {  	_ =	strace $0x8000004A;
	s4 =	simm.s32 $0x1;
	s5 =	smul.u32 $0x32, s5  }
0xc: {  	s6 =	sadd.s32 $0x1800, s6;
	s10 =	smov.u32 s2;
	[sflag:s4] =	ssyncpa.u1 $0x0  }
0xd: {  	p0 =	por $0x0, $0x0;
	[sflag:s7] =	ssyncpa.u1 $0x0;
	s7 =	sor.u32 $0x1, s5  }
.LBB1_4:
0xe: {  	s16 =	sshll.u32 s13, $0x3;
	s17 =	sand.u32 $0x78, s13  }
0xf: {  	s30 =	sand.u32 $0x7E00, s13;
	s12 =	sshll.u32 s12, $0xF;
	s16 =	sand.u32 $0xC00, s16  }
0x10: {  	[tilespmem:s15+$0x810 ss:$0x81] =	vst.msk $0xffff, v2;
	s31 =	sand.u32 $0x7, s13;
	s16 =	sor.u32 s17, s16;
	s17 =	sadd.s32 s3, s30  }
0x11: {  	[tilespmem:s15+$0x1020 ss:$0x81] =	vst.msk $0xffff, v0;
	s13 =	sshll.u32 s31, $0x12;
	s12 =	sadd.s32 s12, s17;
	s16 =	sshrl.u32 s16, $0x3  }
0x12: {  	[tilespmem:s15+$0x0 ss:$0x81] =	vst.msk $0xffff, v1;
	s13 =	sor.u32 $0x400, s13;
	s12 =	sadd.s32 s16, s12  }
0x13: {  	[hbm4b:s12+s13] =	stream.strided.scatter [tilespmem:s14], [sflag:$0x2], $0x2000, s8, s13, $0x20;
	[tilespmem:$0x8080] =	vst v63  }
.LBB1_5:
0x14: {  	s14 =	sadd.s32 $0x1, s9  }
0x15: {  	s12 =	sadd.s32 $0x1000, s10;
	s16 =	smov.u32 s10;
	p2 =	sgt.s32 s14, $0x31  }
0x16: {  	s16 =	smov.u32 @p2 s12  }
0x17: {  	s14 =	simm.s32 @p2 $0x0;
	p2 =	sgt.s32 s16, $0xFFF  }
0x18: {  	s16 =	smov.u32 @p2 s2;
	p2 =	sne.s32 s11, s7  }
.Ltmp1:
0x19: {  	p1 =	slt.u32 s11, $0x2;
	(pc) =	sbr.rel @!p2 .LBB1_6-.Ltmp1, $4  }
0x1a: {  	s15 =	simm.s32 @!p1 $0x2  }
0x1b: {  	s13 =	smov.u32 s10;
	p0 =	por !p0, !p0;
	_ =	swait.ge @!p1 [sflag:s15], $0x2000  }
0x1c: {  	s12 =	smov.u32 s9;
	[sflag:s15] =	ssyncset.done @!p1 $0x0;
	s9 =	smov.u32 s14  }
0x1d: {  	s11 =	sadd.s32 $0x1, s11;
	[sflag:s15] =	ssyncadd.s32 @!p1 $0xFFFFE000;
	s10 =	smov.u32 s16  }
.LBB1_1:
0x1e: {  	p1 =	sge.u32 s11, s5  }
0x1f: {  	s14 =	sand.u32 @!p1 $0x1FFFFFF, s9  }
0x20: {  	s15 =	smulhi.u32 @!p1 $0x4924925, s14;
	_ =	sdelay $0x1  }
0x21: {  	s15 =	smul.u32 @!p1 $0x38, s15  }
0x22: {  	s16 =	sxor.u32 @!p1 $0xFFFFFFFF, s11;
	s17 =	smul.u32 @!p1 $0x380, s10  }
0x23: {  	s31 =	sadd.s32 $0xFFFFFFFF, s11;
	s16 =	sshll.u32 @!p1 s16, $0xD;
	s14 =	ssub.s32 @!p1 s14, s15  }
0x24: {  	s15 =	sand.u32 @!p1 $0x2000, s16;
	s16 =	sadd.s32 @!p1 s6, s17;
	s14 =	sshll.u32 @!p1 s14, $0x4  }
0x25: {  	s17 =	simm.s32 @!p1 $0x1C00;
	s14 =	sadd.s32 @!p1 s14, s16;
	s16 =	simm.s32 @!p1 $0x40  }
0x26: {  	[tilespmem:s15], [sflag:$0x1] =	stream.strided.gather @!p1 [hbm4b:s14+s16], $0x2000, s17, s16, $0x38;
	[tilespmem:$0x8080] =	vst v63  }
0x27: {  	p1 =	sge.u32 s31, s5  }
.Ltmp2:
0x28: {  	_ = 	snop;
	(pc) =	sbr.rel @p1 .LBB1_5-.Ltmp2, $1  }
0x29: {  	_ =	sdelay $0x3  }
0x2a: {  	s14 =	simm.s32 $0x1  }
0x2b: {  	_ =	swait.ge [sflag:s4], $0x2000;
	s14 =	simm.s32 @!p0 $0x0  }
0x2c: {  	[sflag:s4] =	ssyncset.done $0x0;
	s15 =	sshll.u32 s14, $0xD  }
0x2d: {  	[sflag:s4] =	ssyncadd.s32 $0xFFFFE000;
	s18 =	sor.u32 $0x20, s15  }
0x2e: {  	s14 =	smul.u32 $0x8100, s14;
	v3 =	vld [tilespmem:s18+$0x10]  }
0x2f: {  	s30 =	sand.u32 $0x1, s11;
	v2 =	vld [tilespmem:s18+$0xFFFFFFF0]  }
0x30: {  	s15 =	smul.u32 $0x8100, s30;
	s14 =	sshrl.u32 s14, $0x2;
	v0 =	vld [tilespmem:s18+$0x0]  }
0x31: {  	v1 =	vld [tilespmem:s18+$0xFFFFFFE0];
	s16 =	sor.u32 $0x4000, s14  }
0x32: {  	s31 =	sshrl.u32 s15, $0x2;
	s15 =	sadd.s32 $0x0, s16  }
0x33: {  	s17 =	simm.s32 $0x4;
	s18 =	sadd.s32 $0x40, s18;
	s14 =	sor.u32 $0x4000, s31;
	[tilespmem:s15+$0x1830 ss:$0x81] =	vst.msk $0xffff, v3  }
.LBB1_3:
0x34: {  	v3 =	vld [tilespmem:s18+$0x10];
	p1 =	sne.s32 s17, $0x1FC;
	[tilespmem:s15+$0x810 ss:$0x81] =	vst.msk $0xffff, v2;
	s19 =	smov.u32 s17;
	s17 =	sadd.s32 $0x4, s17  }
.Ltmp3:
0x35: {  	v2 =	vld [tilespmem:s18+$0xFFFFFFF0];
	[tilespmem:s15+$0x1020 ss:$0x81] =	vst.msk $0xffff, v0;
	(pc) =	sbr.rel @p1 .LBB1_3-.Ltmp3, $4  }
0x36: {  	v0 =	vld [tilespmem:s18+$0x0];
	[tilespmem:s15+$0x0 ss:$0x81] =	vst.msk $0xffff, v1  }
0x37: {  	s15 =	sshra.s32 s19, $0x2;
	v1 =	vld [tilespmem:s18+$0xFFFFFFE0]  }
0x38: {  	s15 =	sadd.s32 s15, s16  }
0x39: {  	s18 =	sadd.s32 $0x40, s18;
	[tilespmem:s15+$0x1830 ss:$0x81] =	vst.msk $0xffff, v3  }
.Ltmp4:
0x3a: {  	_ = 	snop;
	(pc) =	sbr.rel .LBB1_4-.Ltmp4, $1  }
0x3b: {  	_ =	sdelay $0x3  }
.LBB1_6:
0x3c: {  	_ =	sfence.sel $0x180000  }
0x3d: {  	s2 =	simm.s32 $0x1;
	[bflag:$0x0] =	sbarrier.arrive $0xFFFF  }
0x3e: {  	s31 =	simm.s32 $0x2;
	[sflag:s2] =	ssyncpa.u1 $0x1  }
0x3f: {  	[sflag:s31] =	ssyncpa.u1 $0x1  }
0x40: {  	p0 =	sne.s32 s0, $0x0;
	_ =	strace $0x9000004A  }
0x41: {  	s0 =	sadd.s32 @!p0 $0x100000, s1;
	[bflag:$0x2] =	sbarrier.arrive $0xFFFF  }
0x42: {  	[sflag:s0] =	ssyncadd.tile.s32 @!p0 $0x1;
	_ =	shalt  }
.Lfunc_end1:
_tile_overlayer_lowered:
.L_overlay_start_2:
0x43: {  	(tag) =	ssettag $0x2  }
0x44: {  	s0 =	rddreg [dreg:$0x0];
	s2 =	stileid.u32  }
0x45: {  	s1 =	rddreg [dreg:$0x1];
	p0 =	sne.s32 s2, $0x0  }
0x46: {  	s3 =	rddreg [dreg:$0x2];
	[bflag:$0x3] =	sbarrier.arrive $0xFFFF;
	s2 =	simm.s32 @!p0 $0x1C01  }
0x47: {  	[timem:s3], [sflag:s2] =	dma.local @!p0 [hbm:s0], s1  }
0x48: {  	s0 =	simm.s32 @!p0 $0x1  }
0x49: {  	_ =	swait.ge @!p0 [sflag:s0], s1  }
0x4a: {  	s1 =	ssub.s32 @!p0 $0x0, s1;
	[sflag:s0] =	ssyncset.done @!p0 $0x0  }
0x4b: {  	[sflag:s0] =	ssyncadd.s32 @!p0 s1  }
0x4c: {  	[bflag:$0x3] =	sbarrier.arrive $0xFFFF  }
0x4d: {  	_ =	shalt  }

</sc_bundles>
